<compile_context>
chip_gen: v7x
topology: tpu7x:2x2x1
jax: 0.10.2.dev20260603
libtpu: 0.0.44.dev20260713+nightly
codegen_flags: <defaults>
</compile_context>

<pallas_src>
import functools

import jax
import jax.numpy as jnp
from jax import lax
from jax.experimental import pallas as pl
from jax.experimental.pallas import tpu as pltpu
from jax.experimental.pallas import tpu_sc as plsc

MAX_FRAMES = 256
DIM = 1536
LANES = 16
NBUF = 8
SUB = 4
LOOKAHEAD = 4
REP = 8


@functools.cache
def _num_workers():
    try:
        info = plsc.get_sparse_core_info()
        return int(info.num_cores), int(info.num_subcores)
    except Exception:
        return 2, 16


@functools.cache
def _build(batch, seq):
    nc, ns = _num_workers()
    nw = nc * ns
    bpw = batch // nw
    mesh = plsc.VectorSubcoreMesh(core_axis_name="c", subcore_axis_name="s")

    @functools.partial(
        pl.kernel,
        mesh=mesh,
        out_type=jax.ShapeDtypeStruct((seq, batch, DIM), jnp.float32),
        scratch_types=[
            pltpu.VMEM((seq, bpw), jnp.int32),
            [pltpu.VMEM((bpw // SUB, DIM), jnp.float32) for _ in range(NBUF)],
            [pltpu.SemaphoreType.DMA for _ in range(NBUF)],
            [pltpu.SemaphoreType.DMA for _ in range(NBUF)],
        ],
    )
    def emb_kernel(table_hbm, idx_hbm, out_hbm, idx_v, rows, gsem, osem):
        wid = lax.axis_index("s") * nc + lax.axis_index("c")
        pltpu.sync_copy(idx_hbm.at[wid], idx_v)
        rep_off = (wid % REP) * MAX_FRAMES

        def clamp_row(j, carry):
            for k in range(bpw // LANES):
                v = idx_v[j, pl.ds(k * LANES, LANES)]
                v = jnp.minimum(jnp.maximum(v, 0), MAX_FRAMES - 1)
                idx_v[j, pl.ds(k * LANES, LANES)] = v + rep_off
            return carry

        lax.fori_loop(0, seq, clamp_row, 0)

        base = wid * bpw
        w = bpw // SUB
        n_sub = seq * SUB

        def src_idx(m):
            return idx_v.at[m // SUB, pl.ds((m % SUB) * w, w)]

        def out_slice(m):
            return out_hbm.at[m // SUB, pl.ds(base + (m % SUB) * w, w)]

        def start_gather(m, b):
            pltpu.async_copy(table_hbm.at[src_idx(m)], rows[b], gsem[b])

        def wait_gather(m, b):
            pltpu.make_async_copy(table_hbm.at[src_idx(m)], rows[b], gsem[b]).wait()

        def start_out(m, b):
            pltpu.async_copy(rows[b], out_slice(m), osem[b])

        def wait_out(m, b):
            pltpu.make_async_copy(rows[b], out_slice(m), osem[b]).wait()

        for m in range(LOOKAHEAD):
            start_gather(m, m % NBUF)
        for m in range(LOOKAHEAD):
            wait_gather(m, m % NBUF)
            start_out(m, m % NBUF)
            start_gather(m + LOOKAHEAD, (m + LOOKAHEAD) % NBUF)

        def body(mm, carry):
            for r in range(NBUF):
                m = LOOKAHEAD + mm * NBUF + r
                b = (LOOKAHEAD + r) % NBUF
                wait_gather(m, b)
                start_out(m, b)
                wait_out(m - LOOKAHEAD, (b - LOOKAHEAD) % NBUF)
                start_gather(m + LOOKAHEAD, (b + LOOKAHEAD) % NBUF)
            return carry

        lax.fori_loop(0, (n_sub - 2 * LOOKAHEAD) // NBUF, body, 0)

        for m in range(n_sub - LOOKAHEAD, n_sub):
            b = m % NBUF
            wait_gather(m, b)
            start_out(m, b)
            wait_out(m - LOOKAHEAD, (b - LOOKAHEAD) % NBUF)
        for m in range(n_sub - LOOKAHEAD, n_sub):
            wait_out(m, m % NBUF)

    return emb_kernel


def kernel(frame_indices, time_emb_weight):
    batch, seq = frame_indices.shape
    nc, ns = _num_workers()
    nw = nc * ns
    bpw = batch // nw
    idx = frame_indices.astype(jnp.int32).T.reshape(seq, nw, bpw)
    idx = idx.transpose(1, 0, 2)
    table = jnp.tile(time_emb_weight, (REP, 1))
    out = _build(batch, seq)(table, idx)
    return out.transpose(1, 0, 2)

# --- scband reference (transcript-rebuilt; emitter-appended) ---
"""Pipeline reference for scband-video-time-embedding-37503654429469 (READ-ONLY COPY).

The authoritative reference and input builder live on the scoring server;
editing this copy changes nothing except your own understanding.
"""

import jax, jax.numpy as jnp
import numpy as np

MAX_FRAMES = 256
DIM = 1536

def setup_inputs(seed: int = 0) -> dict:
    key = jax.random.key(seed)
    k1, k2 = jax.random.split(key)
    frame_indices = jax.random.randint(k1, (1024, 50), 0, MAX_FRAMES, dtype=jnp.int64)
    # learned embedding table, init normal std=0.02 per module
    time_emb_weight = jax.random.normal(k2, (MAX_FRAMES, DIM), dtype=jnp.float32) * 0.02
    return {"frame_indices": frame_indices, "time_emb_weight": time_emb_weight}

def reference(frame_indices, time_emb_weight):
    # clamp indices to [0, max_frames-1]
    idx = jnp.clip(frame_indices, 0, MAX_FRAMES - 1)
    # embedding lookup -> [B, T, dim]
    vte = jnp.take(time_emb_weight, idx, axis=0)
    return vte

if __name__ == "__main__":
    import jax
    _d = setup_inputs()
    print(jax.jit(kernel)(*tuple(_d.values())))

</pallas_src>

<mosaic_0001>
#map = affine_map<(d0, d1) -> (0, 0)>
#map1 = affine_map<(d0, d1) -> (0, 0, 0)>
module attributes {stable_mosaic.version = 14 : i64} {
  func.func @emb_kernel(%arg0: i32, %arg1: i32, %arg2: memref<2048x1536xf32, #tpu.memory_space<hbm>>, %arg3: memref<32x50x32xi32, #tpu.memory_space<hbm>>, %arg4: memref<50x1024x1536xf32, #tpu.memory_space<hbm>>, %arg5: memref<50x32xi32, #tpu.memory_space<vmem>>, %arg6: memref<8x1536xf32, #tpu.memory_space<vmem>>, %arg7: memref<8x1536xf32, #tpu.memory_space<vmem>>, %arg8: memref<8x1536xf32, #tpu.memory_space<vmem>>, %arg9: memref<8x1536xf32, #tpu.memory_space<vmem>>, %arg10: memref<8x1536xf32, #tpu.memory_space<vmem>>, %arg11: memref<8x1536xf32, #tpu.memory_space<vmem>>, %arg12: memref<8x1536xf32, #tpu.memory_space<vmem>>, %arg13: memref<8x1536xf32, #tpu.memory_space<vmem>>, %arg14: memref<!tpu.dma_semaphore, #tpu.memory_space<semaphore_mem>>, %arg15: memref<!tpu.dma_semaphore, #tpu.memory_space<semaphore_mem>>, %arg16: memref<!tpu.dma_semaphore, #tpu.memory_space<semaphore_mem>>, %arg17: memref<!tpu.dma_semaphore, #tpu.memory_space<semaphore_mem>>, %arg18: memref<!tpu.dma_semaphore, #tpu.memory_space<semaphore_mem>>, %arg19: memref<!tpu.dma_semaphore, #tpu.memory_space<semaphore_mem>>, %arg20: memref<!tpu.dma_semaphore, #tpu.memory_space<semaphore_mem>>, %arg21: memref<!tpu.dma_semaphore, #tpu.memory_space<semaphore_mem>>, %arg22: memref<!tpu.dma_semaphore, #tpu.memory_space<semaphore_mem>>, %arg23: memref<!tpu.dma_semaphore, #tpu.memory_space<semaphore_mem>>, %arg24: memref<!tpu.dma_semaphore, #tpu.memory_space<semaphore_mem>>, %arg25: memref<!tpu.dma_semaphore, #tpu.memory_space<semaphore_mem>>, %arg26: memref<!tpu.dma_semaphore, #tpu.memory_space<semaphore_mem>>, %arg27: memref<!tpu.dma_semaphore, #tpu.memory_space<semaphore_mem>>, %arg28: memref<!tpu.dma_semaphore, #tpu.memory_space<semaphore_mem>>, %arg29: memref<!tpu.dma_semaphore, #tpu.memory_space<semaphore_mem>>) attributes {dimension_semantics = [#tpu.dimension_semantics<core_parallel>, #tpu.dimension_semantics<subcore_parallel>], iteration_bounds = array<i64: 2, 16>, scalar_prefetch = 0 : i64, scratch_operands = 25 : i64, tpu.core_type = #tpu.core_type<sc_vector_subcore>, window_params = [{transform_indices = #map}, {transform_indices = #map1}, {transform_indices = #map1}]} {
    %mul3A = arith.constant 2 : i32
    %mul3A_0 = arith.muli %arg1, %mul3A : i32
    %add3A = arith.addi %mul3A_0, %arg0 : i32
    "tpu.region"() ({
      %run_scoped3A = tpu.sem_alloc : memref<!tpu.dma_semaphore, #tpu.memory_space<semaphore_mem>>
      %dma_start3A_279 = arith.constant 0 : i32
      %dma_start3A_280 = arith.constant 0 : i32
      %dma_start3A_281 = tpu.memref_slice %arg3[%add3A, %dma_start3A_279, %dma_start3A_280] : memref<32x50x32xi32, #tpu.memory_space<hbm>> -> memref<1x50x32xi32, #tpu.memory_space<hbm>>
      %dma_start3A_282 = tpu.memref_squeeze %dma_start3A_281 : memref<1x50x32xi32, #tpu.memory_space<hbm>> -> memref<50x32xi32, #tpu.memory_space<hbm>>
      %dma_start3A_283 = arith.constant 0 : i32
      %dma_start3A_284 = arith.constant 0 : i32
      %dma_start3A_285 = tpu.memref_slice %arg3[%add3A, %dma_start3A_283, %dma_start3A_284] : memref<32x50x32xi32, #tpu.memory_space<hbm>> -> memref<1x50x32xi32, #tpu.memory_space<hbm>>
      %dma_start3A_286 = tpu.memref_squeeze %dma_start3A_285 : memref<1x50x32xi32, #tpu.memory_space<hbm>> -> memref<50x32xi32, #tpu.memory_space<hbm>>
      tpu.enqueue_dma source(%dma_start3A_286 : memref<50x32xi32, #tpu.memory_space<hbm>>) target(%arg5 : memref<50x32xi32, #tpu.memory_space<vmem>>) target_semaphore(%run_scoped3A : memref<!tpu.dma_semaphore, #tpu.memory_space<semaphore_mem>>)
      %dma_wait3A_287 = arith.constant 0 : i32
      %dma_wait3A_288 = arith.constant 0 : i32
      %dma_wait3A_289 = tpu.memref_slice %arg3[%add3A, %dma_wait3A_287, %dma_wait3A_288] : memref<32x50x32xi32, #tpu.memory_space<hbm>> -> memref<1x50x32xi32, #tpu.memory_space<hbm>>
      %dma_wait3A_290 = tpu.memref_squeeze %dma_wait3A_289 : memref<1x50x32xi32, #tpu.memory_space<hbm>> -> memref<50x32xi32, #tpu.memory_space<hbm>>
      %dma_wait3A_291 = arith.constant 0 : i32
      %dma_wait3A_292 = arith.constant 0 : i32
      %dma_wait3A_293 = tpu.memref_slice %arg3[%add3A, %dma_wait3A_291, %dma_wait3A_292] : memref<32x50x32xi32, #tpu.memory_space<hbm>> -> memref<1x50x32xi32, #tpu.memory_space<hbm>>
      %dma_wait3A_294 = tpu.memref_squeeze %dma_wait3A_293 : memref<1x50x32xi32, #tpu.memory_space<hbm>> -> memref<50x32xi32, #tpu.memory_space<hbm>>
      tpu.wait_dma2 semaphore(%run_scoped3A : memref<!tpu.dma_semaphore, #tpu.memory_space<semaphore_mem>>) src(%dma_wait3A_294 : memref<50x32xi32, #tpu.memory_space<hbm>>) dst(%arg5 : memref<50x32xi32, #tpu.memory_space<vmem>>)
      tpu.yield
    }) : () -> ()
    %jit3A = arith.constant 8 : i32
    %eq3A = arith.constant 0 : i32
    %eq3A_1 = arith.cmpi eq, %jit3A, %eq3A : i32
    %jit3A_2 = arith.constant 1 : i32
    %select_n3A = arith.select %eq3A_1, %jit3A_2, %jit3A : i32
    %rem3A = arith.remsi %add3A, %select_n3A : i32
    %ne3A = arith.constant 0 : i32
    %ne3A_3 = arith.cmpi ne, %rem3A, %ne3A : i32
    %lt3A = arith.constant 0 : i32
    %lt3A_4 = arith.cmpi slt, %rem3A, %lt3A : i32
    %lt3A_5 = arith.constant 0 : i32
    %lt3A_6 = arith.cmpi slt, %select_n3A, %lt3A_5 : i32
    %ne3A_7 = arith.xori %lt3A_4, %lt3A_6 : i1
    %and3A = arith.andi %ne3A_7, %ne3A_3 : i1
    %add3A_8 = arith.addi %rem3A, %select_n3A : i32
    %select_n3A_9 = arith.select %and3A, %add3A_8, %rem3A : i32
    %mul3A_10 = arith.constant 256 : i32
    %mul3A_11 = arith.muli %select_n3A_9, %mul3A_10 : i32
    %scan3A = arith.constant 0 : i32
    %scan3A_12 = arith.constant 0 : i32
    %scan3A_13 = arith.constant 50 : i32
    %scan3A_14 = arith.addi %scan3A_12, %scan3A_13 : i32
    %scan3A_15 = arith.constant 1 : i32
    scf.for %scan3A_279 = %scan3A_12 to %scan3A_14 step %scan3A_15  : i32 {
      %get3A = arith.index_cast %scan3A_279 : i32 to index
      %get3A_280 = arith.constant 0 : index
      %get3A_281 = tpu.vector_load %arg5[%get3A, %get3A_280] {strides = array<i32>} : memref<50x32xi32, #tpu.memory_space<vmem>>, vector<1x16xi32>,
      %get3A_282 = vector.shape_cast %get3A_281 : vector<1x16xi32> to vector<16xi32>
      %max3A = arith.constant 0 : i32
      %max3A_283 = vector.broadcast %max3A : i32 to vector<16xi32>
      %max3A_284 = arith.maxsi %get3A_282, %max3A_283 : vector<16xi32>
      %min3A = arith.constant 255 : i32
      %min3A_285 = vector.broadcast %min3A : i32 to vector<16xi32>
      %min3A_286 = arith.minsi %max3A_284, %min3A_285 : vector<16xi32>
      %add3A_287 = vector.broadcast %mul3A_11 : i32 to vector<16xi32>
      %add3A_288 = arith.addi %min3A_286, %add3A_287 : vector<16xi32>
      %swap3A = arith.index_cast %scan3A_279 : i32 to index
      %swap3A_289 = arith.constant 0 : index
      %swap3A_290 = tpu.vector_load %arg5[%swap3A, %swap3A_289] {strides = array<i32>} : memref<50x32xi32, #tpu.memory_space<vmem>>, vector<1x16xi32>,
      %swap3A_291 = vector.shape_cast %swap3A_290 : vector<1x16xi32> to vector<16xi32>
      %swap3A_292 = vector.shape_cast %add3A_288 : vector<16xi32> to vector<1x16xi32>
      tpu.vector_store %arg5[%swap3A, %swap3A_289], %swap3A_292 {strides = array<i32>} : memref<50x32xi32, #tpu.memory_space<vmem>>, vector<1x16xi32>,
      %get3A_293 = arith.index_cast %scan3A_279 : i32 to index
      %get3A_294 = arith.constant 16 : index
      %get3A_295 = tpu.vector_load %arg5[%get3A_293, %get3A_294] {strides = array<i32>} : memref<50x32xi32, #tpu.memory_space<vmem>>, vector<1x16xi32>,
      %get3A_296 = vector.shape_cast %get3A_295 : vector<1x16xi32> to vector<16xi32>
      %max3A_297 = arith.constant 0 : i32
      %max3A_298 = vector.broadcast %max3A_297 : i32 to vector<16xi32>
      %max3A_299 = arith.maxsi %get3A_296, %max3A_298 : vector<16xi32>
      %min3A_300 = arith.constant 255 : i32
      %min3A_301 = vector.broadcast %min3A_300 : i32 to vector<16xi32>
      %min3A_302 = arith.minsi %max3A_299, %min3A_301 : vector<16xi32>
      %add3A_303 = vector.broadcast %mul3A_11 : i32 to vector<16xi32>
      %add3A_304 = arith.addi %min3A_302, %add3A_303 : vector<16xi32>
      %swap3A_305 = arith.index_cast %scan3A_279 : i32 to index
      %swap3A_306 = arith.constant 16 : index
      %swap3A_307 = tpu.vector_load %arg5[%swap3A_305, %swap3A_306] {strides = array<i32>} : memref<50x32xi32, #tpu.memory_space<vmem>>, vector<1x16xi32>,
      %swap3A_308 = vector.shape_cast %swap3A_307 : vector<1x16xi32> to vector<16xi32>
      %swap3A_309 = vector.shape_cast %add3A_304 : vector<16xi32> to vector<1x16xi32>
      tpu.vector_store %arg5[%swap3A_305, %swap3A_306], %swap3A_309 {strides = array<i32>} : memref<50x32xi32, #tpu.memory_space<vmem>>, vector<1x16xi32>,
    }
    %scan3A_16 = arith.constant 50 : i32
    %mul3A_17 = arith.constant 32 : i32
    %mul3A_18 = arith.muli %add3A, %mul3A_17 : i32
    %dma_start3A = arith.constant 0 : i32
    %dma_start3A_19 = arith.constant 0 : i32
    %dma_start3A_20 = tpu.memref_slice %arg5[%dma_start3A, %dma_start3A_19] : memref<50x32xi32, #tpu.memory_space<vmem>> -> memref<1x8xi32, #tpu.memory_space<vmem>>
    %dma_start3A_21 = tpu.memref_squeeze %dma_start3A_20 : memref<1x8xi32, #tpu.memory_space<vmem>> -> memref<8xi32, #tpu.memory_space<vmem>>
    %dma_start3A_22 = arith.constant 0 : i32
    %dma_start3A_23 = arith.constant 0 : i32
    %dma_start3A_24 = tpu.memref_slice %arg2[%dma_start3A_22, %dma_start3A_23] : memref<2048x1536xf32, #tpu.memory_space<hbm>> -> memref<2048x1536xf32, #tpu.memory_space<hbm>>
    tpu.enqueue_indirect_dma source(%dma_start3A_24 : memref<2048x1536xf32, #tpu.memory_space<hbm>>) target(%arg6 : memref<8x1536xf32, #tpu.memory_space<vmem>>) offsets(%dma_start3A_21 : memref<8xi32, #tpu.memory_space<vmem>>) semaphore(%arg14 : memref<!tpu.dma_semaphore, #tpu.memory_space<semaphore_mem>>)
    %dma_start3A_25 = arith.constant 0 : i32
    %dma_start3A_26 = arith.constant 8 : i32
    %dma_start3A_27 = tpu.memref_slice %arg5[%dma_start3A_25, %dma_start3A_26] : memref<50x32xi32, #tpu.memory_space<vmem>> -> memref<1x8xi32, #tpu.memory_space<vmem>>
    %dma_start3A_28 = tpu.memref_squeeze %dma_start3A_27 : memref<1x8xi32, #tpu.memory_space<vmem>> -> memref<8xi32, #tpu.memory_space<vmem>>
    %dma_start3A_29 = arith.constant 0 : i32
    %dma_start3A_30 = arith.constant 0 : i32
    %dma_start3A_31 = tpu.memref_slice %arg2[%dma_start3A_29, %dma_start3A_30] : memref<2048x1536xf32, #tpu.memory_space<hbm>> -> memref<2048x1536xf32, #tpu.memory_space<hbm>>
    tpu.enqueue_indirect_dma source(%dma_start3A_31 : memref<2048x1536xf32, #tpu.memory_space<hbm>>) target(%arg7 : memref<8x1536xf32, #tpu.memory_space<vmem>>) offsets(%dma_start3A_28 : memref<8xi32, #tpu.memory_space<vmem>>) semaphore(%arg15 : memref<!tpu.dma_semaphore, #tpu.memory_space<semaphore_mem>>)
    %dma_start3A_32 = arith.constant 0 : i32
    %dma_start3A_33 = arith.constant 16 : i32
    %dma_start3A_34 = tpu.memref_slice %arg5[%dma_start3A_32, %dma_start3A_33] : memref<50x32xi32, #tpu.memory_space<vmem>> -> memref<1x8xi32, #tpu.memory_space<vmem>>
    %dma_start3A_35 = tpu.memref_squeeze %dma_start3A_34 : memref<1x8xi32, #tpu.memory_space<vmem>> -> memref<8xi32, #tpu.memory_space<vmem>>
    %dma_start3A_36 = arith.constant 0 : i32
    %dma_start3A_37 = arith.constant 0 : i32
    %dma_start3A_38 = tpu.memref_slice %arg2[%dma_start3A_36, %dma_start3A_37] : memref<2048x1536xf32, #tpu.memory_space<hbm>> -> memref<2048x1536xf32, #tpu.memory_space<hbm>>
    tpu.enqueue_indirect_dma source(%dma_start3A_38 : memref<2048x1536xf32, #tpu.memory_space<hbm>>) target(%arg8 : memref<8x1536xf32, #tpu.memory_space<vmem>>) offsets(%dma_start3A_35 : memref<8xi32, #tpu.memory_space<vmem>>) semaphore(%arg16 : memref<!tpu.dma_semaphore, #tpu.memory_space<semaphore_mem>>)
    %dma_start3A_39 = arith.constant 0 : i32
    %dma_start3A_40 = arith.constant 24 : i32
    %dma_start3A_41 = tpu.memref_slice %arg5[%dma_start3A_39, %dma_start3A_40] : memref<50x32xi32, #tpu.memory_space<vmem>> -> memref<1x8xi32, #tpu.memory_space<vmem>>
    %dma_start3A_42 = tpu.memref_squeeze %dma_start3A_41 : memref<1x8xi32, #tpu.memory_space<vmem>> -> memref<8xi32, #tpu.memory_space<vmem>>
    %dma_start3A_43 = arith.constant 0 : i32
    %dma_start3A_44 = arith.constant 0 : i32
    %dma_start3A_45 = tpu.memref_slice %arg2[%dma_start3A_43, %dma_start3A_44] : memref<2048x1536xf32, #tpu.memory_space<hbm>> -> memref<2048x1536xf32, #tpu.memory_space<hbm>>
    tpu.enqueue_indirect_dma source(%dma_start3A_45 : memref<2048x1536xf32, #tpu.memory_space<hbm>>) target(%arg9 : memref<8x1536xf32, #tpu.memory_space<vmem>>) offsets(%dma_start3A_42 : memref<8xi32, #tpu.memory_space<vmem>>) semaphore(%arg17 : memref<!tpu.dma_semaphore, #tpu.memory_space<semaphore_mem>>)
    %dma_wait3A = arith.constant 0 : i32
    %dma_wait3A_46 = arith.constant 0 : i32
    %dma_wait3A_47 = tpu.memref_slice %arg5[%dma_wait3A, %dma_wait3A_46] : memref<50x32xi32, #tpu.memory_space<vmem>> -> memref<1x8xi32, #tpu.memory_space<vmem>>
    %dma_wait3A_48 = tpu.memref_squeeze %dma_wait3A_47 : memref<1x8xi32, #tpu.memory_space<vmem>> -> memref<8xi32, #tpu.memory_space<vmem>>
    %dma_wait3A_49 = arith.constant 0 : i32
    %dma_wait3A_50 = arith.constant 0 : i32
    %dma_wait3A_51 = tpu.memref_slice %arg2[%dma_wait3A_49, %dma_wait3A_50] : memref<2048x1536xf32, #tpu.memory_space<hbm>> -> memref<2048x1536xf32, #tpu.memory_space<hbm>>
    tpu.wait_indirect_dma semaphore(%arg14 : memref<!tpu.dma_semaphore, #tpu.memory_space<semaphore_mem>>) src(%dma_wait3A_51 : memref<2048x1536xf32, #tpu.memory_space<hbm>>) dst(%arg6 : memref<8x1536xf32, #tpu.memory_space<vmem>>)
    %add3A_52 = arith.constant 0 : i32
    %add3A_53 = arith.addi %mul3A_18, %add3A_52 : i32
    %dma_start3A_54 = arith.constant 0 : i32
    %dma_start3A_55 = arith.constant 0 : i32
    %dma_start3A_56 = tpu.memref_slice %arg4[%dma_start3A_54, %add3A_53, %dma_start3A_55] : memref<50x1024x1536xf32, #tpu.memory_space<hbm>> -> memref<1x8x1536xf32, #tpu.memory_space<hbm>>
    %dma_start3A_57 = tpu.memref_squeeze %dma_start3A_56 : memref<1x8x1536xf32, #tpu.memory_space<hbm>> -> memref<8x1536xf32, #tpu.memory_space<hbm>>
    %dma_start3A_58 = arith.constant 0 : i32
    %dma_start3A_59 = tpu.memref_slice %arg4[%dma_start3A_54, %add3A_53, %dma_start3A_58] : memref<50x1024x1536xf32, #tpu.memory_space<hbm>> -> memref<1x8x1536xf32, #tpu.memory_space<hbm>>
    %dma_start3A_60 = tpu.memref_squeeze %dma_start3A_59 : memref<1x8x1536xf32, #tpu.memory_space<hbm>> -> memref<8x1536xf32, #tpu.memory_space<hbm>>
    tpu.enqueue_dma source(%arg6 : memref<8x1536xf32, #tpu.memory_space<vmem>>) target(%dma_start3A_60 : memref<8x1536xf32, #tpu.memory_space<hbm>>) target_semaphore(%arg22 : memref<!tpu.dma_semaphore, #tpu.memory_space<semaphore_mem>>)
    %dma_start3A_61 = arith.constant 1 : i32
    %dma_start3A_62 = arith.constant 0 : i32
    %dma_start3A_63 = tpu.memref_slice %arg5[%dma_start3A_61, %dma_start3A_62] : memref<50x32xi32, #tpu.memory_space<vmem>> -> memref<1x8xi32, #tpu.memory_space<vmem>>
    %dma_start3A_64 = tpu.memref_squeeze %dma_start3A_63 : memref<1x8xi32, #tpu.memory_space<vmem>> -> memref<8xi32, #tpu.memory_space<vmem>>
    %dma_start3A_65 = arith.constant 0 : i32
    %dma_start3A_66 = arith.constant 0 : i32
    %dma_start3A_67 = tpu.memref_slice %arg2[%dma_start3A_65, %dma_start3A_66] : memref<2048x1536xf32, #tpu.memory_space<hbm>> -> memref<2048x1536xf32, #tpu.memory_space<hbm>>
    tpu.enqueue_indirect_dma source(%dma_start3A_67 : memref<2048x1536xf32, #tpu.memory_space<hbm>>) target(%arg10 : memref<8x1536xf32, #tpu.memory_space<vmem>>) offsets(%dma_start3A_64 : memref<8xi32, #tpu.memory_space<vmem>>) semaphore(%arg18 : memref<!tpu.dma_semaphore, #tpu.memory_space<semaphore_mem>>)
    %dma_wait3A_68 = arith.constant 0 : i32
    %dma_wait3A_69 = arith.constant 8 : i32
    %dma_wait3A_70 = tpu.memref_slice %arg5[%dma_wait3A_68, %dma_wait3A_69] : memref<50x32xi32, #tpu.memory_space<vmem>> -> memref<1x8xi32, #tpu.memory_space<vmem>>
    %dma_wait3A_71 = tpu.memref_squeeze %dma_wait3A_70 : memref<1x8xi32, #tpu.memory_space<vmem>> -> memref<8xi32, #tpu.memory_space<vmem>>
    %dma_wait3A_72 = arith.constant 0 : i32
    %dma_wait3A_73 = arith.constant 0 : i32
    %dma_wait3A_74 = tpu.memref_slice %arg2[%dma_wait3A_72, %dma_wait3A_73] : memref<2048x1536xf32, #tpu.memory_space<hbm>> -> memref<2048x1536xf32, #tpu.memory_space<hbm>>
    tpu.wait_indirect_dma semaphore(%arg15 : memref<!tpu.dma_semaphore, #tpu.memory_space<semaphore_mem>>) src(%dma_wait3A_74 : memref<2048x1536xf32, #tpu.memory_space<hbm>>) dst(%arg7 : memref<8x1536xf32, #tpu.memory_space<vmem>>)
    %add3A_75 = arith.constant 8 : i32
    %add3A_76 = arith.addi %mul3A_18, %add3A_75 : i32
    %dma_start3A_77 = arith.constant 0 : i32
    %dma_start3A_78 = arith.constant 0 : i32
    %dma_start3A_79 = tpu.memref_slice %arg4[%dma_start3A_77, %add3A_76, %dma_start3A_78] : memref<50x1024x1536xf32, #tpu.memory_space<hbm>> -> memref<1x8x1536xf32, #tpu.memory_space<hbm>>
    %dma_start3A_80 = tpu.memref_squeeze %dma_start3A_79 : memref<1x8x1536xf32, #tpu.memory_space<hbm>> -> memref<8x1536xf32, #tpu.memory_space<hbm>>
    %dma_start3A_81 = arith.constant 0 : i32
    %dma_start3A_82 = tpu.memref_slice %arg4[%dma_start3A_77, %add3A_76, %dma_start3A_81] : memref<50x1024x1536xf32, #tpu.memory_space<hbm>> -> memref<1x8x1536xf32, #tpu.memory_space<hbm>>
    %dma_start3A_83 = tpu.memref_squeeze %dma_start3A_82 : memref<1x8x1536xf32, #tpu.memory_space<hbm>> -> memref<8x1536xf32, #tpu.memory_space<hbm>>
    tpu.enqueue_dma source(%arg7 : memref<8x1536xf32, #tpu.memory_space<vmem>>) target(%dma_start3A_83 : memref<8x1536xf32, #tpu.memory_space<hbm>>) target_semaphore(%arg23 : memref<!tpu.dma_semaphore, #tpu.memory_space<semaphore_mem>>)
    %dma_start3A_84 = arith.constant 1 : i32
    %dma_start3A_85 = arith.constant 8 : i32
    %dma_start3A_86 = tpu.memref_slice %arg5[%dma_start3A_84, %dma_start3A_85] : memref<50x32xi32, #tpu.memory_space<vmem>> -> memref<1x8xi32, #tpu.memory_space<vmem>>
    %dma_start3A_87 = tpu.memref_squeeze %dma_start3A_86 : memref<1x8xi32, #tpu.memory_space<vmem>> -> memref<8xi32, #tpu.memory_space<vmem>>
    %dma_start3A_88 = arith.constant 0 : i32
    %dma_start3A_89 = arith.constant 0 : i32
    %dma_start3A_90 = tpu.memref_slice %arg2[%dma_start3A_88, %dma_start3A_89] : memref<2048x1536xf32, #tpu.memory_space<hbm>> -> memref<2048x1536xf32, #tpu.memory_space<hbm>>
    tpu.enqueue_indirect_dma source(%dma_start3A_90 : memref<2048x1536xf32, #tpu.memory_space<hbm>>) target(%arg11 : memref<8x1536xf32, #tpu.memory_space<vmem>>) offsets(%dma_start3A_87 : memref<8xi32, #tpu.memory_space<vmem>>) semaphore(%arg19 : memref<!tpu.dma_semaphore, #tpu.memory_space<semaphore_mem>>)
    %dma_wait3A_91 = arith.constant 0 : i32
    %dma_wait3A_92 = arith.constant 16 : i32
    %dma_wait3A_93 = tpu.memref_slice %arg5[%dma_wait3A_91, %dma_wait3A_92] : memref<50x32xi32, #tpu.memory_space<vmem>> -> memref<1x8xi32, #tpu.memory_space<vmem>>
    %dma_wait3A_94 = tpu.memref_squeeze %dma_wait3A_93 : memref<1x8xi32, #tpu.memory_space<vmem>> -> memref<8xi32, #tpu.memory_space<vmem>>
    %dma_wait3A_95 = arith.constant 0 : i32
    %dma_wait3A_96 = arith.constant 0 : i32
    %dma_wait3A_97 = tpu.memref_slice %arg2[%dma_wait3A_95, %dma_wait3A_96] : memref<2048x1536xf32, #tpu.memory_space<hbm>> -> memref<2048x1536xf32, #tpu.memory_space<hbm>>
    tpu.wait_indirect_dma semaphore(%arg16 : memref<!tpu.dma_semaphore, #tpu.memory_space<semaphore_mem>>) src(%dma_wait3A_97 : memref<2048x1536xf32, #tpu.memory_space<hbm>>) dst(%arg8 : memref<8x1536xf32, #tpu.memory_space<vmem>>)
    %add3A_98 = arith.constant 16 : i32
    %add3A_99 = arith.addi %mul3A_18, %add3A_98 : i32
    %dma_start3A_100 = arith.constant 0 : i32
    %dma_start3A_101 = arith.constant 0 : i32
    %dma_start3A_102 = tpu.memref_slice %arg4[%dma_start3A_100, %add3A_99, %dma_start3A_101] : memref<50x1024x1536xf32, #tpu.memory_space<hbm>> -> memref<1x8x1536xf32, #tpu.memory_space<hbm>>
    %dma_start3A_103 = tpu.memref_squeeze %dma_start3A_102 : memref<1x8x1536xf32, #tpu.memory_space<hbm>> -> memref<8x1536xf32, #tpu.memory_space<hbm>>
    %dma_start3A_104 = arith.constant 0 : i32
    %dma_start3A_105 = tpu.memref_slice %arg4[%dma_start3A_100, %add3A_99, %dma_start3A_104] : memref<50x1024x1536xf32, #tpu.memory_space<hbm>> -> memref<1x8x1536xf32, #tpu.memory_space<hbm>>
    %dma_start3A_106 = tpu.memref_squeeze %dma_start3A_105 : memref<1x8x1536xf32, #tpu.memory_space<hbm>> -> memref<8x1536xf32, #tpu.memory_space<hbm>>
    tpu.enqueue_dma source(%arg8 : memref<8x1536xf32, #tpu.memory_space<vmem>>) target(%dma_start3A_106 : memref<8x1536xf32, #tpu.memory_space<hbm>>) target_semaphore(%arg24 : memref<!tpu.dma_semaphore, #tpu.memory_space<semaphore_mem>>)
    %dma_start3A_107 = arith.constant 1 : i32
    %dma_start3A_108 = arith.constant 16 : i32
    %dma_start3A_109 = tpu.memref_slice %arg5[%dma_start3A_107, %dma_start3A_108] : memref<50x32xi32, #tpu.memory_space<vmem>> -> memref<1x8xi32, #tpu.memory_space<vmem>>
    %dma_start3A_110 = tpu.memref_squeeze %dma_start3A_109 : memref<1x8xi32, #tpu.memory_space<vmem>> -> memref<8xi32, #tpu.memory_space<vmem>>
    %dma_start3A_111 = arith.constant 0 : i32
    %dma_start3A_112 = arith.constant 0 : i32
    %dma_start3A_113 = tpu.memref_slice %arg2[%dma_start3A_111, %dma_start3A_112] : memref<2048x1536xf32, #tpu.memory_space<hbm>> -> memref<2048x1536xf32, #tpu.memory_space<hbm>>
    tpu.enqueue_indirect_dma source(%dma_start3A_113 : memref<2048x1536xf32, #tpu.memory_space<hbm>>) target(%arg12 : memref<8x1536xf32, #tpu.memory_space<vmem>>) offsets(%dma_start3A_110 : memref<8xi32, #tpu.memory_space<vmem>>) semaphore(%arg20 : memref<!tpu.dma_semaphore, #tpu.memory_space<semaphore_mem>>)
    %dma_wait3A_114 = arith.constant 0 : i32
    %dma_wait3A_115 = arith.constant 24 : i32
    %dma_wait3A_116 = tpu.memref_slice %arg5[%dma_wait3A_114, %dma_wait3A_115] : memref<50x32xi32, #tpu.memory_space<vmem>> -> memref<1x8xi32, #tpu.memory_space<vmem>>
    %dma_wait3A_117 = tpu.memref_squeeze %dma_wait3A_116 : memref<1x8xi32, #tpu.memory_space<vmem>> -> memref<8xi32, #tpu.memory_space<vmem>>
    %dma_wait3A_118 = arith.constant 0 : i32
    %dma_wait3A_119 = arith.constant 0 : i32
    %dma_wait3A_120 = tpu.memref_slice %arg2[%dma_wait3A_118, %dma_wait3A_119] : memref<2048x1536xf32, #tpu.memory_space<hbm>> -> memref<2048x1536xf32, #tpu.memory_space<hbm>>
    tpu.wait_indirect_dma semaphore(%arg17 : memref<!tpu.dma_semaphore, #tpu.memory_space<semaphore_mem>>) src(%dma_wait3A_120 : memref<2048x1536xf32, #tpu.memory_space<hbm>>) dst(%arg9 : memref<8x1536xf32, #tpu.memory_space<vmem>>)
    %add3A_121 = arith.constant 24 : i32
    %add3A_122 = arith.addi %mul3A_18, %add3A_121 : i32
    %dma_start3A_123 = arith.constant 0 : i32
    %dma_start3A_124 = arith.constant 0 : i32
    %dma_start3A_125 = tpu.memref_slice %arg4[%dma_start3A_123, %add3A_122, %dma_start3A_124] : memref<50x1024x1536xf32, #tpu.memory_space<hbm>> -> memref<1x8x1536xf32, #tpu.memory_space<hbm>>
    %dma_start3A_126 = tpu.memref_squeeze %dma_start3A_125 : memref<1x8x1536xf32, #tpu.memory_space<hbm>> -> memref<8x1536xf32, #tpu.memory_space<hbm>>
    %dma_start3A_127 = arith.constant 0 : i32
    %dma_start3A_128 = tpu.memref_slice %arg4[%dma_start3A_123, %add3A_122, %dma_start3A_127] : memref<50x1024x1536xf32, #tpu.memory_space<hbm>> -> memref<1x8x1536xf32, #tpu.memory_space<hbm>>
    %dma_start3A_129 = tpu.memref_squeeze %dma_start3A_128 : memref<1x8x1536xf32, #tpu.memory_space<hbm>> -> memref<8x1536xf32, #tpu.memory_space<hbm>>
    tpu.enqueue_dma source(%arg9 : memref<8x1536xf32, #tpu.memory_space<vmem>>) target(%dma_start3A_129 : memref<8x1536xf32, #tpu.memory_space<hbm>>) target_semaphore(%arg25 : memref<!tpu.dma_semaphore, #tpu.memory_space<semaphore_mem>>)
    %dma_start3A_130 = arith.constant 1 : i32
    %dma_start3A_131 = arith.constant 24 : i32
    %dma_start3A_132 = tpu.memref_slice %arg5[%dma_start3A_130, %dma_start3A_131] : memref<50x32xi32, #tpu.memory_space<vmem>> -> memref<1x8xi32, #tpu.memory_space<vmem>>
    %dma_start3A_133 = tpu.memref_squeeze %dma_start3A_132 : memref<1x8xi32, #tpu.memory_space<vmem>> -> memref<8xi32, #tpu.memory_space<vmem>>
    %dma_start3A_134 = arith.constant 0 : i32
    %dma_start3A_135 = arith.constant 0 : i32
    %dma_start3A_136 = tpu.memref_slice %arg2[%dma_start3A_134, %dma_start3A_135] : memref<2048x1536xf32, #tpu.memory_space<hbm>> -> memref<2048x1536xf32, #tpu.memory_space<hbm>>
    tpu.enqueue_indirect_dma source(%dma_start3A_136 : memref<2048x1536xf32, #tpu.memory_space<hbm>>) target(%arg13 : memref<8x1536xf32, #tpu.memory_space<vmem>>) offsets(%dma_start3A_133 : memref<8xi32, #tpu.memory_space<vmem>>) semaphore(%arg21 : memref<!tpu.dma_semaphore, #tpu.memory_space<semaphore_mem>>)
    %scan3A_137 = arith.constant 0 : i32
    %scan3A_138 = arith.constant 0 : i32
    %scan3A_139 = arith.constant 24 : i32
    %scan3A_140 = arith.addi %scan3A_138, %scan3A_139 : i32
    %scan3A_141 = arith.constant 1 : i32
    scf.for %scan3A_279 = %scan3A_138 to %scan3A_140 step %scan3A_141  : i32 {
      %mul3A_280 = arith.constant 8 : i32
      %mul3A_281 = arith.muli %scan3A_279, %mul3A_280 : i32
      %add3A_282 = arith.constant 4 : i32
      %add3A_283 = arith.addi %add3A_282, %mul3A_281 : i32
      %add3A_284 = arith.constant 0 : i32
      %add3A_285 = arith.addi %add3A_283, %add3A_284 : i32
      %jit3A_286 = arith.constant 4 : i32
      %div3A = arith.divsi %add3A_285, %jit3A_286 : i32
      %sign3A = arith.constant 0 : i32
      %sign3A_287 = arith.cmpi sgt, %add3A_285, %sign3A : i32
      %sign3A_288 = arith.extui %sign3A_287 : i1 to i32
      %sign3A_289 = arith.constant 0 : i32
      %sign3A_290 = arith.cmpi slt, %add3A_285, %sign3A_289 : i32
      %sign3A_291 = arith.extui %sign3A_290 : i1 to i32
      %sign3A_292 = arith.subi %sign3A_288, %sign3A_291 : i32
      %sign3A_293 = arith.constant 0 : i32
      %sign3A_294 = arith.cmpi sgt, %jit3A_286, %sign3A_293 : i32
      %sign3A_295 = arith.extui %sign3A_294 : i1 to i32
      %sign3A_296 = arith.constant 0 : i32
      %sign3A_297 = arith.cmpi slt, %jit3A_286, %sign3A_296 : i32
      %sign3A_298 = arith.extui %sign3A_297 : i1 to i32
      %sign3A_299 = arith.subi %sign3A_295, %sign3A_298 : i32
      %ne3A_300 = arith.cmpi ne, %sign3A_292, %sign3A_299 : i32
      %rem3A_301 = arith.remsi %add3A_285, %jit3A_286 : i32
      %ne3A_302 = arith.constant 0 : i32
      %ne3A_303 = arith.cmpi ne, %rem3A_301, %ne3A_302 : i32
      %and3A_304 = arith.andi %ne3A_300, %ne3A_303 : i1
      %sub3A = arith.constant 1 : i32
      %sub3A_305 = arith.subi %div3A, %sub3A : i32
      %select_n3A_306 = arith.select %and3A_304, %sub3A_305, %div3A : i32
      %jit3A_307 = arith.constant 4 : i32
      %eq3A_308 = arith.constant 0 : i32
      %eq3A_309 = arith.cmpi eq, %jit3A_307, %eq3A_308 : i32
      %jit3A_310 = arith.constant 1 : i32
      %select_n3A_311 = arith.select %eq3A_309, %jit3A_310, %jit3A_307 : i32
      %rem3A_312 = arith.remsi %add3A_285, %select_n3A_311 : i32
      %ne3A_313 = arith.constant 0 : i32
      %ne3A_314 = arith.cmpi ne, %rem3A_312, %ne3A_313 : i32
      %lt3A_315 = arith.constant 0 : i32
      %lt3A_316 = arith.cmpi slt, %rem3A_312, %lt3A_315 : i32
      %lt3A_317 = arith.constant 0 : i32
      %lt3A_318 = arith.cmpi slt, %select_n3A_311, %lt3A_317 : i32
      %ne3A_319 = arith.xori %lt3A_316, %lt3A_318 : i1
      %and3A_320 = arith.andi %ne3A_319, %ne3A_314 : i1
      %add3A_321 = arith.addi %rem3A_312, %select_n3A_311 : i32
      %select_n3A_322 = arith.select %and3A_320, %add3A_321, %rem3A_312 : i32
      %mul3A_323 = arith.constant 8 : i32
      %mul3A_324 = arith.muli %select_n3A_322, %mul3A_323 : i32
      %dma_wait3A_325 = tpu.memref_slice %arg5[%select_n3A_306, %mul3A_324] : memref<50x32xi32, #tpu.memory_space<vmem>> -> memref<1x8xi32, #tpu.memory_space<vmem>>
      %dma_wait3A_326 = tpu.memref_squeeze %dma_wait3A_325 : memref<1x8xi32, #tpu.memory_space<vmem>> -> memref<8xi32, #tpu.memory_space<vmem>>
      %dma_wait3A_327 = arith.constant 0 : i32
      %dma_wait3A_328 = arith.constant 0 : i32
      %dma_wait3A_329 = tpu.memref_slice %arg2[%dma_wait3A_327, %dma_wait3A_328] : memref<2048x1536xf32, #tpu.memory_space<hbm>> -> memref<2048x1536xf32, #tpu.memory_space<hbm>>
      tpu.wait_indirect_dma semaphore(%arg18 : memref<!tpu.dma_semaphore, #tpu.memory_space<semaphore_mem>>) src(%dma_wait3A_329 : memref<2048x1536xf32, #tpu.memory_space<hbm>>) dst(%arg10 : memref<8x1536xf32, #tpu.memory_space<vmem>>)
      %jit3A_330 = arith.constant 4 : i32
      %div3A_331 = arith.divsi %add3A_285, %jit3A_330 : i32
      %sign3A_332 = arith.constant 0 : i32
      %sign3A_333 = arith.cmpi sgt, %add3A_285, %sign3A_332 : i32
      %sign3A_334 = arith.extui %sign3A_333 : i1 to i32
      %sign3A_335 = arith.constant 0 : i32
      %sign3A_336 = arith.cmpi slt, %add3A_285, %sign3A_335 : i32
      %sign3A_337 = arith.extui %sign3A_336 : i1 to i32
      %sign3A_338 = arith.subi %sign3A_334, %sign3A_337 : i32
      %sign3A_339 = arith.constant 0 : i32
      %sign3A_340 = arith.cmpi sgt, %jit3A_330, %sign3A_339 : i32
      %sign3A_341 = arith.extui %sign3A_340 : i1 to i32
      %sign3A_342 = arith.constant 0 : i32
      %sign3A_343 = arith.cmpi slt, %jit3A_330, %sign3A_342 : i32
      %sign3A_344 = arith.extui %sign3A_343 : i1 to i32
      %sign3A_345 = arith.subi %sign3A_341, %sign3A_344 : i32
      %ne3A_346 = arith.cmpi ne, %sign3A_338, %sign3A_345 : i32
      %rem3A_347 = arith.remsi %add3A_285, %jit3A_330 : i32
      %ne3A_348 = arith.constant 0 : i32
      %ne3A_349 = arith.cmpi ne, %rem3A_347, %ne3A_348 : i32
      %and3A_350 = arith.andi %ne3A_346, %ne3A_349 : i1
      %sub3A_351 = arith.constant 1 : i32
      %sub3A_352 = arith.subi %div3A_331, %sub3A_351 : i32
      %select_n3A_353 = arith.select %and3A_350, %sub3A_352, %div3A_331 : i32
      %jit3A_354 = arith.constant 4 : i32
      %eq3A_355 = arith.constant 0 : i32
      %eq3A_356 = arith.cmpi eq, %jit3A_354, %eq3A_355 : i32
      %jit3A_357 = arith.constant 1 : i32
      %select_n3A_358 = arith.select %eq3A_356, %jit3A_357, %jit3A_354 : i32
      %rem3A_359 = arith.remsi %add3A_285, %select_n3A_358 : i32
      %ne3A_360 = arith.constant 0 : i32
      %ne3A_361 = arith.cmpi ne, %rem3A_359, %ne3A_360 : i32
      %lt3A_362 = arith.constant 0 : i32
      %lt3A_363 = arith.cmpi slt, %rem3A_359, %lt3A_362 : i32
      %lt3A_364 = arith.constant 0 : i32
      %lt3A_365 = arith.cmpi slt, %select_n3A_358, %lt3A_364 : i32
      %ne3A_366 = arith.xori %lt3A_363, %lt3A_365 : i1
      %and3A_367 = arith.andi %ne3A_366, %ne3A_361 : i1
      %add3A_368 = arith.addi %rem3A_359, %select_n3A_358 : i32
      %select_n3A_369 = arith.select %and3A_367, %add3A_368, %rem3A_359 : i32
      %mul3A_370 = arith.constant 8 : i32
      %mul3A_371 = arith.muli %select_n3A_369, %mul3A_370 : i32
      %add3A_372 = arith.addi %mul3A_18, %mul3A_371 : i32
      %dma_start3A_373 = arith.constant 0 : i32
      %dma_start3A_374 = tpu.memref_slice %arg4[%select_n3A_353, %add3A_372, %dma_start3A_373] : memref<50x1024x1536xf32, #tpu.memory_space<hbm>> -> memref<1x8x1536xf32, #tpu.memory_space<hbm>>
      %dma_start3A_375 = tpu.memref_squeeze %dma_start3A_374 : memref<1x8x1536xf32, #tpu.memory_space<hbm>> -> memref<8x1536xf32, #tpu.memory_space<hbm>>
      %dma_start3A_376 = arith.constant 0 : i32
      %dma_start3A_377 = tpu.memref_slice %arg4[%select_n3A_353, %add3A_372, %dma_start3A_376] : memref<50x1024x1536xf32, #tpu.memory_space<hbm>> -> memref<1x8x1536xf32, #tpu.memory_space<hbm>>
      %dma_start3A_378 = tpu.memref_squeeze %dma_start3A_377 : memref<1x8x1536xf32, #tpu.memory_space<hbm>> -> memref<8x1536xf32, #tpu.memory_space<hbm>>
      tpu.enqueue_dma source(%arg10 : memref<8x1536xf32, #tpu.memory_space<vmem>>) target(%dma_start3A_378 : memref<8x1536xf32, #tpu.memory_space<hbm>>) target_semaphore(%arg26 : memref<!tpu.dma_semaphore, #tpu.memory_space<semaphore_mem>>)
      %sub3A_379 = arith.constant 4 : i32
      %sub3A_380 = arith.subi %add3A_285, %sub3A_379 : i32
      %jit3A_381 = arith.constant 4 : i32
      %div3A_382 = arith.divsi %sub3A_380, %jit3A_381 : i32
      %sign3A_383 = arith.constant 0 : i32
      %sign3A_384 = arith.cmpi sgt, %sub3A_380, %sign3A_383 : i32
      %sign3A_385 = arith.extui %sign3A_384 : i1 to i32
      %sign3A_386 = arith.constant 0 : i32
      %sign3A_387 = arith.cmpi slt, %sub3A_380, %sign3A_386 : i32
      %sign3A_388 = arith.extui %sign3A_387 : i1 to i32
      %sign3A_389 = arith.subi %sign3A_385, %sign3A_388 : i32
      %sign3A_390 = arith.constant 0 : i32
      %sign3A_391 = arith.cmpi sgt, %jit3A_381, %sign3A_390 : i32
      %sign3A_392 = arith.extui %sign3A_391 : i1 to i32
      %sign3A_393 = arith.constant 0 : i32
      %sign3A_394 = arith.cmpi slt, %jit3A_381, %sign3A_393 : i32
      %sign3A_395 = arith.extui %sign3A_394 : i1 to i32
      %sign3A_396 = arith.subi %sign3A_392, %sign3A_395 : i32
      %ne3A_397 = arith.cmpi ne, %sign3A_389, %sign3A_396 : i32
      %rem3A_398 = arith.remsi %sub3A_380, %jit3A_381 : i32
      %ne3A_399 = arith.constant 0 : i32
      %ne3A_400 = arith.cmpi ne, %rem3A_398, %ne3A_399 : i32
      %and3A_401 = arith.andi %ne3A_397, %ne3A_400 : i1
      %sub3A_402 = arith.constant 1 : i32
      %sub3A_403 = arith.subi %div3A_382, %sub3A_402 : i32
      %select_n3A_404 = arith.select %and3A_401, %sub3A_403, %div3A_382 : i32
      %jit3A_405 = arith.constant 4 : i32
      %eq3A_406 = arith.constant 0 : i32
      %eq3A_407 = arith.cmpi eq, %jit3A_405, %eq3A_406 : i32
      %jit3A_408 = arith.constant 1 : i32
      %select_n3A_409 = arith.select %eq3A_407, %jit3A_408, %jit3A_405 : i32
      %rem3A_410 = arith.remsi %sub3A_380, %select_n3A_409 : i32
      %ne3A_411 = arith.constant 0 : i32
      %ne3A_412 = arith.cmpi ne, %rem3A_410, %ne3A_411 : i32
      %lt3A_413 = arith.constant 0 : i32
      %lt3A_414 = arith.cmpi slt, %rem3A_410, %lt3A_413 : i32
      %lt3A_415 = arith.constant 0 : i32
      %lt3A_416 = arith.cmpi slt, %select_n3A_409, %lt3A_415 : i32
      %ne3A_417 = arith.xori %lt3A_414, %lt3A_416 : i1
      %and3A_418 = arith.andi %ne3A_417, %ne3A_412 : i1
      %add3A_419 = arith.addi %rem3A_410, %select_n3A_409 : i32
      %select_n3A_420 = arith.select %and3A_418, %add3A_419, %rem3A_410 : i32
      %mul3A_421 = arith.constant 8 : i32
      %mul3A_422 = arith.muli %select_n3A_420, %mul3A_421 : i32
      %add3A_423 = arith.addi %mul3A_18, %mul3A_422 : i32
      %dma_wait3A_424 = arith.constant 0 : i32
      %dma_wait3A_425 = tpu.memref_slice %arg4[%select_n3A_404, %add3A_423, %dma_wait3A_424] : memref<50x1024x1536xf32, #tpu.memory_space<hbm>> -> memref<1x8x1536xf32, #tpu.memory_space<hbm>>
      %dma_wait3A_426 = tpu.memref_squeeze %dma_wait3A_425 : memref<1x8x1536xf32, #tpu.memory_space<hbm>> -> memref<8x1536xf32, #tpu.memory_space<hbm>>
      %dma_wait3A_427 = arith.constant 0 : i32
      %dma_wait3A_428 = tpu.memref_slice %arg4[%select_n3A_404, %add3A_423, %dma_wait3A_427] : memref<50x1024x1536xf32, #tpu.memory_space<hbm>> -> memref<1x8x1536xf32, #tpu.memory_space<hbm>>
      %dma_wait3A_429 = tpu.memref_squeeze %dma_wait3A_428 : memref<1x8x1536xf32, #tpu.memory_space<hbm>> -> memref<8x1536xf32, #tpu.memory_space<hbm>>
      tpu.wait_dma2 semaphore(%arg22 : memref<!tpu.dma_semaphore, #tpu.memory_space<semaphore_mem>>) src(%arg6 : memref<8x1536xf32, #tpu.memory_space<vmem>>) dst(%dma_wait3A_429 : memref<8x1536xf32, #tpu.memory_space<hbm>>)
      %add3A_430 = arith.constant 4 : i32
      %add3A_431 = arith.addi %add3A_285, %add3A_430 : i32
      %jit3A_432 = arith.constant 4 : i32
      %div3A_433 = arith.divsi %add3A_431, %jit3A_432 : i32
      %sign3A_434 = arith.constant 0 : i32
      %sign3A_435 = arith.cmpi sgt, %add3A_431, %sign3A_434 : i32
      %sign3A_436 = arith.extui %sign3A_435 : i1 to i32
      %sign3A_437 = arith.constant 0 : i32
      %sign3A_438 = arith.cmpi slt, %add3A_431, %sign3A_437 : i32
      %sign3A_439 = arith.extui %sign3A_438 : i1 to i32
      %sign3A_440 = arith.subi %sign3A_436, %sign3A_439 : i32
      %sign3A_441 = arith.constant 0 : i32
      %sign3A_442 = arith.cmpi sgt, %jit3A_432, %sign3A_441 : i32
      %sign3A_443 = arith.extui %sign3A_442 : i1 to i32
      %sign3A_444 = arith.constant 0 : i32
      %sign3A_445 = arith.cmpi slt, %jit3A_432, %sign3A_444 : i32
      %sign3A_446 = arith.extui %sign3A_445 : i1 to i32
      %sign3A_447 = arith.subi %sign3A_443, %sign3A_446 : i32
      %ne3A_448 = arith.cmpi ne, %sign3A_440, %sign3A_447 : i32
      %rem3A_449 = arith.remsi %add3A_431, %jit3A_432 : i32
      %ne3A_450 = arith.constant 0 : i32
      %ne3A_451 = arith.cmpi ne, %rem3A_449, %ne3A_450 : i32
      %and3A_452 = arith.andi %ne3A_448, %ne3A_451 : i1
      %sub3A_453 = arith.constant 1 : i32
      %sub3A_454 = arith.subi %div3A_433, %sub3A_453 : i32
      %select_n3A_455 = arith.select %and3A_452, %sub3A_454, %div3A_433 : i32
      %jit3A_456 = arith.constant 4 : i32
      %eq3A_457 = arith.constant 0 : i32
      %eq3A_458 = arith.cmpi eq, %jit3A_456, %eq3A_457 : i32
      %jit3A_459 = arith.constant 1 : i32
      %select_n3A_460 = arith.select %eq3A_458, %jit3A_459, %jit3A_456 : i32
      %rem3A_461 = arith.remsi %add3A_431, %select_n3A_460 : i32
      %ne3A_462 = arith.constant 0 : i32
      %ne3A_463 = arith.cmpi ne, %rem3A_461, %ne3A_462 : i32
      %lt3A_464 = arith.constant 0 : i32
      %lt3A_465 = arith.cmpi slt, %rem3A_461, %lt3A_464 : i32
      %lt3A_466 = arith.constant 0 : i32
      %lt3A_467 = arith.cmpi slt, %select_n3A_460, %lt3A_466 : i32
      %ne3A_468 = arith.xori %lt3A_465, %lt3A_467 : i1
      %and3A_469 = arith.andi %ne3A_468, %ne3A_463 : i1
      %add3A_470 = arith.addi %rem3A_461, %select_n3A_460 : i32
      %select_n3A_471 = arith.select %and3A_469, %add3A_470, %rem3A_461 : i32
      %mul3A_472 = arith.constant 8 : i32
      %mul3A_473 = arith.muli %select_n3A_471, %mul3A_472 : i32
      %dma_start3A_474 = tpu.memref_slice %arg5[%select_n3A_455, %mul3A_473] : memref<50x32xi32, #tpu.memory_space<vmem>> -> memref<1x8xi32, #tpu.memory_space<vmem>>
      %dma_start3A_475 = tpu.memref_squeeze %dma_start3A_474 : memref<1x8xi32, #tpu.memory_space<vmem>> -> memref<8xi32, #tpu.memory_space<vmem>>
      %dma_start3A_476 = arith.constant 0 : i32
      %dma_start3A_477 = arith.constant 0 : i32
      %dma_start3A_478 = tpu.memref_slice %arg2[%dma_start3A_476, %dma_start3A_477] : memref<2048x1536xf32, #tpu.memory_space<hbm>> -> memref<2048x1536xf32, #tpu.memory_space<hbm>>
      tpu.enqueue_indirect_dma source(%dma_start3A_478 : memref<2048x1536xf32, #tpu.memory_space<hbm>>) target(%arg6 : memref<8x1536xf32, #tpu.memory_space<vmem>>) offsets(%dma_start3A_475 : memref<8xi32, #tpu.memory_space<vmem>>) semaphore(%arg14 : memref<!tpu.dma_semaphore, #tpu.memory_space<semaphore_mem>>)
      %mul3A_479 = arith.constant 8 : i32
      %mul3A_480 = arith.muli %scan3A_279, %mul3A_479 : i32
      %add3A_481 = arith.constant 4 : i32
      %add3A_482 = arith.addi %add3A_481, %mul3A_480 : i32
      %add3A_483 = arith.constant 1 : i32
      %add3A_484 = arith.addi %add3A_482, %add3A_483 : i32
      %jit3A_485 = arith.constant 4 : i32
      %div3A_486 = arith.divsi %add3A_484, %jit3A_485 : i32
      %sign3A_487 = arith.constant 0 : i32
      %sign3A_488 = arith.cmpi sgt, %add3A_484, %sign3A_487 : i32
      %sign3A_489 = arith.extui %sign3A_488 : i1 to i32
      %sign3A_490 = arith.constant 0 : i32
      %sign3A_491 = arith.cmpi slt, %add3A_484, %sign3A_490 : i32
      %sign3A_492 = arith.extui %sign3A_491 : i1 to i32
      %sign3A_493 = arith.subi %sign3A_489, %sign3A_492 : i32
      %sign3A_494 = arith.constant 0 : i32
      %sign3A_495 = arith.cmpi sgt, %jit3A_485, %sign3A_494 : i32
      %sign3A_496 = arith.extui %sign3A_495 : i1 to i32
      %sign3A_497 = arith.constant 0 : i32
      %sign3A_498 = arith.cmpi slt, %jit3A_485, %sign3A_497 : i32
      %sign3A_499 = arith.extui %sign3A_498 : i1 to i32
      %sign3A_500 = arith.subi %sign3A_496, %sign3A_499 : i32
      %ne3A_501 = arith.cmpi ne, %sign3A_493, %sign3A_500 : i32
      %rem3A_502 = arith.remsi %add3A_484, %jit3A_485 : i32
      %ne3A_503 = arith.constant 0 : i32
      %ne3A_504 = arith.cmpi ne, %rem3A_502, %ne3A_503 : i32
      %and3A_505 = arith.andi %ne3A_501, %ne3A_504 : i1
      %sub3A_506 = arith.constant 1 : i32
      %sub3A_507 = arith.subi %div3A_486, %sub3A_506 : i32
      %select_n3A_508 = arith.select %and3A_505, %sub3A_507, %div3A_486 : i32
      %jit3A_509 = arith.constant 4 : i32
      %eq3A_510 = arith.constant 0 : i32
      %eq3A_511 = arith.cmpi eq, %jit3A_509, %eq3A_510 : i32
      %jit3A_512 = arith.constant 1 : i32
      %select_n3A_513 = arith.select %eq3A_511, %jit3A_512, %jit3A_509 : i32
      %rem3A_514 = arith.remsi %add3A_484, %select_n3A_513 : i32
      %ne3A_515 = arith.constant 0 : i32
      %ne3A_516 = arith.cmpi ne, %rem3A_514, %ne3A_515 : i32
      %lt3A_517 = arith.constant 0 : i32
      %lt3A_518 = arith.cmpi slt, %rem3A_514, %lt3A_517 : i32
      %lt3A_519 = arith.constant 0 : i32
      %lt3A_520 = arith.cmpi slt, %select_n3A_513, %lt3A_519 : i32
      %ne3A_521 = arith.xori %lt3A_518, %lt3A_520 : i1
      %and3A_522 = arith.andi %ne3A_521, %ne3A_516 : i1
      %add3A_523 = arith.addi %rem3A_514, %select_n3A_513 : i32
      %select_n3A_524 = arith.select %and3A_522, %add3A_523, %rem3A_514 : i32
      %mul3A_525 = arith.constant 8 : i32
      %mul3A_526 = arith.muli %select_n3A_524, %mul3A_525 : i32
      %dma_wait3A_527 = tpu.memref_slice %arg5[%select_n3A_508, %mul3A_526] : memref<50x32xi32, #tpu.memory_space<vmem>> -> memref<1x8xi32, #tpu.memory_space<vmem>>
      %dma_wait3A_528 = tpu.memref_squeeze %dma_wait3A_527 : memref<1x8xi32, #tpu.memory_space<vmem>> -> memref<8xi32, #tpu.memory_space<vmem>>
      %dma_wait3A_529 = arith.constant 0 : i32
      %dma_wait3A_530 = arith.constant 0 : i32
      %dma_wait3A_531 = tpu.memref_slice %arg2[%dma_wait3A_529, %dma_wait3A_530] : memref<2048x1536xf32, #tpu.memory_space<hbm>> -> memref<2048x1536xf32, #tpu.memory_space<hbm>>
      tpu.wait_indirect_dma semaphore(%arg19 : memref<!tpu.dma_semaphore, #tpu.memory_space<semaphore_mem>>) src(%dma_wait3A_531 : memref<2048x1536xf32, #tpu.memory_space<hbm>>) dst(%arg11 : memref<8x1536xf32, #tpu.memory_space<vmem>>)
      %jit3A_532 = arith.constant 4 : i32
      %div3A_533 = arith.divsi %add3A_484, %jit3A_532 : i32
      %sign3A_534 = arith.constant 0 : i32
      %sign3A_535 = arith.cmpi sgt, %add3A_484, %sign3A_534 : i32
      %sign3A_536 = arith.extui %sign3A_535 : i1 to i32
      %sign3A_537 = arith.constant 0 : i32
      %sign3A_538 = arith.cmpi slt, %add3A_484, %sign3A_537 : i32
      %sign3A_539 = arith.extui %sign3A_538 : i1 to i32
      %sign3A_540 = arith.subi %sign3A_536, %sign3A_539 : i32
      %sign3A_541 = arith.constant 0 : i32
      %sign3A_542 = arith.cmpi sgt, %jit3A_532, %sign3A_541 : i32
      %sign3A_543 = arith.extui %sign3A_542 : i1 to i32
      %sign3A_544 = arith.constant 0 : i32
      %sign3A_545 = arith.cmpi slt, %jit3A_532, %sign3A_544 : i32
      %sign3A_546 = arith.extui %sign3A_545 : i1 to i32
      %sign3A_547 = arith.subi %sign3A_543, %sign3A_546 : i32
      %ne3A_548 = arith.cmpi ne, %sign3A_540, %sign3A_547 : i32
      %rem3A_549 = arith.remsi %add3A_484, %jit3A_532 : i32
      %ne3A_550 = arith.constant 0 : i32
      %ne3A_551 = arith.cmpi ne, %rem3A_549, %ne3A_550 : i32
      %and3A_552 = arith.andi %ne3A_548, %ne3A_551 : i1
      %sub3A_553 = arith.constant 1 : i32
      %sub3A_554 = arith.subi %div3A_533, %sub3A_553 : i32
      %select_n3A_555 = arith.select %and3A_552, %sub3A_554, %div3A_533 : i32
      %jit3A_556 = arith.constant 4 : i32
      %eq3A_557 = arith.constant 0 : i32
      %eq3A_558 = arith.cmpi eq, %jit3A_556, %eq3A_557 : i32
      %jit3A_559 = arith.constant 1 : i32
      %select_n3A_560 = arith.select %eq3A_558, %jit3A_559, %jit3A_556 : i32
      %rem3A_561 = arith.remsi %add3A_484, %select_n3A_560 : i32
      %ne3A_562 = arith.constant 0 : i32
      %ne3A_563 = arith.cmpi ne, %rem3A_561, %ne3A_562 : i32
      %lt3A_564 = arith.constant 0 : i32
      %lt3A_565 = arith.cmpi slt, %rem3A_561, %lt3A_564 : i32
      %lt3A_566 = arith.constant 0 : i32
      %lt3A_567 = arith.cmpi slt, %select_n3A_560, %lt3A_566 : i32
      %ne3A_568 = arith.xori %lt3A_565, %lt3A_567 : i1
      %and3A_569 = arith.andi %ne3A_568, %ne3A_563 : i1
      %add3A_570 = arith.addi %rem3A_561, %select_n3A_560 : i32
      %select_n3A_571 = arith.select %and3A_569, %add3A_570, %rem3A_561 : i32
      %mul3A_572 = arith.constant 8 : i32
      %mul3A_573 = arith.muli %select_n3A_571, %mul3A_572 : i32
      %add3A_574 = arith.addi %mul3A_18, %mul3A_573 : i32
      %dma_start3A_575 = arith.constant 0 : i32
      %dma_start3A_576 = tpu.memref_slice %arg4[%select_n3A_555, %add3A_574, %dma_start3A_575] : memref<50x1024x1536xf32, #tpu.memory_space<hbm>> -> memref<1x8x1536xf32, #tpu.memory_space<hbm>>
      %dma_start3A_577 = tpu.memref_squeeze %dma_start3A_576 : memref<1x8x1536xf32, #tpu.memory_space<hbm>> -> memref<8x1536xf32, #tpu.memory_space<hbm>>
      %dma_start3A_578 = arith.constant 0 : i32
      %dma_start3A_579 = tpu.memref_slice %arg4[%select_n3A_555, %add3A_574, %dma_start3A_578] : memref<50x1024x1536xf32, #tpu.memory_space<hbm>> -> memref<1x8x1536xf32, #tpu.memory_space<hbm>>
      %dma_start3A_580 = tpu.memref_squeeze %dma_start3A_579 : memref<1x8x1536xf32, #tpu.memory_space<hbm>> -> memref<8x1536xf32, #tpu.memory_space<hbm>>
      tpu.enqueue_dma source(%arg11 : memref<8x1536xf32, #tpu.memory_space<vmem>>) target(%dma_start3A_580 : memref<8x1536xf32, #tpu.memory_space<hbm>>) target_semaphore(%arg27 : memref<!tpu.dma_semaphore, #tpu.memory_space<semaphore_mem>>)
      %sub3A_581 = arith.constant 4 : i32
      %sub3A_582 = arith.subi %add3A_484, %sub3A_581 : i32
      %jit3A_583 = arith.constant 4 : i32
      %div3A_584 = arith.divsi %sub3A_582, %jit3A_583 : i32
      %sign3A_585 = arith.constant 0 : i32
      %sign3A_586 = arith.cmpi sgt, %sub3A_582, %sign3A_585 : i32
      %sign3A_587 = arith.extui %sign3A_586 : i1 to i32
      %sign3A_588 = arith.constant 0 : i32
      %sign3A_589 = arith.cmpi slt, %sub3A_582, %sign3A_588 : i32
      %sign3A_590 = arith.extui %sign3A_589 : i1 to i32
      %sign3A_591 = arith.subi %sign3A_587, %sign3A_590 : i32
      %sign3A_592 = arith.constant 0 : i32
      %sign3A_593 = arith.cmpi sgt, %jit3A_583, %sign3A_592 : i32
      %sign3A_594 = arith.extui %sign3A_593 : i1 to i32
      %sign3A_595 = arith.constant 0 : i32
      %sign3A_596 = arith.cmpi slt, %jit3A_583, %sign3A_595 : i32
      %sign3A_597 = arith.extui %sign3A_596 : i1 to i32
      %sign3A_598 = arith.subi %sign3A_594, %sign3A_597 : i32
      %ne3A_599 = arith.cmpi ne, %sign3A_591, %sign3A_598 : i32
      %rem3A_600 = arith.remsi %sub3A_582, %jit3A_583 : i32
      %ne3A_601 = arith.constant 0 : i32
      %ne3A_602 = arith.cmpi ne, %rem3A_600, %ne3A_601 : i32
      %and3A_603 = arith.andi %ne3A_599, %ne3A_602 : i1
      %sub3A_604 = arith.constant 1 : i32
      %sub3A_605 = arith.subi %div3A_584, %sub3A_604 : i32
      %select_n3A_606 = arith.select %and3A_603, %sub3A_605, %div3A_584 : i32
      %jit3A_607 = arith.constant 4 : i32
      %eq3A_608 = arith.constant 0 : i32
      %eq3A_609 = arith.cmpi eq, %jit3A_607, %eq3A_608 : i32
      %jit3A_610 = arith.constant 1 : i32
      %select_n3A_611 = arith.select %eq3A_609, %jit3A_610, %jit3A_607 : i32
      %rem3A_612 = arith.remsi %sub3A_582, %select_n3A_611 : i32
      %ne3A_613 = arith.constant 0 : i32
      %ne3A_614 = arith.cmpi ne, %rem3A_612, %ne3A_613 : i32
      %lt3A_615 = arith.constant 0 : i32
      %lt3A_616 = arith.cmpi slt, %rem3A_612, %lt3A_615 : i32
      %lt3A_617 = arith.constant 0 : i32
      %lt3A_618 = arith.cmpi slt, %select_n3A_611, %lt3A_617 : i32
      %ne3A_619 = arith.xori %lt3A_616, %lt3A_618 : i1
      %and3A_620 = arith.andi %ne3A_619, %ne3A_614 : i1
      %add3A_621 = arith.addi %rem3A_612, %select_n3A_611 : i32
      %select_n3A_622 = arith.select %and3A_620, %add3A_621, %rem3A_612 : i32
      %mul3A_623 = arith.constant 8 : i32
      %mul3A_624 = arith.muli %select_n3A_622, %mul3A_623 : i32
      %add3A_625 = arith.addi %mul3A_18, %mul3A_624 : i32
      %dma_wait3A_626 = arith.constant 0 : i32
      %dma_wait3A_627 = tpu.memref_slice %arg4[%select_n3A_606, %add3A_625, %dma_wait3A_626] : memref<50x1024x1536xf32, #tpu.memory_space<hbm>> -> memref<1x8x1536xf32, #tpu.memory_space<hbm>>
      %dma_wait3A_628 = tpu.memref_squeeze %dma_wait3A_627 : memref<1x8x1536xf32, #tpu.memory_space<hbm>> -> memref<8x1536xf32, #tpu.memory_space<hbm>>
      %dma_wait3A_629 = arith.constant 0 : i32
      %dma_wait3A_630 = tpu.memref_slice %arg4[%select_n3A_606, %add3A_625, %dma_wait3A_629] : memref<50x1024x1536xf32, #tpu.memory_space<hbm>> -> memref<1x8x1536xf32, #tpu.memory_space<hbm>>
      %dma_wait3A_631 = tpu.memref_squeeze %dma_wait3A_630 : memref<1x8x1536xf32, #tpu.memory_space<hbm>> -> memref<8x1536xf32, #tpu.memory_space<hbm>>
      tpu.wait_dma2 semaphore(%arg23 : memref<!tpu.dma_semaphore, #tpu.memory_space<semaphore_mem>>) src(%arg7 : memref<8x1536xf32, #tpu.memory_space<vmem>>) dst(%dma_wait3A_631 : memref<8x1536xf32, #tpu.memory_space<hbm>>)
      %add3A_632 = arith.constant 4 : i32
      %add3A_633 = arith.addi %add3A_484, %add3A_632 : i32
      %jit3A_634 = arith.constant 4 : i32
      %div3A_635 = arith.divsi %add3A_633, %jit3A_634 : i32
      %sign3A_636 = arith.constant 0 : i32
      %sign3A_637 = arith.cmpi sgt, %add3A_633, %sign3A_636 : i32
      %sign3A_638 = arith.extui %sign3A_637 : i1 to i32
      %sign3A_639 = arith.constant 0 : i32
      %sign3A_640 = arith.cmpi slt, %add3A_633, %sign3A_639 : i32
      %sign3A_641 = arith.extui %sign3A_640 : i1 to i32
      %sign3A_642 = arith.subi %sign3A_638, %sign3A_641 : i32
      %sign3A_643 = arith.constant 0 : i32
      %sign3A_644 = arith.cmpi sgt, %jit3A_634, %sign3A_643 : i32
      %sign3A_645 = arith.extui %sign3A_644 : i1 to i32
      %sign3A_646 = arith.constant 0 : i32
      %sign3A_647 = arith.cmpi slt, %jit3A_634, %sign3A_646 : i32
      %sign3A_648 = arith.extui %sign3A_647 : i1 to i32
      %sign3A_649 = arith.subi %sign3A_645, %sign3A_648 : i32
      %ne3A_650 = arith.cmpi ne, %sign3A_642, %sign3A_649 : i32
      %rem3A_651 = arith.remsi %add3A_633, %jit3A_634 : i32
      %ne3A_652 = arith.constant 0 : i32
      %ne3A_653 = arith.cmpi ne, %rem3A_651, %ne3A_652 : i32
      %and3A_654 = arith.andi %ne3A_650, %ne3A_653 : i1
      %sub3A_655 = arith.constant 1 : i32
      %sub3A_656 = arith.subi %div3A_635, %sub3A_655 : i32
      %select_n3A_657 = arith.select %and3A_654, %sub3A_656, %div3A_635 : i32
      %jit3A_658 = arith.constant 4 : i32
      %eq3A_659 = arith.constant 0 : i32
      %eq3A_660 = arith.cmpi eq, %jit3A_658, %eq3A_659 : i32
      %jit3A_661 = arith.constant 1 : i32
      %select_n3A_662 = arith.select %eq3A_660, %jit3A_661, %jit3A_658 : i32
      %rem3A_663 = arith.remsi %add3A_633, %select_n3A_662 : i32
      %ne3A_664 = arith.constant 0 : i32
      %ne3A_665 = arith.cmpi ne, %rem3A_663, %ne3A_664 : i32
      %lt3A_666 = arith.constant 0 : i32
      %lt3A_667 = arith.cmpi slt, %rem3A_663, %lt3A_666 : i32
      %lt3A_668 = arith.constant 0 : i32
      %lt3A_669 = arith.cmpi slt, %select_n3A_662, %lt3A_668 : i32
      %ne3A_670 = arith.xori %lt3A_667, %lt3A_669 : i1
      %and3A_671 = arith.andi %ne3A_670, %ne3A_665 : i1
      %add3A_672 = arith.addi %rem3A_663, %select_n3A_662 : i32
      %select_n3A_673 = arith.select %and3A_671, %add3A_672, %rem3A_663 : i32
      %mul3A_674 = arith.constant 8 : i32
      %mul3A_675 = arith.muli %select_n3A_673, %mul3A_674 : i32
      %dma_start3A_676 = tpu.memref_slice %arg5[%select_n3A_657, %mul3A_675] : memref<50x32xi32, #tpu.memory_space<vmem>> -> memref<1x8xi32, #tpu.memory_space<vmem>>
      %dma_start3A_677 = tpu.memref_squeeze %dma_start3A_676 : memref<1x8xi32, #tpu.memory_space<vmem>> -> memref<8xi32, #tpu.memory_space<vmem>>
      %dma_start3A_678 = arith.constant 0 : i32
      %dma_start3A_679 = arith.constant 0 : i32
      %dma_start3A_680 = tpu.memref_slice %arg2[%dma_start3A_678, %dma_start3A_679] : memref<2048x1536xf32, #tpu.memory_space<hbm>> -> memref<2048x1536xf32, #tpu.memory_space<hbm>>
      tpu.enqueue_indirect_dma source(%dma_start3A_680 : memref<2048x1536xf32, #tpu.memory_space<hbm>>) target(%arg7 : memref<8x1536xf32, #tpu.memory_space<vmem>>) offsets(%dma_start3A_677 : memref<8xi32, #tpu.memory_space<vmem>>) semaphore(%arg15 : memref<!tpu.dma_semaphore, #tpu.memory_space<semaphore_mem>>)
      %mul3A_681 = arith.constant 8 : i32
      %mul3A_682 = arith.muli %scan3A_279, %mul3A_681 : i32
      %add3A_683 = arith.constant 4 : i32
      %add3A_684 = arith.addi %add3A_683, %mul3A_682 : i32
      %add3A_685 = arith.constant 2 : i32
      %add3A_686 = arith.addi %add3A_684, %add3A_685 : i32
      %jit3A_687 = arith.constant 4 : i32
      %div3A_688 = arith.divsi %add3A_686, %jit3A_687 : i32
      %sign3A_689 = arith.constant 0 : i32
      %sign3A_690 = arith.cmpi sgt, %add3A_686, %sign3A_689 : i32
      %sign3A_691 = arith.extui %sign3A_690 : i1 to i32
      %sign3A_692 = arith.constant 0 : i32
      %sign3A_693 = arith.cmpi slt, %add3A_686, %sign3A_692 : i32
      %sign3A_694 = arith.extui %sign3A_693 : i1 to i32
      %sign3A_695 = arith.subi %sign3A_691, %sign3A_694 : i32
      %sign3A_696 = arith.constant 0 : i32
      %sign3A_697 = arith.cmpi sgt, %jit3A_687, %sign3A_696 : i32
      %sign3A_698 = arith.extui %sign3A_697 : i1 to i32
      %sign3A_699 = arith.constant 0 : i32
      %sign3A_700 = arith.cmpi slt, %jit3A_687, %sign3A_699 : i32
      %sign3A_701 = arith.extui %sign3A_700 : i1 to i32
      %sign3A_702 = arith.subi %sign3A_698, %sign3A_701 : i32
      %ne3A_703 = arith.cmpi ne, %sign3A_695, %sign3A_702 : i32
      %rem3A_704 = arith.remsi %add3A_686, %jit3A_687 : i32
      %ne3A_705 = arith.constant 0 : i32
      %ne3A_706 = arith.cmpi ne, %rem3A_704, %ne3A_705 : i32
      %and3A_707 = arith.andi %ne3A_703, %ne3A_706 : i1
      %sub3A_708 = arith.constant 1 : i32
      %sub3A_709 = arith.subi %div3A_688, %sub3A_708 : i32
      %select_n3A_710 = arith.select %and3A_707, %sub3A_709, %div3A_688 : i32
      %jit3A_711 = arith.constant 4 : i32
      %eq3A_712 = arith.constant 0 : i32
      %eq3A_713 = arith.cmpi eq, %jit3A_711, %eq3A_712 : i32
      %jit3A_714 = arith.constant 1 : i32
      %select_n3A_715 = arith.select %eq3A_713, %jit3A_714, %jit3A_711 : i32
      %rem3A_716 = arith.remsi %add3A_686, %select_n3A_715 : i32
      %ne3A_717 = arith.constant 0 : i32
      %ne3A_718 = arith.cmpi ne, %rem3A_716, %ne3A_717 : i32
      %lt3A_719 = arith.constant 0 : i32
      %lt3A_720 = arith.cmpi slt, %rem3A_716, %lt3A_719 : i32
      %lt3A_721 = arith.constant 0 : i32
      %lt3A_722 = arith.cmpi slt, %select_n3A_715, %lt3A_721 : i32
      %ne3A_723 = arith.xori %lt3A_720, %lt3A_722 : i1
      %and3A_724 = arith.andi %ne3A_723, %ne3A_718 : i1
      %add3A_725 = arith.addi %rem3A_716, %select_n3A_715 : i32
      %select_n3A_726 = arith.select %and3A_724, %add3A_725, %rem3A_716 : i32
      %mul3A_727 = arith.constant 8 : i32
      %mul3A_728 = arith.muli %select_n3A_726, %mul3A_727 : i32
      %dma_wait3A_729 = tpu.memref_slice %arg5[%select_n3A_710, %mul3A_728] : memref<50x32xi32, #tpu.memory_space<vmem>> -> memref<1x8xi32, #tpu.memory_space<vmem>>
      %dma_wait3A_730 = tpu.memref_squeeze %dma_wait3A_729 : memref<1x8xi32, #tpu.memory_space<vmem>> -> memref<8xi32, #tpu.memory_space<vmem>>
      %dma_wait3A_731 = arith.constant 0 : i32
      %dma_wait3A_732 = arith.constant 0 : i32
      %dma_wait3A_733 = tpu.memref_slice %arg2[%dma_wait3A_731, %dma_wait3A_732] : memref<2048x1536xf32, #tpu.memory_space<hbm>> -> memref<2048x1536xf32, #tpu.memory_space<hbm>>
      tpu.wait_indirect_dma semaphore(%arg20 : memref<!tpu.dma_semaphore, #tpu.memory_space<semaphore_mem>>) src(%dma_wait3A_733 : memref<2048x1536xf32, #tpu.memory_space<hbm>>) dst(%arg12 : memref<8x1536xf32, #tpu.memory_space<vmem>>)
      %jit3A_734 = arith.constant 4 : i32
      %div3A_735 = arith.divsi %add3A_686, %jit3A_734 : i32
      %sign3A_736 = arith.constant 0 : i32
      %sign3A_737 = arith.cmpi sgt, %add3A_686, %sign3A_736 : i32
      %sign3A_738 = arith.extui %sign3A_737 : i1 to i32
      %sign3A_739 = arith.constant 0 : i32
      %sign3A_740 = arith.cmpi slt, %add3A_686, %sign3A_739 : i32
      %sign3A_741 = arith.extui %sign3A_740 : i1 to i32
      %sign3A_742 = arith.subi %sign3A_738, %sign3A_741 : i32
      %sign3A_743 = arith.constant 0 : i32
      %sign3A_744 = arith.cmpi sgt, %jit3A_734, %sign3A_743 : i32
      %sign3A_745 = arith.extui %sign3A_744 : i1 to i32
      %sign3A_746 = arith.constant 0 : i32
      %sign3A_747 = arith.cmpi slt, %jit3A_734, %sign3A_746 : i32
      %sign3A_748 = arith.extui %sign3A_747 : i1 to i32
      %sign3A_749 = arith.subi %sign3A_745, %sign3A_748 : i32
      %ne3A_750 = arith.cmpi ne, %sign3A_742, %sign3A_749 : i32
      %rem3A_751 = arith.remsi %add3A_686, %jit3A_734 : i32
      %ne3A_752 = arith.constant 0 : i32
      %ne3A_753 = arith.cmpi ne, %rem3A_751, %ne3A_752 : i32
      %and3A_754 = arith.andi %ne3A_750, %ne3A_753 : i1
      %sub3A_755 = arith.constant 1 : i32
      %sub3A_756 = arith.subi %div3A_735, %sub3A_755 : i32
      %select_n3A_757 = arith.select %and3A_754, %sub3A_756, %div3A_735 : i32
      %jit3A_758 = arith.constant 4 : i32
      %eq3A_759 = arith.constant 0 : i32
      %eq3A_760 = arith.cmpi eq, %jit3A_758, %eq3A_759 : i32
      %jit3A_761 = arith.constant 1 : i32
      %select_n3A_762 = arith.select %eq3A_760, %jit3A_761, %jit3A_758 : i32
      %rem3A_763 = arith.remsi %add3A_686, %select_n3A_762 : i32
      %ne3A_764 = arith.constant 0 : i32
      %ne3A_765 = arith.cmpi ne, %rem3A_763, %ne3A_764 : i32
      %lt3A_766 = arith.constant 0 : i32
      %lt3A_767 = arith.cmpi slt, %rem3A_763, %lt3A_766 : i32
      %lt3A_768 = arith.constant 0 : i32
      %lt3A_769 = arith.cmpi slt, %select_n3A_762, %lt3A_768 : i32
      %ne3A_770 = arith.xori %lt3A_767, %lt3A_769 : i1
      %and3A_771 = arith.andi %ne3A_770, %ne3A_765 : i1
      %add3A_772 = arith.addi %rem3A_763, %select_n3A_762 : i32
      %select_n3A_773 = arith.select %and3A_771, %add3A_772, %rem3A_763 : i32
      %mul3A_774 = arith.constant 8 : i32
      %mul3A_775 = arith.muli %select_n3A_773, %mul3A_774 : i32
      %add3A_776 = arith.addi %mul3A_18, %mul3A_775 : i32
      %dma_start3A_777 = arith.constant 0 : i32
      %dma_start3A_778 = tpu.memref_slice %arg4[%select_n3A_757, %add3A_776, %dma_start3A_777] : memref<50x1024x1536xf32, #tpu.memory_space<hbm>> -> memref<1x8x1536xf32, #tpu.memory_space<hbm>>
      %dma_start3A_779 = tpu.memref_squeeze %dma_start3A_778 : memref<1x8x1536xf32, #tpu.memory_space<hbm>> -> memref<8x1536xf32, #tpu.memory_space<hbm>>
      %dma_start3A_780 = arith.constant 0 : i32
      %dma_start3A_781 = tpu.memref_slice %arg4[%select_n3A_757, %add3A_776, %dma_start3A_780] : memref<50x1024x1536xf32, #tpu.memory_space<hbm>> -> memref<1x8x1536xf32, #tpu.memory_space<hbm>>
      %dma_start3A_782 = tpu.memref_squeeze %dma_start3A_781 : memref<1x8x1536xf32, #tpu.memory_space<hbm>> -> memref<8x1536xf32, #tpu.memory_space<hbm>>
      tpu.enqueue_dma source(%arg12 : memref<8x1536xf32, #tpu.memory_space<vmem>>) target(%dma_start3A_782 : memref<8x1536xf32, #tpu.memory_space<hbm>>) target_semaphore(%arg28 : memref<!tpu.dma_semaphore, #tpu.memory_space<semaphore_mem>>)
      %sub3A_783 = arith.constant 4 : i32
      %sub3A_784 = arith.subi %add3A_686, %sub3A_783 : i32
      %jit3A_785 = arith.constant 4 : i32
      %div3A_786 = arith.divsi %sub3A_784, %jit3A_785 : i32
      %sign3A_787 = arith.constant 0 : i32
      %sign3A_788 = arith.cmpi sgt, %sub3A_784, %sign3A_787 : i32
      %sign3A_789 = arith.extui %sign3A_788 : i1 to i32
      %sign3A_790 = arith.constant 0 : i32
      %sign3A_791 = arith.cmpi slt, %sub3A_784, %sign3A_790 : i32
      %sign3A_792 = arith.extui %sign3A_791 : i1 to i32
      %sign3A_793 = arith.subi %sign3A_789, %sign3A_792 : i32
      %sign3A_794 = arith.constant 0 : i32
      %sign3A_795 = arith.cmpi sgt, %jit3A_785, %sign3A_794 : i32
      %sign3A_796 = arith.extui %sign3A_795 : i1 to i32
      %sign3A_797 = arith.constant 0 : i32
      %sign3A_798 = arith.cmpi slt, %jit3A_785, %sign3A_797 : i32
      %sign3A_799 = arith.extui %sign3A_798 : i1 to i32
      %sign3A_800 = arith.subi %sign3A_796, %sign3A_799 : i32
      %ne3A_801 = arith.cmpi ne, %sign3A_793, %sign3A_800 : i32
      %rem3A_802 = arith.remsi %sub3A_784, %jit3A_785 : i32
      %ne3A_803 = arith.constant 0 : i32
      %ne3A_804 = arith.cmpi ne, %rem3A_802, %ne3A_803 : i32
      %and3A_805 = arith.andi %ne3A_801, %ne3A_804 : i1
      %sub3A_806 = arith.constant 1 : i32
      %sub3A_807 = arith.subi %div3A_786, %sub3A_806 : i32
      %select_n3A_808 = arith.select %and3A_805, %sub3A_807, %div3A_786 : i32
      %jit3A_809 = arith.constant 4 : i32
      %eq3A_810 = arith.constant 0 : i32
      %eq3A_811 = arith.cmpi eq, %jit3A_809, %eq3A_810 : i32
      %jit3A_812 = arith.constant 1 : i32
      %select_n3A_813 = arith.select %eq3A_811, %jit3A_812, %jit3A_809 : i32
      %rem3A_814 = arith.remsi %sub3A_784, %select_n3A_813 : i32
      %ne3A_815 = arith.constant 0 : i32
      %ne3A_816 = arith.cmpi ne, %rem3A_814, %ne3A_815 : i32
      %lt3A_817 = arith.constant 0 : i32
      %lt3A_818 = arith.cmpi slt, %rem3A_814, %lt3A_817 : i32
      %lt3A_819 = arith.constant 0 : i32
      %lt3A_820 = arith.cmpi slt, %select_n3A_813, %lt3A_819 : i32
      %ne3A_821 = arith.xori %lt3A_818, %lt3A_820 : i1
      %and3A_822 = arith.andi %ne3A_821, %ne3A_816 : i1
      %add3A_823 = arith.addi %rem3A_814, %select_n3A_813 : i32
      %select_n3A_824 = arith.select %and3A_822, %add3A_823, %rem3A_814 : i32
      %mul3A_825 = arith.constant 8 : i32
      %mul3A_826 = arith.muli %select_n3A_824, %mul3A_825 : i32
      %add3A_827 = arith.addi %mul3A_18, %mul3A_826 : i32
      %dma_wait3A_828 = arith.constant 0 : i32
      %dma_wait3A_829 = tpu.memref_slice %arg4[%select_n3A_808, %add3A_827, %dma_wait3A_828] : memref<50x1024x1536xf32, #tpu.memory_space<hbm>> -> memref<1x8x1536xf32, #tpu.memory_space<hbm>>
      %dma_wait3A_830 = tpu.memref_squeeze %dma_wait3A_829 : memref<1x8x1536xf32, #tpu.memory_space<hbm>> -> memref<8x1536xf32, #tpu.memory_space<hbm>>
      %dma_wait3A_831 = arith.constant 0 : i32
      %dma_wait3A_832 = tpu.memref_slice %arg4[%select_n3A_808, %add3A_827, %dma_wait3A_831] : memref<50x1024x1536xf32, #tpu.memory_space<hbm>> -> memref<1x8x1536xf32, #tpu.memory_space<hbm>>
      %dma_wait3A_833 = tpu.memref_squeeze %dma_wait3A_832 : memref<1x8x1536xf32, #tpu.memory_space<hbm>> -> memref<8x1536xf32, #tpu.memory_space<hbm>>
      tpu.wait_dma2 semaphore(%arg24 : memref<!tpu.dma_semaphore, #tpu.memory_space<semaphore_mem>>) src(%arg8 : memref<8x1536xf32, #tpu.memory_space<vmem>>) dst(%dma_wait3A_833 : memref<8x1536xf32, #tpu.memory_space<hbm>>)
      %add3A_834 = arith.constant 4 : i32
      %add3A_835 = arith.addi %add3A_686, %add3A_834 : i32
      %jit3A_836 = arith.constant 4 : i32
      %div3A_837 = arith.divsi %add3A_835, %jit3A_836 : i32
      %sign3A_838 = arith.constant 0 : i32
      %sign3A_839 = arith.cmpi sgt, %add3A_835, %sign3A_838 : i32
      %sign3A_840 = arith.extui %sign3A_839 : i1 to i32
      %sign3A_841 = arith.constant 0 : i32
      %sign3A_842 = arith.cmpi slt, %add3A_835, %sign3A_841 : i32
      %sign3A_843 = arith.extui %sign3A_842 : i1 to i32
      %sign3A_844 = arith.subi %sign3A_840, %sign3A_843 : i32
      %sign3A_845 = arith.constant 0 : i32
      %sign3A_846 = arith.cmpi sgt, %jit3A_836, %sign3A_845 : i32
      %sign3A_847 = arith.extui %sign3A_846 : i1 to i32
      %sign3A_848 = arith.constant 0 : i32
      %sign3A_849 = arith.cmpi slt, %jit3A_836, %sign3A_848 : i32
      %sign3A_850 = arith.extui %sign3A_849 : i1 to i32
      %sign3A_851 = arith.subi %sign3A_847, %sign3A_850 : i32
      %ne3A_852 = arith.cmpi ne, %sign3A_844, %sign3A_851 : i32
      %rem3A_853 = arith.remsi %add3A_835, %jit3A_836 : i32
      %ne3A_854 = arith.constant 0 : i32
      %ne3A_855 = arith.cmpi ne, %rem3A_853, %ne3A_854 : i32
      %and3A_856 = arith.andi %ne3A_852, %ne3A_855 : i1
      %sub3A_857 = arith.constant 1 : i32
      %sub3A_858 = arith.subi %div3A_837, %sub3A_857 : i32
      %select_n3A_859 = arith.select %and3A_856, %sub3A_858, %div3A_837 : i32
      %jit3A_860 = arith.constant 4 : i32
      %eq3A_861 = arith.constant 0 : i32
      %eq3A_862 = arith.cmpi eq, %jit3A_860, %eq3A_861 : i32
      %jit3A_863 = arith.constant 1 : i32
      %select_n3A_864 = arith.select %eq3A_862, %jit3A_863, %jit3A_860 : i32
      %rem3A_865 = arith.remsi %add3A_835, %select_n3A_864 : i32
      %ne3A_866 = arith.constant 0 : i32
      %ne3A_867 = arith.cmpi ne, %rem3A_865, %ne3A_866 : i32
      %lt3A_868 = arith.constant 0 : i32
      %lt3A_869 = arith.cmpi slt, %rem3A_865, %lt3A_868 : i32
      %lt3A_870 = arith.constant 0 : i32
      %lt3A_871 = arith.cmpi slt, %select_n3A_864, %lt3A_870 : i32
      %ne3A_872 = arith.xori %lt3A_869, %lt3A_871 : i1
      %and3A_873 = arith.andi %ne3A_872, %ne3A_867 : i1
      %add3A_874 = arith.addi %rem3A_865, %select_n3A_864 : i32
      %select_n3A_875 = arith.select %and3A_873, %add3A_874, %rem3A_865 : i32
      %mul3A_876 = arith.constant 8 : i32
      %mul3A_877 = arith.muli %select_n3A_875, %mul3A_876 : i32
      %dma_start3A_878 = tpu.memref_slice %arg5[%select_n3A_859, %mul3A_877] : memref<50x32xi32, #tpu.memory_space<vmem>> -> memref<1x8xi32, #tpu.memory_space<vmem>>
      %dma_start3A_879 = tpu.memref_squeeze %dma_start3A_878 : memref<1x8xi32, #tpu.memory_space<vmem>> -> memref<8xi32, #tpu.memory_space<vmem>>
      %dma_start3A_880 = arith.constant 0 : i32
      %dma_start3A_881 = arith.constant 0 : i32
      %dma_start3A_882 = tpu.memref_slice %arg2[%dma_start3A_880, %dma_start3A_881] : memref<2048x1536xf32, #tpu.memory_space<hbm>> -> memref<2048x1536xf32, #tpu.memory_space<hbm>>
      tpu.enqueue_indirect_dma source(%dma_start3A_882 : memref<2048x1536xf32, #tpu.memory_space<hbm>>) target(%arg8 : memref<8x1536xf32, #tpu.memory_space<vmem>>) offsets(%dma_start3A_879 : memref<8xi32, #tpu.memory_space<vmem>>) semaphore(%arg16 : memref<!tpu.dma_semaphore, #tpu.memory_space<semaphore_mem>>)
      %mul3A_883 = arith.constant 8 : i32
      %mul3A_884 = arith.muli %scan3A_279, %mul3A_883 : i32
      %add3A_885 = arith.constant 4 : i32
      %add3A_886 = arith.addi %add3A_885, %mul3A_884 : i32
      %add3A_887 = arith.constant 3 : i32
      %add3A_888 = arith.addi %add3A_886, %add3A_887 : i32
      %jit3A_889 = arith.constant 4 : i32
      %div3A_890 = arith.divsi %add3A_888, %jit3A_889 : i32
      %sign3A_891 = arith.constant 0 : i32
      %sign3A_892 = arith.cmpi sgt, %add3A_888, %sign3A_891 : i32
      %sign3A_893 = arith.extui %sign3A_892 : i1 to i32
      %sign3A_894 = arith.constant 0 : i32
      %sign3A_895 = arith.cmpi slt, %add3A_888, %sign3A_894 : i32
      %sign3A_896 = arith.extui %sign3A_895 : i1 to i32
      %sign3A_897 = arith.subi %sign3A_893, %sign3A_896 : i32
      %sign3A_898 = arith.constant 0 : i32
      %sign3A_899 = arith.cmpi sgt, %jit3A_889, %sign3A_898 : i32
      %sign3A_900 = arith.extui %sign3A_899 : i1 to i32
      %sign3A_901 = arith.constant 0 : i32
      %sign3A_902 = arith.cmpi slt, %jit3A_889, %sign3A_901 : i32
      %sign3A_903 = arith.extui %sign3A_902 : i1 to i32
      %sign3A_904 = arith.subi %sign3A_900, %sign3A_903 : i32
      %ne3A_905 = arith.cmpi ne, %sign3A_897, %sign3A_904 : i32
      %rem3A_906 = arith.remsi %add3A_888, %jit3A_889 : i32
      %ne3A_907 = arith.constant 0 : i32
      %ne3A_908 = arith.cmpi ne, %rem3A_906, %ne3A_907 : i32
      %and3A_909 = arith.andi %ne3A_905, %ne3A_908 : i1
      %sub3A_910 = arith.constant 1 : i32
      %sub3A_911 = arith.subi %div3A_890, %sub3A_910 : i32
      %select_n3A_912 = arith.select %and3A_909, %sub3A_911, %div3A_890 : i32
      %jit3A_913 = arith.constant 4 : i32
      %eq3A_914 = arith.constant 0 : i32
      %eq3A_915 = arith.cmpi eq, %jit3A_913, %eq3A_914 : i32
      %jit3A_916 = arith.constant 1 : i32
      %select_n3A_917 = arith.select %eq3A_915, %jit3A_916, %jit3A_913 : i32
      %rem3A_918 = arith.remsi %add3A_888, %select_n3A_917 : i32
      %ne3A_919 = arith.constant 0 : i32
      %ne3A_920 = arith.cmpi ne, %rem3A_918, %ne3A_919 : i32
      %lt3A_921 = arith.constant 0 : i32
      %lt3A_922 = arith.cmpi slt, %rem3A_918, %lt3A_921 : i32
      %lt3A_923 = arith.constant 0 : i32
      %lt3A_924 = arith.cmpi slt, %select_n3A_917, %lt3A_923 : i32
      %ne3A_925 = arith.xori %lt3A_922, %lt3A_924 : i1
      %and3A_926 = arith.andi %ne3A_925, %ne3A_920 : i1
      %add3A_927 = arith.addi %rem3A_918, %select_n3A_917 : i32
      %select_n3A_928 = arith.select %and3A_926, %add3A_927, %rem3A_918 : i32
      %mul3A_929 = arith.constant 8 : i32
      %mul3A_930 = arith.muli %select_n3A_928, %mul3A_929 : i32
      %dma_wait3A_931 = tpu.memref_slice %arg5[%select_n3A_912, %mul3A_930] : memref<50x32xi32, #tpu.memory_space<vmem>> -> memref<1x8xi32, #tpu.memory_space<vmem>>
      %dma_wait3A_932 = tpu.memref_squeeze %dma_wait3A_931 : memref<1x8xi32, #tpu.memory_space<vmem>> -> memref<8xi32, #tpu.memory_space<vmem>>
      %dma_wait3A_933 = arith.constant 0 : i32
      %dma_wait3A_934 = arith.constant 0 : i32
      %dma_wait3A_935 = tpu.memref_slice %arg2[%dma_wait3A_933, %dma_wait3A_934] : memref<2048x1536xf32, #tpu.memory_space<hbm>> -> memref<2048x1536xf32, #tpu.memory_space<hbm>>
      tpu.wait_indirect_dma semaphore(%arg21 : memref<!tpu.dma_semaphore, #tpu.memory_space<semaphore_mem>>) src(%dma_wait3A_935 : memref<2048x1536xf32, #tpu.memory_space<hbm>>) dst(%arg13 : memref<8x1536xf32, #tpu.memory_space<vmem>>)
      %jit3A_936 = arith.constant 4 : i32
      %div3A_937 = arith.divsi %add3A_888, %jit3A_936 : i32
      %sign3A_938 = arith.constant 0 : i32
      %sign3A_939 = arith.cmpi sgt, %add3A_888, %sign3A_938 : i32
      %sign3A_940 = arith.extui %sign3A_939 : i1 to i32
      %sign3A_941 = arith.constant 0 : i32
      %sign3A_942 = arith.cmpi slt, %add3A_888, %sign3A_941 : i32
      %sign3A_943 = arith.extui %sign3A_942 : i1 to i32
      %sign3A_944 = arith.subi %sign3A_940, %sign3A_943 : i32
      %sign3A_945 = arith.constant 0 : i32
      %sign3A_946 = arith.cmpi sgt, %jit3A_936, %sign3A_945 : i32
      %sign3A_947 = arith.extui %sign3A_946 : i1 to i32
      %sign3A_948 = arith.constant 0 : i32
      %sign3A_949 = arith.cmpi slt, %jit3A_936, %sign3A_948 : i32
      %sign3A_950 = arith.extui %sign3A_949 : i1 to i32
      %sign3A_951 = arith.subi %sign3A_947, %sign3A_950 : i32
      %ne3A_952 = arith.cmpi ne, %sign3A_944, %sign3A_951 : i32
      %rem3A_953 = arith.remsi %add3A_888, %jit3A_936 : i32
      %ne3A_954 = arith.constant 0 : i32
      %ne3A_955 = arith.cmpi ne, %rem3A_953, %ne3A_954 : i32
      %and3A_956 = arith.andi %ne3A_952, %ne3A_955 : i1
      %sub3A_957 = arith.constant 1 : i32
      %sub3A_958 = arith.subi %div3A_937, %sub3A_957 : i32
      %select_n3A_959 = arith.select %and3A_956, %sub3A_958, %div3A_937 : i32
      %jit3A_960 = arith.constant 4 : i32
      %eq3A_961 = arith.constant 0 : i32
      %eq3A_962 = arith.cmpi eq, %jit3A_960, %eq3A_961 : i32
      %jit3A_963 = arith.constant 1 : i32
      %select_n3A_964 = arith.select %eq3A_962, %jit3A_963, %jit3A_960 : i32
      %rem3A_965 = arith.remsi %add3A_888, %select_n3A_964 : i32
      %ne3A_966 = arith.constant 0 : i32
      %ne3A_967 = arith.cmpi ne, %rem3A_965, %ne3A_966 : i32
      %lt3A_968 = arith.constant 0 : i32
      %lt3A_969 = arith.cmpi slt, %rem3A_965, %lt3A_968 : i32
      %lt3A_970 = arith.constant 0 : i32
      %lt3A_971 = arith.cmpi slt, %select_n3A_964, %lt3A_970 : i32
      %ne3A_972 = arith.xori %lt3A_969, %lt3A_971 : i1
      %and3A_973 = arith.andi %ne3A_972, %ne3A_967 : i1
      %add3A_974 = arith.addi %rem3A_965, %select_n3A_964 : i32
      %select_n3A_975 = arith.select %and3A_973, %add3A_974, %rem3A_965 : i32
      %mul3A_976 = arith.constant 8 : i32
      %mul3A_977 = arith.muli %select_n3A_975, %mul3A_976 : i32
      %add3A_978 = arith.addi %mul3A_18, %mul3A_977 : i32
      %dma_start3A_979 = arith.constant 0 : i32
      %dma_start3A_980 = tpu.memref_slice %arg4[%select_n3A_959, %add3A_978, %dma_start3A_979] : memref<50x1024x1536xf32, #tpu.memory_space<hbm>> -> memref<1x8x1536xf32, #tpu.memory_space<hbm>>
      %dma_start3A_981 = tpu.memref_squeeze %dma_start3A_980 : memref<1x8x1536xf32, #tpu.memory_space<hbm>> -> memref<8x1536xf32, #tpu.memory_space<hbm>>
      %dma_start3A_982 = arith.constant 0 : i32
      %dma_start3A_983 = tpu.memref_slice %arg4[%select_n3A_959, %add3A_978, %dma_start3A_982] : memref<50x1024x1536xf32, #tpu.memory_space<hbm>> -> memref<1x8x1536xf32, #tpu.memory_space<hbm>>
      %dma_start3A_984 = tpu.memref_squeeze %dma_start3A_983 : memref<1x8x1536xf32, #tpu.memory_space<hbm>> -> memref<8x1536xf32, #tpu.memory_space<hbm>>
      tpu.enqueue_dma source(%arg13 : memref<8x1536xf32, #tpu.memory_space<vmem>>) target(%dma_start3A_984 : memref<8x1536xf32, #tpu.memory_space<hbm>>) target_semaphore(%arg29 : memref<!tpu.dma_semaphore, #tpu.memory_space<semaphore_mem>>)
      %sub3A_985 = arith.constant 4 : i32
      %sub3A_986 = arith.subi %add3A_888, %sub3A_985 : i32
      %jit3A_987 = arith.constant 4 : i32
      %div3A_988 = arith.divsi %sub3A_986, %jit3A_987 : i32
      %sign3A_989 = arith.constant 0 : i32
      %sign3A_990 = arith.cmpi sgt, %sub3A_986, %sign3A_989 : i32
      %sign3A_991 = arith.extui %sign3A_990 : i1 to i32
      %sign3A_992 = arith.constant 0 : i32
      %sign3A_993 = arith.cmpi slt, %sub3A_986, %sign3A_992 : i32
      %sign3A_994 = arith.extui %sign3A_993 : i1 to i32
      %sign3A_995 = arith.subi %sign3A_991, %sign3A_994 : i32
      %sign3A_996 = arith.constant 0 : i32
      %sign3A_997 = arith.cmpi sgt, %jit3A_987, %sign3A_996 : i32
      %sign3A_998 = arith.extui %sign3A_997 : i1 to i32
      %sign3A_999 = arith.constant 0 : i32
      %sign3A_1000 = arith.cmpi slt, %jit3A_987, %sign3A_999 : i32
      %sign3A_1001 = arith.extui %sign3A_1000 : i1 to i32
      %sign3A_1002 = arith.subi %sign3A_998, %sign3A_1001 : i32
      %ne3A_1003 = arith.cmpi ne, %sign3A_995, %sign3A_1002 : i32
      %rem3A_1004 = arith.remsi %sub3A_986, %jit3A_987 : i32
      %ne3A_1005 = arith.constant 0 : i32
      %ne3A_1006 = arith.cmpi ne, %rem3A_1004, %ne3A_1005 : i32
      %and3A_1007 = arith.andi %ne3A_1003, %ne3A_1006 : i1
      %sub3A_1008 = arith.constant 1 : i32
      %sub3A_1009 = arith.subi %div3A_988, %sub3A_1008 : i32
      %select_n3A_1010 = arith.select %and3A_1007, %sub3A_1009, %div3A_988 : i32
      %jit3A_1011 = arith.constant 4 : i32
      %eq3A_1012 = arith.constant 0 : i32
      %eq3A_1013 = arith.cmpi eq, %jit3A_1011, %eq3A_1012 : i32
      %jit3A_1014 = arith.constant 1 : i32
      %select_n3A_1015 = arith.select %eq3A_1013, %jit3A_1014, %jit3A_1011 : i32
      %rem3A_1016 = arith.remsi %sub3A_986, %select_n3A_1015 : i32
      %ne3A_1017 = arith.constant 0 : i32
      %ne3A_1018 = arith.cmpi ne, %rem3A_1016, %ne3A_1017 : i32
      %lt3A_1019 = arith.constant 0 : i32
      %lt3A_1020 = arith.cmpi slt, %rem3A_1016, %lt3A_1019 : i32
      %lt3A_1021 = arith.constant 0 : i32
      %lt3A_1022 = arith.cmpi slt, %select_n3A_1015, %lt3A_1021 : i32
      %ne3A_1023 = arith.xori %lt3A_1020, %lt3A_1022 : i1
      %and3A_1024 = arith.andi %ne3A_1023, %ne3A_1018 : i1
      %add3A_1025 = arith.addi %rem3A_1016, %select_n3A_1015 : i32
      %select_n3A_1026 = arith.select %and3A_1024, %add3A_1025, %rem3A_1016 : i32
      %mul3A_1027 = arith.constant 8 : i32
      %mul3A_1028 = arith.muli %select_n3A_1026, %mul3A_1027 : i32
      %add3A_1029 = arith.addi %mul3A_18, %mul3A_1028 : i32
      %dma_wait3A_1030 = arith.constant 0 : i32
      %dma_wait3A_1031 = tpu.memref_slice %arg4[%select_n3A_1010, %add3A_1029, %dma_wait3A_1030] : memref<50x1024x1536xf32, #tpu.memory_space<hbm>> -> memref<1x8x1536xf32, #tpu.memory_space<hbm>>
      %dma_wait3A_1032 = tpu.memref_squeeze %dma_wait3A_1031 : memref<1x8x1536xf32, #tpu.memory_space<hbm>> -> memref<8x1536xf32, #tpu.memory_space<hbm>>
      %dma_wait3A_1033 = arith.constant 0 : i32
      %dma_wait3A_1034 = tpu.memref_slice %arg4[%select_n3A_1010, %add3A_1029, %dma_wait3A_1033] : memref<50x1024x1536xf32, #tpu.memory_space<hbm>> -> memref<1x8x1536xf32, #tpu.memory_space<hbm>>
      %dma_wait3A_1035 = tpu.memref_squeeze %dma_wait3A_1034 : memref<1x8x1536xf32, #tpu.memory_space<hbm>> -> memref<8x1536xf32, #tpu.memory_space<hbm>>
      tpu.wait_dma2 semaphore(%arg25 : memref<!tpu.dma_semaphore, #tpu.memory_space<semaphore_mem>>) src(%arg9 : memref<8x1536xf32, #tpu.memory_space<vmem>>) dst(%dma_wait3A_1035 : memref<8x1536xf32, #tpu.memory_space<hbm>>)
      %add3A_1036 = arith.constant 4 : i32
      %add3A_1037 = arith.addi %add3A_888, %add3A_1036 : i32
      %jit3A_1038 = arith.constant 4 : i32
      %div3A_1039 = arith.divsi %add3A_1037, %jit3A_1038 : i32
      %sign3A_1040 = arith.constant 0 : i32
      %sign3A_1041 = arith.cmpi sgt, %add3A_1037, %sign3A_1040 : i32
      %sign3A_1042 = arith.extui %sign3A_1041 : i1 to i32
      %sign3A_1043 = arith.constant 0 : i32
      %sign3A_1044 = arith.cmpi slt, %add3A_1037, %sign3A_1043 : i32
      %sign3A_1045 = arith.extui %sign3A_1044 : i1 to i32
      %sign3A_1046 = arith.subi %sign3A_1042, %sign3A_1045 : i32
      %sign3A_1047 = arith.constant 0 : i32
      %sign3A_1048 = arith.cmpi sgt, %jit3A_1038, %sign3A_1047 : i32
      %sign3A_1049 = arith.extui %sign3A_1048 : i1 to i32
      %sign3A_1050 = arith.constant 0 : i32
      %sign3A_1051 = arith.cmpi slt, %jit3A_1038, %sign3A_1050 : i32
      %sign3A_1052 = arith.extui %sign3A_1051 : i1 to i32
      %sign3A_1053 = arith.subi %sign3A_1049, %sign3A_1052 : i32
      %ne3A_1054 = arith.cmpi ne, %sign3A_1046, %sign3A_1053 : i32
      %rem3A_1055 = arith.remsi %add3A_1037, %jit3A_1038 : i32
      %ne3A_1056 = arith.constant 0 : i32
      %ne3A_1057 = arith.cmpi ne, %rem3A_1055, %ne3A_1056 : i32
      %and3A_1058 = arith.andi %ne3A_1054, %ne3A_1057 : i1
      %sub3A_1059 = arith.constant 1 : i32
      %sub3A_1060 = arith.subi %div3A_1039, %sub3A_1059 : i32
      %select_n3A_1061 = arith.select %and3A_1058, %sub3A_1060, %div3A_1039 : i32
      %jit3A_1062 = arith.constant 4 : i32
      %eq3A_1063 = arith.constant 0 : i32
      %eq3A_1064 = arith.cmpi eq, %jit3A_1062, %eq3A_1063 : i32
      %jit3A_1065 = arith.constant 1 : i32
      %select_n3A_1066 = arith.select %eq3A_1064, %jit3A_1065, %jit3A_1062 : i32
      %rem3A_1067 = arith.remsi %add3A_1037, %select_n3A_1066 : i32
      %ne3A_1068 = arith.constant 0 : i32
      %ne3A_1069 = arith.cmpi ne, %rem3A_1067, %ne3A_1068 : i32
      %lt3A_1070 = arith.constant 0 : i32
      %lt3A_1071 = arith.cmpi slt, %rem3A_1067, %lt3A_1070 : i32
      %lt3A_1072 = arith.constant 0 : i32
      %lt3A_1073 = arith.cmpi slt, %select_n3A_1066, %lt3A_1072 : i32
      %ne3A_1074 = arith.xori %lt3A_1071, %lt3A_1073 : i1
      %and3A_1075 = arith.andi %ne3A_1074, %ne3A_1069 : i1
      %add3A_1076 = arith.addi %rem3A_1067, %select_n3A_1066 : i32
      %select_n3A_1077 = arith.select %and3A_1075, %add3A_1076, %rem3A_1067 : i32
      %mul3A_1078 = arith.constant 8 : i32
      %mul3A_1079 = arith.muli %select_n3A_1077, %mul3A_1078 : i32
      %dma_start3A_1080 = tpu.memref_slice %arg5[%select_n3A_1061, %mul3A_1079] : memref<50x32xi32, #tpu.memory_space<vmem>> -> memref<1x8xi32, #tpu.memory_space<vmem>>
      %dma_start3A_1081 = tpu.memref_squeeze %dma_start3A_1080 : memref<1x8xi32, #tpu.memory_space<vmem>> -> memref<8xi32, #tpu.memory_space<vmem>>
      %dma_start3A_1082 = arith.constant 0 : i32
      %dma_start3A_1083 = arith.constant 0 : i32
      %dma_start3A_1084 = tpu.memref_slice %arg2[%dma_start3A_1082, %dma_start3A_1083] : memref<2048x1536xf32, #tpu.memory_space<hbm>> -> memref<2048x1536xf32, #tpu.memory_space<hbm>>
      tpu.enqueue_indirect_dma source(%dma_start3A_1084 : memref<2048x1536xf32, #tpu.memory_space<hbm>>) target(%arg9 : memref<8x1536xf32, #tpu.memory_space<vmem>>) offsets(%dma_start3A_1081 : memref<8xi32, #tpu.memory_space<vmem>>) semaphore(%arg17 : memref<!tpu.dma_semaphore, #tpu.memory_space<semaphore_mem>>)
      %mul3A_1085 = arith.constant 8 : i32
      %mul3A_1086 = arith.muli %scan3A_279, %mul3A_1085 : i32
      %add3A_1087 = arith.constant 4 : i32
      %add3A_1088 = arith.addi %add3A_1087, %mul3A_1086 : i32
      %add3A_1089 = arith.constant 4 : i32
      %add3A_1090 = arith.addi %add3A_1088, %add3A_1089 : i32
      %jit3A_1091 = arith.constant 4 : i32
      %div3A_1092 = arith.divsi %add3A_1090, %jit3A_1091 : i32
      %sign3A_1093 = arith.constant 0 : i32
      %sign3A_1094 = arith.cmpi sgt, %add3A_1090, %sign3A_1093 : i32
      %sign3A_1095 = arith.extui %sign3A_1094 : i1 to i32
      %sign3A_1096 = arith.constant 0 : i32
      %sign3A_1097 = arith.cmpi slt, %add3A_1090, %sign3A_1096 : i32
      %sign3A_1098 = arith.extui %sign3A_1097 : i1 to i32
      %sign3A_1099 = arith.subi %sign3A_1095, %sign3A_1098 : i32
      %sign3A_1100 = arith.constant 0 : i32
      %sign3A_1101 = arith.cmpi sgt, %jit3A_1091, %sign3A_1100 : i32
      %sign3A_1102 = arith.extui %sign3A_1101 : i1 to i32
      %sign3A_1103 = arith.constant 0 : i32
      %sign3A_1104 = arith.cmpi slt, %jit3A_1091, %sign3A_1103 : i32
      %sign3A_1105 = arith.extui %sign3A_1104 : i1 to i32
      %sign3A_1106 = arith.subi %sign3A_1102, %sign3A_1105 : i32
      %ne3A_1107 = arith.cmpi ne, %sign3A_1099, %sign3A_1106 : i32
      %rem3A_1108 = arith.remsi %add3A_1090, %jit3A_1091 : i32
      %ne3A_1109 = arith.constant 0 : i32
      %ne3A_1110 = arith.cmpi ne, %rem3A_1108, %ne3A_1109 : i32
      %and3A_1111 = arith.andi %ne3A_1107, %ne3A_1110 : i1
      %sub3A_1112 = arith.constant 1 : i32
      %sub3A_1113 = arith.subi %div3A_1092, %sub3A_1112 : i32
      %select_n3A_1114 = arith.select %and3A_1111, %sub3A_1113, %div3A_1092 : i32
      %jit3A_1115 = arith.constant 4 : i32
      %eq3A_1116 = arith.constant 0 : i32
      %eq3A_1117 = arith.cmpi eq, %jit3A_1115, %eq3A_1116 : i32
      %jit3A_1118 = arith.constant 1 : i32
      %select_n3A_1119 = arith.select %eq3A_1117, %jit3A_1118, %jit3A_1115 : i32
      %rem3A_1120 = arith.remsi %add3A_1090, %select_n3A_1119 : i32
      %ne3A_1121 = arith.constant 0 : i32
      %ne3A_1122 = arith.cmpi ne, %rem3A_1120, %ne3A_1121 : i32
      %lt3A_1123 = arith.constant 0 : i32
      %lt3A_1124 = arith.cmpi slt, %rem3A_1120, %lt3A_1123 : i32
      %lt3A_1125 = arith.constant 0 : i32
      %lt3A_1126 = arith.cmpi slt, %select_n3A_1119, %lt3A_1125 : i32
      %ne3A_1127 = arith.xori %lt3A_1124, %lt3A_1126 : i1
      %and3A_1128 = arith.andi %ne3A_1127, %ne3A_1122 : i1
      %add3A_1129 = arith.addi %rem3A_1120, %select_n3A_1119 : i32
      %select_n3A_1130 = arith.select %and3A_1128, %add3A_1129, %rem3A_1120 : i32
      %mul3A_1131 = arith.constant 8 : i32
      %mul3A_1132 = arith.muli %select_n3A_1130, %mul3A_1131 : i32
      %dma_wait3A_1133 = tpu.memref_slice %arg5[%select_n3A_1114, %mul3A_1132] : memref<50x32xi32, #tpu.memory_space<vmem>> -> memref<1x8xi32, #tpu.memory_space<vmem>>
      %dma_wait3A_1134 = tpu.memref_squeeze %dma_wait3A_1133 : memref<1x8xi32, #tpu.memory_space<vmem>> -> memref<8xi32, #tpu.memory_space<vmem>>
      %dma_wait3A_1135 = arith.constant 0 : i32
      %dma_wait3A_1136 = arith.constant 0 : i32
      %dma_wait3A_1137 = tpu.memref_slice %arg2[%dma_wait3A_1135, %dma_wait3A_1136] : memref<2048x1536xf32, #tpu.memory_space<hbm>> -> memref<2048x1536xf32, #tpu.memory_space<hbm>>
      tpu.wait_indirect_dma semaphore(%arg14 : memref<!tpu.dma_semaphore, #tpu.memory_space<semaphore_mem>>) src(%dma_wait3A_1137 : memref<2048x1536xf32, #tpu.memory_space<hbm>>) dst(%arg6 : memref<8x1536xf32, #tpu.memory_space<vmem>>)
      %jit3A_1138 = arith.constant 4 : i32
      %div3A_1139 = arith.divsi %add3A_1090, %jit3A_1138 : i32
      %sign3A_1140 = arith.constant 0 : i32
      %sign3A_1141 = arith.cmpi sgt, %add3A_1090, %sign3A_1140 : i32
      %sign3A_1142 = arith.extui %sign3A_1141 : i1 to i32
      %sign3A_1143 = arith.constant 0 : i32
      %sign3A_1144 = arith.cmpi slt, %add3A_1090, %sign3A_1143 : i32
      %sign3A_1145 = arith.extui %sign3A_1144 : i1 to i32
      %sign3A_1146 = arith.subi %sign3A_1142, %sign3A_1145 : i32
      %sign3A_1147 = arith.constant 0 : i32
      %sign3A_1148 = arith.cmpi sgt, %jit3A_1138, %sign3A_1147 : i32
      %sign3A_1149 = arith.extui %sign3A_1148 : i1 to i32
      %sign3A_1150 = arith.constant 0 : i32
      %sign3A_1151 = arith.cmpi slt, %jit3A_1138, %sign3A_1150 : i32
      %sign3A_1152 = arith.extui %sign3A_1151 : i1 to i32
      %sign3A_1153 = arith.subi %sign3A_1149, %sign3A_1152 : i32
      %ne3A_1154 = arith.cmpi ne, %sign3A_1146, %sign3A_1153 : i32
      %rem3A_1155 = arith.remsi %add3A_1090, %jit3A_1138 : i32
      %ne3A_1156 = arith.constant 0 : i32
      %ne3A_1157 = arith.cmpi ne, %rem3A_1155, %ne3A_1156 : i32
      %and3A_1158 = arith.andi %ne3A_1154, %ne3A_1157 : i1
      %sub3A_1159 = arith.constant 1 : i32
      %sub3A_1160 = arith.subi %div3A_1139, %sub3A_1159 : i32
      %select_n3A_1161 = arith.select %and3A_1158, %sub3A_1160, %div3A_1139 : i32
      %jit3A_1162 = arith.constant 4 : i32
      %eq3A_1163 = arith.constant 0 : i32
      %eq3A_1164 = arith.cmpi eq, %jit3A_1162, %eq3A_1163 : i32
      %jit3A_1165 = arith.constant 1 : i32
      %select_n3A_1166 = arith.select %eq3A_1164, %jit3A_1165, %jit3A_1162 : i32
      %rem3A_1167 = arith.remsi %add3A_1090, %select_n3A_1166 : i32
      %ne3A_1168 = arith.constant 0 : i32
      %ne3A_1169 = arith.cmpi ne, %rem3A_1167, %ne3A_1168 : i32
      %lt3A_1170 = arith.constant 0 : i32
      %lt3A_1171 = arith.cmpi slt, %rem3A_1167, %lt3A_1170 : i32
      %lt3A_1172 = arith.constant 0 : i32
      %lt3A_1173 = arith.cmpi slt, %select_n3A_1166, %lt3A_1172 : i32
      %ne3A_1174 = arith.xori %lt3A_1171, %lt3A_1173 : i1
      %and3A_1175 = arith.andi %ne3A_1174, %ne3A_1169 : i1
      %add3A_1176 = arith.addi %rem3A_1167, %select_n3A_1166 : i32
      %select_n3A_1177 = arith.select %and3A_1175, %add3A_1176, %rem3A_1167 : i32
      %mul3A_1178 = arith.constant 8 : i32
      %mul3A_1179 = arith.muli %select_n3A_1177, %mul3A_1178 : i32
      %add3A_1180 = arith.addi %mul3A_18, %mul3A_1179 : i32
      %dma_start3A_1181 = arith.constant 0 : i32
      %dma_start3A_1182 = tpu.memref_slice %arg4[%select_n3A_1161, %add3A_1180, %dma_start3A_1181] : memref<50x1024x1536xf32, #tpu.memory_space<hbm>> -> memref<1x8x1536xf32, #tpu.memory_space<hbm>>
      %dma_start3A_1183 = tpu.memref_squeeze %dma_start3A_1182 : memref<1x8x1536xf32, #tpu.memory_space<hbm>> -> memref<8x1536xf32, #tpu.memory_space<hbm>>
      %dma_start3A_1184 = arith.constant 0 : i32
      %dma_start3A_1185 = tpu.memref_slice %arg4[%select_n3A_1161, %add3A_1180, %dma_start3A_1184] : memref<50x1024x1536xf32, #tpu.memory_space<hbm>> -> memref<1x8x1536xf32, #tpu.memory_space<hbm>>
      %dma_start3A_1186 = tpu.memref_squeeze %dma_start3A_1185 : memref<1x8x1536xf32, #tpu.memory_space<hbm>> -> memref<8x1536xf32, #tpu.memory_space<hbm>>
      tpu.enqueue_dma source(%arg6 : memref<8x1536xf32, #tpu.memory_space<vmem>>) target(%dma_start3A_1186 : memref<8x1536xf32, #tpu.memory_space<hbm>>) target_semaphore(%arg22 : memref<!tpu.dma_semaphore, #tpu.memory_space<semaphore_mem>>)
      %sub3A_1187 = arith.constant 4 : i32
      %sub3A_1188 = arith.subi %add3A_1090, %sub3A_1187 : i32
      %jit3A_1189 = arith.constant 4 : i32
      %div3A_1190 = arith.divsi %sub3A_1188, %jit3A_1189 : i32
      %sign3A_1191 = arith.constant 0 : i32
      %sign3A_1192 = arith.cmpi sgt, %sub3A_1188, %sign3A_1191 : i32
      %sign3A_1193 = arith.extui %sign3A_1192 : i1 to i32
      %sign3A_1194 = arith.constant 0 : i32
      %sign3A_1195 = arith.cmpi slt, %sub3A_1188, %sign3A_1194 : i32
      %sign3A_1196 = arith.extui %sign3A_1195 : i1 to i32
      %sign3A_1197 = arith.subi %sign3A_1193, %sign3A_1196 : i32
      %sign3A_1198 = arith.constant 0 : i32
      %sign3A_1199 = arith.cmpi sgt, %jit3A_1189, %sign3A_1198 : i32
      %sign3A_1200 = arith.extui %sign3A_1199 : i1 to i32
      %sign3A_1201 = arith.constant 0 : i32
      %sign3A_1202 = arith.cmpi slt, %jit3A_1189, %sign3A_1201 : i32
      %sign3A_1203 = arith.extui %sign3A_1202 : i1 to i32
      %sign3A_1204 = arith.subi %sign3A_1200, %sign3A_1203 : i32
      %ne3A_1205 = arith.cmpi ne, %sign3A_1197, %sign3A_1204 : i32
      %rem3A_1206 = arith.remsi %sub3A_1188, %jit3A_1189 : i32
      %ne3A_1207 = arith.constant 0 : i32
      %ne3A_1208 = arith.cmpi ne, %rem3A_1206, %ne3A_1207 : i32
      %and3A_1209 = arith.andi %ne3A_1205, %ne3A_1208 : i1
      %sub3A_1210 = arith.constant 1 : i32
      %sub3A_1211 = arith.subi %div3A_1190, %sub3A_1210 : i32
      %select_n3A_1212 = arith.select %and3A_1209, %sub3A_1211, %div3A_1190 : i32
      %jit3A_1213 = arith.constant 4 : i32
      %eq3A_1214 = arith.constant 0 : i32
      %eq3A_1215 = arith.cmpi eq, %jit3A_1213, %eq3A_1214 : i32
      %jit3A_1216 = arith.constant 1 : i32
      %select_n3A_1217 = arith.select %eq3A_1215, %jit3A_1216, %jit3A_1213 : i32
      %rem3A_1218 = arith.remsi %sub3A_1188, %select_n3A_1217 : i32
      %ne3A_1219 = arith.constant 0 : i32
      %ne3A_1220 = arith.cmpi ne, %rem3A_1218, %ne3A_1219 : i32
      %lt3A_1221 = arith.constant 0 : i32
      %lt3A_1222 = arith.cmpi slt, %rem3A_1218, %lt3A_1221 : i32
      %lt3A_1223 = arith.constant 0 : i32
      %lt3A_1224 = arith.cmpi slt, %select_n3A_1217, %lt3A_1223 : i32
      %ne3A_1225 = arith.xori %lt3A_1222, %lt3A_1224 : i1
      %and3A_1226 = arith.andi %ne3A_1225, %ne3A_1220 : i1
      %add3A_1227 = arith.addi %rem3A_1218, %select_n3A_1217 : i32
      %select_n3A_1228 = arith.select %and3A_1226, %add3A_1227, %rem3A_1218 : i32
      %mul3A_1229 = arith.constant 8 : i32
      %mul3A_1230 = arith.muli %select_n3A_1228, %mul3A_1229 : i32
      %add3A_1231 = arith.addi %mul3A_18, %mul3A_1230 : i32
      %dma_wait3A_1232 = arith.constant 0 : i32
      %dma_wait3A_1233 = tpu.memref_slice %arg4[%select_n3A_1212, %add3A_1231, %dma_wait3A_1232] : memref<50x1024x1536xf32, #tpu.memory_space<hbm>> -> memref<1x8x1536xf32, #tpu.memory_space<hbm>>
      %dma_wait3A_1234 = tpu.memref_squeeze %dma_wait3A_1233 : memref<1x8x1536xf32, #tpu.memory_space<hbm>> -> memref<8x1536xf32, #tpu.memory_space<hbm>>
      %dma_wait3A_1235 = arith.constant 0 : i32
      %dma_wait3A_1236 = tpu.memref_slice %arg4[%select_n3A_1212, %add3A_1231, %dma_wait3A_1235] : memref<50x1024x1536xf32, #tpu.memory_space<hbm>> -> memref<1x8x1536xf32, #tpu.memory_space<hbm>>
      %dma_wait3A_1237 = tpu.memref_squeeze %dma_wait3A_1236 : memref<1x8x1536xf32, #tpu.memory_space<hbm>> -> memref<8x1536xf32, #tpu.memory_space<hbm>>
      tpu.wait_dma2 semaphore(%arg26 : memref<!tpu.dma_semaphore, #tpu.memory_space<semaphore_mem>>) src(%arg10 : memref<8x1536xf32, #tpu.memory_space<vmem>>) dst(%dma_wait3A_1237 : memref<8x1536xf32, #tpu.memory_space<hbm>>)
      %add3A_1238 = arith.constant 4 : i32
      %add3A_1239 = arith.addi %add3A_1090, %add3A_1238 : i32
      %jit3A_1240 = arith.constant 4 : i32
      %div3A_1241 = arith.divsi %add3A_1239, %jit3A_1240 : i32
      %sign3A_1242 = arith.constant 0 : i32
      %sign3A_1243 = arith.cmpi sgt, %add3A_1239, %sign3A_1242 : i32
      %sign3A_1244 = arith.extui %sign3A_1243 : i1 to i32
      %sign3A_1245 = arith.constant 0 : i32
      %sign3A_1246 = arith.cmpi slt, %add3A_1239, %sign3A_1245 : i32
      %sign3A_1247 = arith.extui %sign3A_1246 : i1 to i32
      %sign3A_1248 = arith.subi %sign3A_1244, %sign3A_1247 : i32
      %sign3A_1249 = arith.constant 0 : i32
      %sign3A_1250 = arith.cmpi sgt, %jit3A_1240, %sign3A_1249 : i32
      %sign3A_1251 = arith.extui %sign3A_1250 : i1 to i32
      %sign3A_1252 = arith.constant 0 : i32
      %sign3A_1253 = arith.cmpi slt, %jit3A_1240, %sign3A_1252 : i32
      %sign3A_1254 = arith.extui %sign3A_1253 : i1 to i32
      %sign3A_1255 = arith.subi %sign3A_1251, %sign3A_1254 : i32
      %ne3A_1256 = arith.cmpi ne, %sign3A_1248, %sign3A_1255 : i32
      %rem3A_1257 = arith.remsi %add3A_1239, %jit3A_1240 : i32
      %ne3A_1258 = arith.constant 0 : i32
      %ne3A_1259 = arith.cmpi ne, %rem3A_1257, %ne3A_1258 : i32
      %and3A_1260 = arith.andi %ne3A_1256, %ne3A_1259 : i1
      %sub3A_1261 = arith.constant 1 : i32
      %sub3A_1262 = arith.subi %div3A_1241, %sub3A_1261 : i32
      %select_n3A_1263 = arith.select %and3A_1260, %sub3A_1262, %div3A_1241 : i32
      %jit3A_1264 = arith.constant 4 : i32
      %eq3A_1265 = arith.constant 0 : i32
      %eq3A_1266 = arith.cmpi eq, %jit3A_1264, %eq3A_1265 : i32
      %jit3A_1267 = arith.constant 1 : i32
      %select_n3A_1268 = arith.select %eq3A_1266, %jit3A_1267, %jit3A_1264 : i32
      %rem3A_1269 = arith.remsi %add3A_1239, %select_n3A_1268 : i32
      %ne3A_1270 = arith.constant 0 : i32
      %ne3A_1271 = arith.cmpi ne, %rem3A_1269, %ne3A_1270 : i32
      %lt3A_1272 = arith.constant 0 : i32
      %lt3A_1273 = arith.cmpi slt, %rem3A_1269, %lt3A_1272 : i32
      %lt3A_1274 = arith.constant 0 : i32
      %lt3A_1275 = arith.cmpi slt, %select_n3A_1268, %lt3A_1274 : i32
      %ne3A_1276 = arith.xori %lt3A_1273, %lt3A_1275 : i1
      %and3A_1277 = arith.andi %ne3A_1276, %ne3A_1271 : i1
      %add3A_1278 = arith.addi %rem3A_1269, %select_n3A_1268 : i32
      %select_n3A_1279 = arith.select %and3A_1277, %add3A_1278, %rem3A_1269 : i32
      %mul3A_1280 = arith.constant 8 : i32
      %mul3A_1281 = arith.muli %select_n3A_1279, %mul3A_1280 : i32
      %dma_start3A_1282 = tpu.memref_slice %arg5[%select_n3A_1263, %mul3A_1281] : memref<50x32xi32, #tpu.memory_space<vmem>> -> memref<1x8xi32, #tpu.memory_space<vmem>>
      %dma_start3A_1283 = tpu.memref_squeeze %dma_start3A_1282 : memref<1x8xi32, #tpu.memory_space<vmem>> -> memref<8xi32, #tpu.memory_space<vmem>>
      %dma_start3A_1284 = arith.constant 0 : i32
      %dma_start3A_1285 = arith.constant 0 : i32
      %dma_start3A_1286 = tpu.memref_slice %arg2[%dma_start3A_1284, %dma_start3A_1285] : memref<2048x1536xf32, #tpu.memory_space<hbm>> -> memref<2048x1536xf32, #tpu.memory_space<hbm>>
      tpu.enqueue_indirect_dma source(%dma_start3A_1286 : memref<2048x1536xf32, #tpu.memory_space<hbm>>) target(%arg10 : memref<8x1536xf32, #tpu.memory_space<vmem>>) offsets(%dma_start3A_1283 : memref<8xi32, #tpu.memory_space<vmem>>) semaphore(%arg18 : memref<!tpu.dma_semaphore, #tpu.memory_space<semaphore_mem>>)
      %mul3A_1287 = arith.constant 8 : i32
      %mul3A_1288 = arith.muli %scan3A_279, %mul3A_1287 : i32
      %add3A_1289 = arith.constant 4 : i32
      %add3A_1290 = arith.addi %add3A_1289, %mul3A_1288 : i32
      %add3A_1291 = arith.constant 5 : i32
      %add3A_1292 = arith.addi %add3A_1290, %add3A_1291 : i32
      %jit3A_1293 = arith.constant 4 : i32
      %div3A_1294 = arith.divsi %add3A_1292, %jit3A_1293 : i32
      %sign3A_1295 = arith.constant 0 : i32
      %sign3A_1296 = arith.cmpi sgt, %add3A_1292, %sign3A_1295 : i32
      %sign3A_1297 = arith.extui %sign3A_1296 : i1 to i32
      %sign3A_1298 = arith.constant 0 : i32
      %sign3A_1299 = arith.cmpi slt, %add3A_1292, %sign3A_1298 : i32
      %sign3A_1300 = arith.extui %sign3A_1299 : i1 to i32
      %sign3A_1301 = arith.subi %sign3A_1297, %sign3A_1300 : i32
      %sign3A_1302 = arith.constant 0 : i32
      %sign3A_1303 = arith.cmpi sgt, %jit3A_1293, %sign3A_1302 : i32
      %sign3A_1304 = arith.extui %sign3A_1303 : i1 to i32
      %sign3A_1305 = arith.constant 0 : i32
      %sign3A_1306 = arith.cmpi slt, %jit3A_1293, %sign3A_1305 : i32
      %sign3A_1307 = arith.extui %sign3A_1306 : i1 to i32
      %sign3A_1308 = arith.subi %sign3A_1304, %sign3A_1307 : i32
      %ne3A_1309 = arith.cmpi ne, %sign3A_1301, %sign3A_1308 : i32
      %rem3A_1310 = arith.remsi %add3A_1292, %jit3A_1293 : i32
      %ne3A_1311 = arith.constant 0 : i32
      %ne3A_1312 = arith.cmpi ne, %rem3A_1310, %ne3A_1311 : i32
      %and3A_1313 = arith.andi %ne3A_1309, %ne3A_1312 : i1
      %sub3A_1314 = arith.constant 1 : i32
      %sub3A_1315 = arith.subi %div3A_1294, %sub3A_1314 : i32
      %select_n3A_1316 = arith.select %and3A_1313, %sub3A_1315, %div3A_1294 : i32
      %jit3A_1317 = arith.constant 4 : i32
      %eq3A_1318 = arith.constant 0 : i32
      %eq3A_1319 = arith.cmpi eq, %jit3A_1317, %eq3A_1318 : i32
      %jit3A_1320 = arith.constant 1 : i32
      %select_n3A_1321 = arith.select %eq3A_1319, %jit3A_1320, %jit3A_1317 : i32
      %rem3A_1322 = arith.remsi %add3A_1292, %select_n3A_1321 : i32
      %ne3A_1323 = arith.constant 0 : i32
      %ne3A_1324 = arith.cmpi ne, %rem3A_1322, %ne3A_1323 : i32
      %lt3A_1325 = arith.constant 0 : i32
      %lt3A_1326 = arith.cmpi slt, %rem3A_1322, %lt3A_1325 : i32
      %lt3A_1327 = arith.constant 0 : i32
      %lt3A_1328 = arith.cmpi slt, %select_n3A_1321, %lt3A_1327 : i32
      %ne3A_1329 = arith.xori %lt3A_1326, %lt3A_1328 : i1
      %and3A_1330 = arith.andi %ne3A_1329, %ne3A_1324 : i1
      %add3A_1331 = arith.addi %rem3A_1322, %select_n3A_1321 : i32
      %select_n3A_1332 = arith.select %and3A_1330, %add3A_1331, %rem3A_1322 : i32
      %mul3A_1333 = arith.constant 8 : i32
      %mul3A_1334 = arith.muli %select_n3A_1332, %mul3A_1333 : i32
      %dma_wait3A_1335 = tpu.memref_slice %arg5[%select_n3A_1316, %mul3A_1334] : memref<50x32xi32, #tpu.memory_space<vmem>> -> memref<1x8xi32, #tpu.memory_space<vmem>>
      %dma_wait3A_1336 = tpu.memref_squeeze %dma_wait3A_1335 : memref<1x8xi32, #tpu.memory_space<vmem>> -> memref<8xi32, #tpu.memory_space<vmem>>
      %dma_wait3A_1337 = arith.constant 0 : i32
      %dma_wait3A_1338 = arith.constant 0 : i32
      %dma_wait3A_1339 = tpu.memref_slice %arg2[%dma_wait3A_1337, %dma_wait3A_1338] : memref<2048x1536xf32, #tpu.memory_space<hbm>> -> memref<2048x1536xf32, #tpu.memory_space<hbm>>
      tpu.wait_indirect_dma semaphore(%arg15 : memref<!tpu.dma_semaphore, #tpu.memory_space<semaphore_mem>>) src(%dma_wait3A_1339 : memref<2048x1536xf32, #tpu.memory_space<hbm>>) dst(%arg7 : memref<8x1536xf32, #tpu.memory_space<vmem>>)
      %jit3A_1340 = arith.constant 4 : i32
      %div3A_1341 = arith.divsi %add3A_1292, %jit3A_1340 : i32
      %sign3A_1342 = arith.constant 0 : i32
      %sign3A_1343 = arith.cmpi sgt, %add3A_1292, %sign3A_1342 : i32
      %sign3A_1344 = arith.extui %sign3A_1343 : i1 to i32
      %sign3A_1345 = arith.constant 0 : i32
      %sign3A_1346 = arith.cmpi slt, %add3A_1292, %sign3A_1345 : i32
      %sign3A_1347 = arith.extui %sign3A_1346 : i1 to i32
      %sign3A_1348 = arith.subi %sign3A_1344, %sign3A_1347 : i32
      %sign3A_1349 = arith.constant 0 : i32
      %sign3A_1350 = arith.cmpi sgt, %jit3A_1340, %sign3A_1349 : i32
      %sign3A_1351 = arith.extui %sign3A_1350 : i1 to i32
      %sign3A_1352 = arith.constant 0 : i32
      %sign3A_1353 = arith.cmpi slt, %jit3A_1340, %sign3A_1352 : i32
      %sign3A_1354 = arith.extui %sign3A_1353 : i1 to i32
      %sign3A_1355 = arith.subi %sign3A_1351, %sign3A_1354 : i32
      %ne3A_1356 = arith.cmpi ne, %sign3A_1348, %sign3A_1355 : i32
      %rem3A_1357 = arith.remsi %add3A_1292, %jit3A_1340 : i32
      %ne3A_1358 = arith.constant 0 : i32
      %ne3A_1359 = arith.cmpi ne, %rem3A_1357, %ne3A_1358 : i32
      %and3A_1360 = arith.andi %ne3A_1356, %ne3A_1359 : i1
      %sub3A_1361 = arith.constant 1 : i32
      %sub3A_1362 = arith.subi %div3A_1341, %sub3A_1361 : i32
      %select_n3A_1363 = arith.select %and3A_1360, %sub3A_1362, %div3A_1341 : i32
      %jit3A_1364 = arith.constant 4 : i32
      %eq3A_1365 = arith.constant 0 : i32
      %eq3A_1366 = arith.cmpi eq, %jit3A_1364, %eq3A_1365 : i32
      %jit3A_1367 = arith.constant 1 : i32
      %select_n3A_1368 = arith.select %eq3A_1366, %jit3A_1367, %jit3A_1364 : i32
      %rem3A_1369 = arith.remsi %add3A_1292, %select_n3A_1368 : i32
      %ne3A_1370 = arith.constant 0 : i32
      %ne3A_1371 = arith.cmpi ne, %rem3A_1369, %ne3A_1370 : i32
      %lt3A_1372 = arith.constant 0 : i32
      %lt3A_1373 = arith.cmpi slt, %rem3A_1369, %lt3A_1372 : i32
      %lt3A_1374 = arith.constant 0 : i32
      %lt3A_1375 = arith.cmpi slt, %select_n3A_1368, %lt3A_1374 : i32
      %ne3A_1376 = arith.xori %lt3A_1373, %lt3A_1375 : i1
      %and3A_1377 = arith.andi %ne3A_1376, %ne3A_1371 : i1
      %add3A_1378 = arith.addi %rem3A_1369, %select_n3A_1368 : i32
      %select_n3A_1379 = arith.select %and3A_1377, %add3A_1378, %rem3A_1369 : i32
      %mul3A_1380 = arith.constant 8 : i32
      %mul3A_1381 = arith.muli %select_n3A_1379, %mul3A_1380 : i32
      %add3A_1382 = arith.addi %mul3A_18, %mul3A_1381 : i32
      %dma_start3A_1383 = arith.constant 0 : i32
      %dma_start3A_1384 = tpu.memref_slice %arg4[%select_n3A_1363, %add3A_1382, %dma_start3A_1383] : memref<50x1024x1536xf32, #tpu.memory_space<hbm>> -> memref<1x8x1536xf32, #tpu.memory_space<hbm>>
      %dma_start3A_1385 = tpu.memref_squeeze %dma_start3A_1384 : memref<1x8x1536xf32, #tpu.memory_space<hbm>> -> memref<8x1536xf32, #tpu.memory_space<hbm>>
      %dma_start3A_1386 = arith.constant 0 : i32
      %dma_start3A_1387 = tpu.memref_slice %arg4[%select_n3A_1363, %add3A_1382, %dma_start3A_1386] : memref<50x1024x1536xf32, #tpu.memory_space<hbm>> -> memref<1x8x1536xf32, #tpu.memory_space<hbm>>
      %dma_start3A_1388 = tpu.memref_squeeze %dma_start3A_1387 : memref<1x8x1536xf32, #tpu.memory_space<hbm>> -> memref<8x1536xf32, #tpu.memory_space<hbm>>
      tpu.enqueue_dma source(%arg7 : memref<8x1536xf32, #tpu.memory_space<vmem>>) target(%dma_start3A_1388 : memref<8x1536xf32, #tpu.memory_space<hbm>>) target_semaphore(%arg23 : memref<!tpu.dma_semaphore, #tpu.memory_space<semaphore_mem>>)
      %sub3A_1389 = arith.constant 4 : i32
      %sub3A_1390 = arith.subi %add3A_1292, %sub3A_1389 : i32
      %jit3A_1391 = arith.constant 4 : i32
      %div3A_1392 = arith.divsi %sub3A_1390, %jit3A_1391 : i32
      %sign3A_1393 = arith.constant 0 : i32
      %sign3A_1394 = arith.cmpi sgt, %sub3A_1390, %sign3A_1393 : i32
      %sign3A_1395 = arith.extui %sign3A_1394 : i1 to i32
      %sign3A_1396 = arith.constant 0 : i32
      %sign3A_1397 = arith.cmpi slt, %sub3A_1390, %sign3A_1396 : i32
      %sign3A_1398 = arith.extui %sign3A_1397 : i1 to i32
      %sign3A_1399 = arith.subi %sign3A_1395, %sign3A_1398 : i32
      %sign3A_1400 = arith.constant 0 : i32
      %sign3A_1401 = arith.cmpi sgt, %jit3A_1391, %sign3A_1400 : i32
      %sign3A_1402 = arith.extui %sign3A_1401 : i1 to i32
      %sign3A_1403 = arith.constant 0 : i32
      %sign3A_1404 = arith.cmpi slt, %jit3A_1391, %sign3A_1403 : i32
      %sign3A_1405 = arith.extui %sign3A_1404 : i1 to i32
      %sign3A_1406 = arith.subi %sign3A_1402, %sign3A_1405 : i32
      %ne3A_1407 = arith.cmpi ne, %sign3A_1399, %sign3A_1406 : i32
      %rem3A_1408 = arith.remsi %sub3A_1390, %jit3A_1391 : i32
      %ne3A_1409 = arith.constant 0 : i32
      %ne3A_1410 = arith.cmpi ne, %rem3A_1408, %ne3A_1409 : i32
      %and3A_1411 = arith.andi %ne3A_1407, %ne3A_1410 : i1
      %sub3A_1412 = arith.constant 1 : i32
      %sub3A_1413 = arith.subi %div3A_1392, %sub3A_1412 : i32
      %select_n3A_1414 = arith.select %and3A_1411, %sub3A_1413, %div3A_1392 : i32
      %jit3A_1415 = arith.constant 4 : i32
      %eq3A_1416 = arith.constant 0 : i32
      %eq3A_1417 = arith.cmpi eq, %jit3A_1415, %eq3A_1416 : i32
      %jit3A_1418 = arith.constant 1 : i32
      %select_n3A_1419 = arith.select %eq3A_1417, %jit3A_1418, %jit3A_1415 : i32
      %rem3A_1420 = arith.remsi %sub3A_1390, %select_n3A_1419 : i32
      %ne3A_1421 = arith.constant 0 : i32
      %ne3A_1422 = arith.cmpi ne, %rem3A_1420, %ne3A_1421 : i32
      %lt3A_1423 = arith.constant 0 : i32
      %lt3A_1424 = arith.cmpi slt, %rem3A_1420, %lt3A_1423 : i32
      %lt3A_1425 = arith.constant 0 : i32
      %lt3A_1426 = arith.cmpi slt, %select_n3A_1419, %lt3A_1425 : i32
      %ne3A_1427 = arith.xori %lt3A_1424, %lt3A_1426 : i1
      %and3A_1428 = arith.andi %ne3A_1427, %ne3A_1422 : i1
      %add3A_1429 = arith.addi %rem3A_1420, %select_n3A_1419 : i32
      %select_n3A_1430 = arith.select %and3A_1428, %add3A_1429, %rem3A_1420 : i32
      %mul3A_1431 = arith.constant 8 : i32
      %mul3A_1432 = arith.muli %select_n3A_1430, %mul3A_1431 : i32
      %add3A_1433 = arith.addi %mul3A_18, %mul3A_1432 : i32
      %dma_wait3A_1434 = arith.constant 0 : i32
      %dma_wait3A_1435 = tpu.memref_slice %arg4[%select_n3A_1414, %add3A_1433, %dma_wait3A_1434] : memref<50x1024x1536xf32, #tpu.memory_space<hbm>> -> memref<1x8x1536xf32, #tpu.memory_space<hbm>>
      %dma_wait3A_1436 = tpu.memref_squeeze %dma_wait3A_1435 : memref<1x8x1536xf32, #tpu.memory_space<hbm>> -> memref<8x1536xf32, #tpu.memory_space<hbm>>
      %dma_wait3A_1437 = arith.constant 0 : i32
      %dma_wait3A_1438 = tpu.memref_slice %arg4[%select_n3A_1414, %add3A_1433, %dma_wait3A_1437] : memref<50x1024x1536xf32, #tpu.memory_space<hbm>> -> memref<1x8x1536xf32, #tpu.memory_space<hbm>>
      %dma_wait3A_1439 = tpu.memref_squeeze %dma_wait3A_1438 : memref<1x8x1536xf32, #tpu.memory_space<hbm>> -> memref<8x1536xf32, #tpu.memory_space<hbm>>
      tpu.wait_dma2 semaphore(%arg27 : memref<!tpu.dma_semaphore, #tpu.memory_space<semaphore_mem>>) src(%arg11 : memref<8x1536xf32, #tpu.memory_space<vmem>>) dst(%dma_wait3A_1439 : memref<8x1536xf32, #tpu.memory_space<hbm>>)
      %add3A_1440 = arith.constant 4 : i32
      %add3A_1441 = arith.addi %add3A_1292, %add3A_1440 : i32
      %jit3A_1442 = arith.constant 4 : i32
      %div3A_1443 = arith.divsi %add3A_1441, %jit3A_1442 : i32
      %sign3A_1444 = arith.constant 0 : i32
      %sign3A_1445 = arith.cmpi sgt, %add3A_1441, %sign3A_1444 : i32
      %sign3A_1446 = arith.extui %sign3A_1445 : i1 to i32
      %sign3A_1447 = arith.constant 0 : i32
      %sign3A_1448 = arith.cmpi slt, %add3A_1441, %sign3A_1447 : i32
      %sign3A_1449 = arith.extui %sign3A_1448 : i1 to i32
      %sign3A_1450 = arith.subi %sign3A_1446, %sign3A_1449 : i32
      %sign3A_1451 = arith.constant 0 : i32
      %sign3A_1452 = arith.cmpi sgt, %jit3A_1442, %sign3A_1451 : i32
      %sign3A_1453 = arith.extui %sign3A_1452 : i1 to i32
      %sign3A_1454 = arith.constant 0 : i32
      %sign3A_1455 = arith.cmpi slt, %jit3A_1442, %sign3A_1454 : i32
      %sign3A_1456 = arith.extui %sign3A_1455 : i1 to i32
      %sign3A_1457 = arith.subi %sign3A_1453, %sign3A_1456 : i32
      %ne3A_1458 = arith.cmpi ne, %sign3A_1450, %sign3A_1457 : i32
      %rem3A_1459 = arith.remsi %add3A_1441, %jit3A_1442 : i32
      %ne3A_1460 = arith.constant 0 : i32
      %ne3A_1461 = arith.cmpi ne, %rem3A_1459, %ne3A_1460 : i32
      %and3A_1462 = arith.andi %ne3A_1458, %ne3A_1461 : i1
      %sub3A_1463 = arith.constant 1 : i32
      %sub3A_1464 = arith.subi %div3A_1443, %sub3A_1463 : i32
      %select_n3A_1465 = arith.select %and3A_1462, %sub3A_1464, %div3A_1443 : i32
      %jit3A_1466 = arith.constant 4 : i32
      %eq3A_1467 = arith.constant 0 : i32
      %eq3A_1468 = arith.cmpi eq, %jit3A_1466, %eq3A_1467 : i32
      %jit3A_1469 = arith.constant 1 : i32
      %select_n3A_1470 = arith.select %eq3A_1468, %jit3A_1469, %jit3A_1466 : i32
      %rem3A_1471 = arith.remsi %add3A_1441, %select_n3A_1470 : i32
      %ne3A_1472 = arith.constant 0 : i32
      %ne3A_1473 = arith.cmpi ne, %rem3A_1471, %ne3A_1472 : i32
      %lt3A_1474 = arith.constant 0 : i32
      %lt3A_1475 = arith.cmpi slt, %rem3A_1471, %lt3A_1474 : i32
      %lt3A_1476 = arith.constant 0 : i32
      %lt3A_1477 = arith.cmpi slt, %select_n3A_1470, %lt3A_1476 : i32
      %ne3A_1478 = arith.xori %lt3A_1475, %lt3A_1477 : i1
      %and3A_1479 = arith.andi %ne3A_1478, %ne3A_1473 : i1
      %add3A_1480 = arith.addi %rem3A_1471, %select_n3A_1470 : i32
      %select_n3A_1481 = arith.select %and3A_1479, %add3A_1480, %rem3A_1471 : i32
      %mul3A_1482 = arith.constant 8 : i32
      %mul3A_1483 = arith.muli %select_n3A_1481, %mul3A_1482 : i32
      %dma_start3A_1484 = tpu.memref_slice %arg5[%select_n3A_1465, %mul3A_1483] : memref<50x32xi32, #tpu.memory_space<vmem>> -> memref<1x8xi32, #tpu.memory_space<vmem>>
      %dma_start3A_1485 = tpu.memref_squeeze %dma_start3A_1484 : memref<1x8xi32, #tpu.memory_space<vmem>> -> memref<8xi32, #tpu.memory_space<vmem>>
      %dma_start3A_1486 = arith.constant 0 : i32
      %dma_start3A_1487 = arith.constant 0 : i32
      %dma_start3A_1488 = tpu.memref_slice %arg2[%dma_start3A_1486, %dma_start3A_1487] : memref<2048x1536xf32, #tpu.memory_space<hbm>> -> memref<2048x1536xf32, #tpu.memory_space<hbm>>
      tpu.enqueue_indirect_dma source(%dma_start3A_1488 : memref<2048x1536xf32, #tpu.memory_space<hbm>>) target(%arg11 : memref<8x1536xf32, #tpu.memory_space<vmem>>) offsets(%dma_start3A_1485 : memref<8xi32, #tpu.memory_space<vmem>>) semaphore(%arg19 : memref<!tpu.dma_semaphore, #tpu.memory_space<semaphore_mem>>)
      %mul3A_1489 = arith.constant 8 : i32
      %mul3A_1490 = arith.muli %scan3A_279, %mul3A_1489 : i32
      %add3A_1491 = arith.constant 4 : i32
      %add3A_1492 = arith.addi %add3A_1491, %mul3A_1490 : i32
      %add3A_1493 = arith.constant 6 : i32
      %add3A_1494 = arith.addi %add3A_1492, %add3A_1493 : i32
      %jit3A_1495 = arith.constant 4 : i32
      %div3A_1496 = arith.divsi %add3A_1494, %jit3A_1495 : i32
      %sign3A_1497 = arith.constant 0 : i32
      %sign3A_1498 = arith.cmpi sgt, %add3A_1494, %sign3A_1497 : i32
      %sign3A_1499 = arith.extui %sign3A_1498 : i1 to i32
      %sign3A_1500 = arith.constant 0 : i32
      %sign3A_1501 = arith.cmpi slt, %add3A_1494, %sign3A_1500 : i32
      %sign3A_1502 = arith.extui %sign3A_1501 : i1 to i32
      %sign3A_1503 = arith.subi %sign3A_1499, %sign3A_1502 : i32
      %sign3A_1504 = arith.constant 0 : i32
      %sign3A_1505 = arith.cmpi sgt, %jit3A_1495, %sign3A_1504 : i32
      %sign3A_1506 = arith.extui %sign3A_1505 : i1 to i32
      %sign3A_1507 = arith.constant 0 : i32
      %sign3A_1508 = arith.cmpi slt, %jit3A_1495, %sign3A_1507 : i32
      %sign3A_1509 = arith.extui %sign3A_1508 : i1 to i32
      %sign3A_1510 = arith.subi %sign3A_1506, %sign3A_1509 : i32
      %ne3A_1511 = arith.cmpi ne, %sign3A_1503, %sign3A_1510 : i32
      %rem3A_1512 = arith.remsi %add3A_1494, %jit3A_1495 : i32
      %ne3A_1513 = arith.constant 0 : i32
      %ne3A_1514 = arith.cmpi ne, %rem3A_1512, %ne3A_1513 : i32
      %and3A_1515 = arith.andi %ne3A_1511, %ne3A_1514 : i1
      %sub3A_1516 = arith.constant 1 : i32
      %sub3A_1517 = arith.subi %div3A_1496, %sub3A_1516 : i32
      %select_n3A_1518 = arith.select %and3A_1515, %sub3A_1517, %div3A_1496 : i32
      %jit3A_1519 = arith.constant 4 : i32
      %eq3A_1520 = arith.constant 0 : i32
      %eq3A_1521 = arith.cmpi eq, %jit3A_1519, %eq3A_1520 : i32
      %jit3A_1522 = arith.constant 1 : i32
      %select_n3A_1523 = arith.select %eq3A_1521, %jit3A_1522, %jit3A_1519 : i32
      %rem3A_1524 = arith.remsi %add3A_1494, %select_n3A_1523 : i32
      %ne3A_1525 = arith.constant 0 : i32
      %ne3A_1526 = arith.cmpi ne, %rem3A_1524, %ne3A_1525 : i32
      %lt3A_1527 = arith.constant 0 : i32
      %lt3A_1528 = arith.cmpi slt, %rem3A_1524, %lt3A_1527 : i32
      %lt3A_1529 = arith.constant 0 : i32
      %lt3A_1530 = arith.cmpi slt, %select_n3A_1523, %lt3A_1529 : i32
      %ne3A_1531 = arith.xori %lt3A_1528, %lt3A_1530 : i1
      %and3A_1532 = arith.andi %ne3A_1531, %ne3A_1526 : i1
      %add3A_1533 = arith.addi %rem3A_1524, %select_n3A_1523 : i32
      %select_n3A_1534 = arith.select %and3A_1532, %add3A_1533, %rem3A_1524 : i32
      %mul3A_1535 = arith.constant 8 : i32
      %mul3A_1536 = arith.muli %select_n3A_1534, %mul3A_1535 : i32
      %dma_wait3A_1537 = tpu.memref_slice %arg5[%select_n3A_1518, %mul3A_1536] : memref<50x32xi32, #tpu.memory_space<vmem>> -> memref<1x8xi32, #tpu.memory_space<vmem>>
      %dma_wait3A_1538 = tpu.memref_squeeze %dma_wait3A_1537 : memref<1x8xi32, #tpu.memory_space<vmem>> -> memref<8xi32, #tpu.memory_space<vmem>>
      %dma_wait3A_1539 = arith.constant 0 : i32
      %dma_wait3A_1540 = arith.constant 0 : i32
      %dma_wait3A_1541 = tpu.memref_slice %arg2[%dma_wait3A_1539, %dma_wait3A_1540] : memref<2048x1536xf32, #tpu.memory_space<hbm>> -> memref<2048x1536xf32, #tpu.memory_space<hbm>>
      tpu.wait_indirect_dma semaphore(%arg16 : memref<!tpu.dma_semaphore, #tpu.memory_space<semaphore_mem>>) src(%dma_wait3A_1541 : memref<2048x1536xf32, #tpu.memory_space<hbm>>) dst(%arg8 : memref<8x1536xf32, #tpu.memory_space<vmem>>)
      %jit3A_1542 = arith.constant 4 : i32
      %div3A_1543 = arith.divsi %add3A_1494, %jit3A_1542 : i32
      %sign3A_1544 = arith.constant 0 : i32
      %sign3A_1545 = arith.cmpi sgt, %add3A_1494, %sign3A_1544 : i32
      %sign3A_1546 = arith.extui %sign3A_1545 : i1 to i32
      %sign3A_1547 = arith.constant 0 : i32
      %sign3A_1548 = arith.cmpi slt, %add3A_1494, %sign3A_1547 : i32
      %sign3A_1549 = arith.extui %sign3A_1548 : i1 to i32
      %sign3A_1550 = arith.subi %sign3A_1546, %sign3A_1549 : i32
      %sign3A_1551 = arith.constant 0 : i32
      %sign3A_1552 = arith.cmpi sgt, %jit3A_1542, %sign3A_1551 : i32
      %sign3A_1553 = arith.extui %sign3A_1552 : i1 to i32
      %sign3A_1554 = arith.constant 0 : i32
      %sign3A_1555 = arith.cmpi slt, %jit3A_1542, %sign3A_1554 : i32
      %sign3A_1556 = arith.extui %sign3A_1555 : i1 to i32
      %sign3A_1557 = arith.subi %sign3A_1553, %sign3A_1556 : i32
      %ne3A_1558 = arith.cmpi ne, %sign3A_1550, %sign3A_1557 : i32
      %rem3A_1559 = arith.remsi %add3A_1494, %jit3A_1542 : i32
      %ne3A_1560 = arith.constant 0 : i32
      %ne3A_1561 = arith.cmpi ne, %rem3A_1559, %ne3A_1560 : i32
      %and3A_1562 = arith.andi %ne3A_1558, %ne3A_1561 : i1
      %sub3A_1563 = arith.constant 1 : i32
      %sub3A_1564 = arith.subi %div3A_1543, %sub3A_1563 : i32
      %select_n3A_1565 = arith.select %and3A_1562, %sub3A_1564, %div3A_1543 : i32
      %jit3A_1566 = arith.constant 4 : i32
      %eq3A_1567 = arith.constant 0 : i32
      %eq3A_1568 = arith.cmpi eq, %jit3A_1566, %eq3A_1567 : i32
      %jit3A_1569 = arith.constant 1 : i32
      %select_n3A_1570 = arith.select %eq3A_1568, %jit3A_1569, %jit3A_1566 : i32
      %rem3A_1571 = arith.remsi %add3A_1494, %select_n3A_1570 : i32
      %ne3A_1572 = arith.constant 0 : i32
      %ne3A_1573 = arith.cmpi ne, %rem3A_1571, %ne3A_1572 : i32
      %lt3A_1574 = arith.constant 0 : i32
      %lt3A_1575 = arith.cmpi slt, %rem3A_1571, %lt3A_1574 : i32
      %lt3A_1576 = arith.constant 0 : i32
      %lt3A_1577 = arith.cmpi slt, %select_n3A_1570, %lt3A_1576 : i32
      %ne3A_1578 = arith.xori %lt3A_1575, %lt3A_1577 : i1
      %and3A_1579 = arith.andi %ne3A_1578, %ne3A_1573 : i1
      %add3A_1580 = arith.addi %rem3A_1571, %select_n3A_1570 : i32
      %select_n3A_1581 = arith.select %and3A_1579, %add3A_1580, %rem3A_1571 : i32
      %mul3A_1582 = arith.constant 8 : i32
      %mul3A_1583 = arith.muli %select_n3A_1581, %mul3A_1582 : i32
      %add3A_1584 = arith.addi %mul3A_18, %mul3A_1583 : i32
      %dma_start3A_1585 = arith.constant 0 : i32
      %dma_start3A_1586 = tpu.memref_slice %arg4[%select_n3A_1565, %add3A_1584, %dma_start3A_1585] : memref<50x1024x1536xf32, #tpu.memory_space<hbm>> -> memref<1x8x1536xf32, #tpu.memory_space<hbm>>
      %dma_start3A_1587 = tpu.memref_squeeze %dma_start3A_1586 : memref<1x8x1536xf32, #tpu.memory_space<hbm>> -> memref<8x1536xf32, #tpu.memory_space<hbm>>
      %dma_start3A_1588 = arith.constant 0 : i32
      %dma_start3A_1589 = tpu.memref_slice %arg4[%select_n3A_1565, %add3A_1584, %dma_start3A_1588] : memref<50x1024x1536xf32, #tpu.memory_space<hbm>> -> memref<1x8x1536xf32, #tpu.memory_space<hbm>>
      %dma_start3A_1590 = tpu.memref_squeeze %dma_start3A_1589 : memref<1x8x1536xf32, #tpu.memory_space<hbm>> -> memref<8x1536xf32, #tpu.memory_space<hbm>>
      tpu.enqueue_dma source(%arg8 : memref<8x1536xf32, #tpu.memory_space<vmem>>) target(%dma_start3A_1590 : memref<8x1536xf32, #tpu.memory_space<hbm>>) target_semaphore(%arg24 : memref<!tpu.dma_semaphore, #tpu.memory_space<semaphore_mem>>)
      %sub3A_1591 = arith.constant 4 : i32
      %sub3A_1592 = arith.subi %add3A_1494, %sub3A_1591 : i32
      %jit3A_1593 = arith.constant 4 : i32
      %div3A_1594 = arith.divsi %sub3A_1592, %jit3A_1593 : i32
      %sign3A_1595 = arith.constant 0 : i32
      %sign3A_1596 = arith.cmpi sgt, %sub3A_1592, %sign3A_1595 : i32
      %sign3A_1597 = arith.extui %sign3A_1596 : i1 to i32
      %sign3A_1598 = arith.constant 0 : i32
      %sign3A_1599 = arith.cmpi slt, %sub3A_1592, %sign3A_1598 : i32
      %sign3A_1600 = arith.extui %sign3A_1599 : i1 to i32
      %sign3A_1601 = arith.subi %sign3A_1597, %sign3A_1600 : i32
      %sign3A_1602 = arith.constant 0 : i32
      %sign3A_1603 = arith.cmpi sgt, %jit3A_1593, %sign3A_1602 : i32
      %sign3A_1604 = arith.extui %sign3A_1603 : i1 to i32
      %sign3A_1605 = arith.constant 0 : i32
      %sign3A_1606 = arith.cmpi slt, %jit3A_1593, %sign3A_1605 : i32
      %sign3A_1607 = arith.extui %sign3A_1606 : i1 to i32
      %sign3A_1608 = arith.subi %sign3A_1604, %sign3A_1607 : i32
      %ne3A_1609 = arith.cmpi ne, %sign3A_1601, %sign3A_1608 : i32
      %rem3A_1610 = arith.remsi %sub3A_1592, %jit3A_1593 : i32
      %ne3A_1611 = arith.constant 0 : i32
      %ne3A_1612 = arith.cmpi ne, %rem3A_1610, %ne3A_1611 : i32
      %and3A_1613 = arith.andi %ne3A_1609, %ne3A_1612 : i1
      %sub3A_1614 = arith.constant 1 : i32
      %sub3A_1615 = arith.subi %div3A_1594, %sub3A_1614 : i32
      %select_n3A_1616 = arith.select %and3A_1613, %sub3A_1615, %div3A_1594 : i32
      %jit3A_1617 = arith.constant 4 : i32
      %eq3A_1618 = arith.constant 0 : i32
      %eq3A_1619 = arith.cmpi eq, %jit3A_1617, %eq3A_1618 : i32
      %jit3A_1620 = arith.constant 1 : i32
      %select_n3A_1621 = arith.select %eq3A_1619, %jit3A_1620, %jit3A_1617 : i32
      %rem3A_1622 = arith.remsi %sub3A_1592, %select_n3A_1621 : i32
      %ne3A_1623 = arith.constant 0 : i32
      %ne3A_1624 = arith.cmpi ne, %rem3A_1622, %ne3A_1623 : i32
      %lt3A_1625 = arith.constant 0 : i32
      %lt3A_1626 = arith.cmpi slt, %rem3A_1622, %lt3A_1625 : i32
      %lt3A_1627 = arith.constant 0 : i32
      %lt3A_1628 = arith.cmpi slt, %select_n3A_1621, %lt3A_1627 : i32
      %ne3A_1629 = arith.xori %lt3A_1626, %lt3A_1628 : i1
      %and3A_1630 = arith.andi %ne3A_1629, %ne3A_1624 : i1
      %add3A_1631 = arith.addi %rem3A_1622, %select_n3A_1621 : i32
      %select_n3A_1632 = arith.select %and3A_1630, %add3A_1631, %rem3A_1622 : i32
      %mul3A_1633 = arith.constant 8 : i32
      %mul3A_1634 = arith.muli %select_n3A_1632, %mul3A_1633 : i32
      %add3A_1635 = arith.addi %mul3A_18, %mul3A_1634 : i32
      %dma_wait3A_1636 = arith.constant 0 : i32
      %dma_wait3A_1637 = tpu.memref_slice %arg4[%select_n3A_1616, %add3A_1635, %dma_wait3A_1636] : memref<50x1024x1536xf32, #tpu.memory_space<hbm>> -> memref<1x8x1536xf32, #tpu.memory_space<hbm>>
      %dma_wait3A_1638 = tpu.memref_squeeze %dma_wait3A_1637 : memref<1x8x1536xf32, #tpu.memory_space<hbm>> -> memref<8x1536xf32, #tpu.memory_space<hbm>>
      %dma_wait3A_1639 = arith.constant 0 : i32
      %dma_wait3A_1640 = tpu.memref_slice %arg4[%select_n3A_1616, %add3A_1635, %dma_wait3A_1639] : memref<50x1024x1536xf32, #tpu.memory_space<hbm>> -> memref<1x8x1536xf32, #tpu.memory_space<hbm>>
      %dma_wait3A_1641 = tpu.memref_squeeze %dma_wait3A_1640 : memref<1x8x1536xf32, #tpu.memory_space<hbm>> -> memref<8x1536xf32, #tpu.memory_space<hbm>>
      tpu.wait_dma2 semaphore(%arg28 : memref<!tpu.dma_semaphore, #tpu.memory_space<semaphore_mem>>) src(%arg12 : memref<8x1536xf32, #tpu.memory_space<vmem>>) dst(%dma_wait3A_1641 : memref<8x1536xf32, #tpu.memory_space<hbm>>)
      %add3A_1642 = arith.constant 4 : i32
      %add3A_1643 = arith.addi %add3A_1494, %add3A_1642 : i32
      %jit3A_1644 = arith.constant 4 : i32
      %div3A_1645 = arith.divsi %add3A_1643, %jit3A_1644 : i32
      %sign3A_1646 = arith.constant 0 : i32
      %sign3A_1647 = arith.cmpi sgt, %add3A_1643, %sign3A_1646 : i32
      %sign3A_1648 = arith.extui %sign3A_1647 : i1 to i32
      %sign3A_1649 = arith.constant 0 : i32
      %sign3A_1650 = arith.cmpi slt, %add3A_1643, %sign3A_1649 : i32
      %sign3A_1651 = arith.extui %sign3A_1650 : i1 to i32
      %sign3A_1652 = arith.subi %sign3A_1648, %sign3A_1651 : i32
      %sign3A_1653 = arith.constant 0 : i32
      %sign3A_1654 = arith.cmpi sgt, %jit3A_1644, %sign3A_1653 : i32
      %sign3A_1655 = arith.extui %sign3A_1654 : i1 to i32
      %sign3A_1656 = arith.constant 0 : i32
      %sign3A_1657 = arith.cmpi slt, %jit3A_1644, %sign3A_1656 : i32
      %sign3A_1658 = arith.extui %sign3A_1657 : i1 to i32
      %sign3A_1659 = arith.subi %sign3A_1655, %sign3A_1658 : i32
      %ne3A_1660 = arith.cmpi ne, %sign3A_1652, %sign3A_1659 : i32
      %rem3A_1661 = arith.remsi %add3A_1643, %jit3A_1644 : i32
      %ne3A_1662 = arith.constant 0 : i32
      %ne3A_1663 = arith.cmpi ne, %rem3A_1661, %ne3A_1662 : i32
      %and3A_1664 = arith.andi %ne3A_1660, %ne3A_1663 : i1
      %sub3A_1665 = arith.constant 1 : i32
      %sub3A_1666 = arith.subi %div3A_1645, %sub3A_1665 : i32
      %select_n3A_1667 = arith.select %and3A_1664, %sub3A_1666, %div3A_1645 : i32
      %jit3A_1668 = arith.constant 4 : i32
      %eq3A_1669 = arith.constant 0 : i32
      %eq3A_1670 = arith.cmpi eq, %jit3A_1668, %eq3A_1669 : i32
      %jit3A_1671 = arith.constant 1 : i32
      %select_n3A_1672 = arith.select %eq3A_1670, %jit3A_1671, %jit3A_1668 : i32
      %rem3A_1673 = arith.remsi %add3A_1643, %select_n3A_1672 : i32
      %ne3A_1674 = arith.constant 0 : i32
      %ne3A_1675 = arith.cmpi ne, %rem3A_1673, %ne3A_1674 : i32
      %lt3A_1676 = arith.constant 0 : i32
      %lt3A_1677 = arith.cmpi slt, %rem3A_1673, %lt3A_1676 : i32
      %lt3A_1678 = arith.constant 0 : i32
      %lt3A_1679 = arith.cmpi slt, %select_n3A_1672, %lt3A_1678 : i32
      %ne3A_1680 = arith.xori %lt3A_1677, %lt3A_1679 : i1
      %and3A_1681 = arith.andi %ne3A_1680, %ne3A_1675 : i1
      %add3A_1682 = arith.addi %rem3A_1673, %select_n3A_1672 : i32
      %select_n3A_1683 = arith.select %and3A_1681, %add3A_1682, %rem3A_1673 : i32
      %mul3A_1684 = arith.constant 8 : i32
      %mul3A_1685 = arith.muli %select_n3A_1683, %mul3A_1684 : i32
      %dma_start3A_1686 = tpu.memref_slice %arg5[%select_n3A_1667, %mul3A_1685] : memref<50x32xi32, #tpu.memory_space<vmem>> -> memref<1x8xi32, #tpu.memory_space<vmem>>
      %dma_start3A_1687 = tpu.memref_squeeze %dma_start3A_1686 : memref<1x8xi32, #tpu.memory_space<vmem>> -> memref<8xi32, #tpu.memory_space<vmem>>
      %dma_start3A_1688 = arith.constant 0 : i32
      %dma_start3A_1689 = arith.constant 0 : i32
      %dma_start3A_1690 = tpu.memref_slice %arg2[%dma_start3A_1688, %dma_start3A_1689] : memref<2048x1536xf32, #tpu.memory_space<hbm>> -> memref<2048x1536xf32, #tpu.memory_space<hbm>>
      tpu.enqueue_indirect_dma source(%dma_start3A_1690 : memref<2048x1536xf32, #tpu.memory_space<hbm>>) target(%arg12 : memref<8x1536xf32, #tpu.memory_space<vmem>>) offsets(%dma_start3A_1687 : memref<8xi32, #tpu.memory_space<vmem>>) semaphore(%arg20 : memref<!tpu.dma_semaphore, #tpu.memory_space<semaphore_mem>>)
      %mul3A_1691 = arith.constant 8 : i32
      %mul3A_1692 = arith.muli %scan3A_279, %mul3A_1691 : i32
      %add3A_1693 = arith.constant 4 : i32
      %add3A_1694 = arith.addi %add3A_1693, %mul3A_1692 : i32
      %add3A_1695 = arith.constant 7 : i32
      %add3A_1696 = arith.addi %add3A_1694, %add3A_1695 : i32
      %jit3A_1697 = arith.constant 4 : i32
      %div3A_1698 = arith.divsi %add3A_1696, %jit3A_1697 : i32
      %sign3A_1699 = arith.constant 0 : i32
      %sign3A_1700 = arith.cmpi sgt, %add3A_1696, %sign3A_1699 : i32
      %sign3A_1701 = arith.extui %sign3A_1700 : i1 to i32
      %sign3A_1702 = arith.constant 0 : i32
      %sign3A_1703 = arith.cmpi slt, %add3A_1696, %sign3A_1702 : i32
      %sign3A_1704 = arith.extui %sign3A_1703 : i1 to i32
      %sign3A_1705 = arith.subi %sign3A_1701, %sign3A_1704 : i32
      %sign3A_1706 = arith.constant 0 : i32
      %sign3A_1707 = arith.cmpi sgt, %jit3A_1697, %sign3A_1706 : i32
      %sign3A_1708 = arith.extui %sign3A_1707 : i1 to i32
      %sign3A_1709 = arith.constant 0 : i32
      %sign3A_1710 = arith.cmpi slt, %jit3A_1697, %sign3A_1709 : i32
      %sign3A_1711 = arith.extui %sign3A_1710 : i1 to i32
      %sign3A_1712 = arith.subi %sign3A_1708, %sign3A_1711 : i32
      %ne3A_1713 = arith.cmpi ne, %sign3A_1705, %sign3A_1712 : i32
      %rem3A_1714 = arith.remsi %add3A_1696, %jit3A_1697 : i32
      %ne3A_1715 = arith.constant 0 : i32
      %ne3A_1716 = arith.cmpi ne, %rem3A_1714, %ne3A_1715 : i32
      %and3A_1717 = arith.andi %ne3A_1713, %ne3A_1716 : i1
      %sub3A_1718 = arith.constant 1 : i32
      %sub3A_1719 = arith.subi %div3A_1698, %sub3A_1718 : i32
      %select_n3A_1720 = arith.select %and3A_1717, %sub3A_1719, %div3A_1698 : i32
      %jit3A_1721 = arith.constant 4 : i32
      %eq3A_1722 = arith.constant 0 : i32
      %eq3A_1723 = arith.cmpi eq, %jit3A_1721, %eq3A_1722 : i32
      %jit3A_1724 = arith.constant 1 : i32
      %select_n3A_1725 = arith.select %eq3A_1723, %jit3A_1724, %jit3A_1721 : i32
      %rem3A_1726 = arith.remsi %add3A_1696, %select_n3A_1725 : i32
      %ne3A_1727 = arith.constant 0 : i32
      %ne3A_1728 = arith.cmpi ne, %rem3A_1726, %ne3A_1727 : i32
      %lt3A_1729 = arith.constant 0 : i32
      %lt3A_1730 = arith.cmpi slt, %rem3A_1726, %lt3A_1729 : i32
      %lt3A_1731 = arith.constant 0 : i32
      %lt3A_1732 = arith.cmpi slt, %select_n3A_1725, %lt3A_1731 : i32
      %ne3A_1733 = arith.xori %lt3A_1730, %lt3A_1732 : i1
      %and3A_1734 = arith.andi %ne3A_1733, %ne3A_1728 : i1
      %add3A_1735 = arith.addi %rem3A_1726, %select_n3A_1725 : i32
      %select_n3A_1736 = arith.select %and3A_1734, %add3A_1735, %rem3A_1726 : i32
      %mul3A_1737 = arith.constant 8 : i32
      %mul3A_1738 = arith.muli %select_n3A_1736, %mul3A_1737 : i32
      %dma_wait3A_1739 = tpu.memref_slice %arg5[%select_n3A_1720, %mul3A_1738] : memref<50x32xi32, #tpu.memory_space<vmem>> -> memref<1x8xi32, #tpu.memory_space<vmem>>
      %dma_wait3A_1740 = tpu.memref_squeeze %dma_wait3A_1739 : memref<1x8xi32, #tpu.memory_space<vmem>> -> memref<8xi32, #tpu.memory_space<vmem>>
      %dma_wait3A_1741 = arith.constant 0 : i32
      %dma_wait3A_1742 = arith.constant 0 : i32
      %dma_wait3A_1743 = tpu.memref_slice %arg2[%dma_wait3A_1741, %dma_wait3A_1742] : memref<2048x1536xf32, #tpu.memory_space<hbm>> -> memref<2048x1536xf32, #tpu.memory_space<hbm>>
      tpu.wait_indirect_dma semaphore(%arg17 : memref<!tpu.dma_semaphore, #tpu.memory_space<semaphore_mem>>) src(%dma_wait3A_1743 : memref<2048x1536xf32, #tpu.memory_space<hbm>>) dst(%arg9 : memref<8x1536xf32, #tpu.memory_space<vmem>>)
      %jit3A_1744 = arith.constant 4 : i32
      %div3A_1745 = arith.divsi %add3A_1696, %jit3A_1744 : i32
      %sign3A_1746 = arith.constant 0 : i32
      %sign3A_1747 = arith.cmpi sgt, %add3A_1696, %sign3A_1746 : i32
      %sign3A_1748 = arith.extui %sign3A_1747 : i1 to i32
      %sign3A_1749 = arith.constant 0 : i32
      %sign3A_1750 = arith.cmpi slt, %add3A_1696, %sign3A_1749 : i32
      %sign3A_1751 = arith.extui %sign3A_1750 : i1 to i32
      %sign3A_1752 = arith.subi %sign3A_1748, %sign3A_1751 : i32
      %sign3A_1753 = arith.constant 0 : i32
      %sign3A_1754 = arith.cmpi sgt, %jit3A_1744, %sign3A_1753 : i32
      %sign3A_1755 = arith.extui %sign3A_1754 : i1 to i32
      %sign3A_1756 = arith.constant 0 : i32
      %sign3A_1757 = arith.cmpi slt, %jit3A_1744, %sign3A_1756 : i32
      %sign3A_1758 = arith.extui %sign3A_1757 : i1 to i32
      %sign3A_1759 = arith.subi %sign3A_1755, %sign3A_1758 : i32
      %ne3A_1760 = arith.cmpi ne, %sign3A_1752, %sign3A_1759 : i32
      %rem3A_1761 = arith.remsi %add3A_1696, %jit3A_1744 : i32
      %ne3A_1762 = arith.constant 0 : i32
      %ne3A_1763 = arith.cmpi ne, %rem3A_1761, %ne3A_1762 : i32
      %and3A_1764 = arith.andi %ne3A_1760, %ne3A_1763 : i1
      %sub3A_1765 = arith.constant 1 : i32
      %sub3A_1766 = arith.subi %div3A_1745, %sub3A_1765 : i32
      %select_n3A_1767 = arith.select %and3A_1764, %sub3A_1766, %div3A_1745 : i32
      %jit3A_1768 = arith.constant 4 : i32
      %eq3A_1769 = arith.constant 0 : i32
      %eq3A_1770 = arith.cmpi eq, %jit3A_1768, %eq3A_1769 : i32
      %jit3A_1771 = arith.constant 1 : i32
      %select_n3A_1772 = arith.select %eq3A_1770, %jit3A_1771, %jit3A_1768 : i32
      %rem3A_1773 = arith.remsi %add3A_1696, %select_n3A_1772 : i32
      %ne3A_1774 = arith.constant 0 : i32
      %ne3A_1775 = arith.cmpi ne, %rem3A_1773, %ne3A_1774 : i32
      %lt3A_1776 = arith.constant 0 : i32
      %lt3A_1777 = arith.cmpi slt, %rem3A_1773, %lt3A_1776 : i32
      %lt3A_1778 = arith.constant 0 : i32
      %lt3A_1779 = arith.cmpi slt, %select_n3A_1772, %lt3A_1778 : i32
      %ne3A_1780 = arith.xori %lt3A_1777, %lt3A_1779 : i1
      %and3A_1781 = arith.andi %ne3A_1780, %ne3A_1775 : i1
      %add3A_1782 = arith.addi %rem3A_1773, %select_n3A_1772 : i32
      %select_n3A_1783 = arith.select %and3A_1781, %add3A_1782, %rem3A_1773 : i32
      %mul3A_1784 = arith.constant 8 : i32
      %mul3A_1785 = arith.muli %select_n3A_1783, %mul3A_1784 : i32
      %add3A_1786 = arith.addi %mul3A_18, %mul3A_1785 : i32
      %dma_start3A_1787 = arith.constant 0 : i32
      %dma_start3A_1788 = tpu.memref_slice %arg4[%select_n3A_1767, %add3A_1786, %dma_start3A_1787] : memref<50x1024x1536xf32, #tpu.memory_space<hbm>> -> memref<1x8x1536xf32, #tpu.memory_space<hbm>>
      %dma_start3A_1789 = tpu.memref_squeeze %dma_start3A_1788 : memref<1x8x1536xf32, #tpu.memory_space<hbm>> -> memref<8x1536xf32, #tpu.memory_space<hbm>>
      %dma_start3A_1790 = arith.constant 0 : i32
      %dma_start3A_1791 = tpu.memref_slice %arg4[%select_n3A_1767, %add3A_1786, %dma_start3A_1790] : memref<50x1024x1536xf32, #tpu.memory_space<hbm>> -> memref<1x8x1536xf32, #tpu.memory_space<hbm>>
      %dma_start3A_1792 = tpu.memref_squeeze %dma_start3A_1791 : memref<1x8x1536xf32, #tpu.memory_space<hbm>> -> memref<8x1536xf32, #tpu.memory_space<hbm>>
      tpu.enqueue_dma source(%arg9 : memref<8x1536xf32, #tpu.memory_space<vmem>>) target(%dma_start3A_1792 : memref<8x1536xf32, #tpu.memory_space<hbm>>) target_semaphore(%arg25 : memref<!tpu.dma_semaphore, #tpu.memory_space<semaphore_mem>>)
      %sub3A_1793 = arith.constant 4 : i32
      %sub3A_1794 = arith.subi %add3A_1696, %sub3A_1793 : i32
      %jit3A_1795 = arith.constant 4 : i32
      %div3A_1796 = arith.divsi %sub3A_1794, %jit3A_1795 : i32
      %sign3A_1797 = arith.constant 0 : i32
      %sign3A_1798 = arith.cmpi sgt, %sub3A_1794, %sign3A_1797 : i32
      %sign3A_1799 = arith.extui %sign3A_1798 : i1 to i32
      %sign3A_1800 = arith.constant 0 : i32
      %sign3A_1801 = arith.cmpi slt, %sub3A_1794, %sign3A_1800 : i32
      %sign3A_1802 = arith.extui %sign3A_1801 : i1 to i32
      %sign3A_1803 = arith.subi %sign3A_1799, %sign3A_1802 : i32
      %sign3A_1804 = arith.constant 0 : i32
      %sign3A_1805 = arith.cmpi sgt, %jit3A_1795, %sign3A_1804 : i32
      %sign3A_1806 = arith.extui %sign3A_1805 : i1 to i32
      %sign3A_1807 = arith.constant 0 : i32
      %sign3A_1808 = arith.cmpi slt, %jit3A_1795, %sign3A_1807 : i32
      %sign3A_1809 = arith.extui %sign3A_1808 : i1 to i32
      %sign3A_1810 = arith.subi %sign3A_1806, %sign3A_1809 : i32
      %ne3A_1811 = arith.cmpi ne, %sign3A_1803, %sign3A_1810 : i32
      %rem3A_1812 = arith.remsi %sub3A_1794, %jit3A_1795 : i32
      %ne3A_1813 = arith.constant 0 : i32
      %ne3A_1814 = arith.cmpi ne, %rem3A_1812, %ne3A_1813 : i32
      %and3A_1815 = arith.andi %ne3A_1811, %ne3A_1814 : i1
      %sub3A_1816 = arith.constant 1 : i32
      %sub3A_1817 = arith.subi %div3A_1796, %sub3A_1816 : i32
      %select_n3A_1818 = arith.select %and3A_1815, %sub3A_1817, %div3A_1796 : i32
      %jit3A_1819 = arith.constant 4 : i32
      %eq3A_1820 = arith.constant 0 : i32
      %eq3A_1821 = arith.cmpi eq, %jit3A_1819, %eq3A_1820 : i32
      %jit3A_1822 = arith.constant 1 : i32
      %select_n3A_1823 = arith.select %eq3A_1821, %jit3A_1822, %jit3A_1819 : i32
      %rem3A_1824 = arith.remsi %sub3A_1794, %select_n3A_1823 : i32
      %ne3A_1825 = arith.constant 0 : i32
      %ne3A_1826 = arith.cmpi ne, %rem3A_1824, %ne3A_1825 : i32
      %lt3A_1827 = arith.constant 0 : i32
      %lt3A_1828 = arith.cmpi slt, %rem3A_1824, %lt3A_1827 : i32
      %lt3A_1829 = arith.constant 0 : i32
      %lt3A_1830 = arith.cmpi slt, %select_n3A_1823, %lt3A_1829 : i32
      %ne3A_1831 = arith.xori %lt3A_1828, %lt3A_1830 : i1
      %and3A_1832 = arith.andi %ne3A_1831, %ne3A_1826 : i1
      %add3A_1833 = arith.addi %rem3A_1824, %select_n3A_1823 : i32
      %select_n3A_1834 = arith.select %and3A_1832, %add3A_1833, %rem3A_1824 : i32
      %mul3A_1835 = arith.constant 8 : i32
      %mul3A_1836 = arith.muli %select_n3A_1834, %mul3A_1835 : i32
      %add3A_1837 = arith.addi %mul3A_18, %mul3A_1836 : i32
      %dma_wait3A_1838 = arith.constant 0 : i32
      %dma_wait3A_1839 = tpu.memref_slice %arg4[%select_n3A_1818, %add3A_1837, %dma_wait3A_1838] : memref<50x1024x1536xf32, #tpu.memory_space<hbm>> -> memref<1x8x1536xf32, #tpu.memory_space<hbm>>
      %dma_wait3A_1840 = tpu.memref_squeeze %dma_wait3A_1839 : memref<1x8x1536xf32, #tpu.memory_space<hbm>> -> memref<8x1536xf32, #tpu.memory_space<hbm>>
      %dma_wait3A_1841 = arith.constant 0 : i32
      %dma_wait3A_1842 = tpu.memref_slice %arg4[%select_n3A_1818, %add3A_1837, %dma_wait3A_1841] : memref<50x1024x1536xf32, #tpu.memory_space<hbm>> -> memref<1x8x1536xf32, #tpu.memory_space<hbm>>
      %dma_wait3A_1843 = tpu.memref_squeeze %dma_wait3A_1842 : memref<1x8x1536xf32, #tpu.memory_space<hbm>> -> memref<8x1536xf32, #tpu.memory_space<hbm>>
      tpu.wait_dma2 semaphore(%arg29 : memref<!tpu.dma_semaphore, #tpu.memory_space<semaphore_mem>>) src(%arg13 : memref<8x1536xf32, #tpu.memory_space<vmem>>) dst(%dma_wait3A_1843 : memref<8x1536xf32, #tpu.memory_space<hbm>>)
      %add3A_1844 = arith.constant 4 : i32
      %add3A_1845 = arith.addi %add3A_1696, %add3A_1844 : i32
      %jit3A_1846 = arith.constant 4 : i32
      %div3A_1847 = arith.divsi %add3A_1845, %jit3A_1846 : i32
      %sign3A_1848 = arith.constant 0 : i32
      %sign3A_1849 = arith.cmpi sgt, %add3A_1845, %sign3A_1848 : i32
      %sign3A_1850 = arith.extui %sign3A_1849 : i1 to i32
      %sign3A_1851 = arith.constant 0 : i32
      %sign3A_1852 = arith.cmpi slt, %add3A_1845, %sign3A_1851 : i32
      %sign3A_1853 = arith.extui %sign3A_1852 : i1 to i32
      %sign3A_1854 = arith.subi %sign3A_1850, %sign3A_1853 : i32
      %sign3A_1855 = arith.constant 0 : i32
      %sign3A_1856 = arith.cmpi sgt, %jit3A_1846, %sign3A_1855 : i32
      %sign3A_1857 = arith.extui %sign3A_1856 : i1 to i32
      %sign3A_1858 = arith.constant 0 : i32
      %sign3A_1859 = arith.cmpi slt, %jit3A_1846, %sign3A_1858 : i32
      %sign3A_1860 = arith.extui %sign3A_1859 : i1 to i32
      %sign3A_1861 = arith.subi %sign3A_1857, %sign3A_1860 : i32
      %ne3A_1862 = arith.cmpi ne, %sign3A_1854, %sign3A_1861 : i32
      %rem3A_1863 = arith.remsi %add3A_1845, %jit3A_1846 : i32
      %ne3A_1864 = arith.constant 0 : i32
      %ne3A_1865 = arith.cmpi ne, %rem3A_1863, %ne3A_1864 : i32
      %and3A_1866 = arith.andi %ne3A_1862, %ne3A_1865 : i1
      %sub3A_1867 = arith.constant 1 : i32
      %sub3A_1868 = arith.subi %div3A_1847, %sub3A_1867 : i32
      %select_n3A_1869 = arith.select %and3A_1866, %sub3A_1868, %div3A_1847 : i32
      %jit3A_1870 = arith.constant 4 : i32
      %eq3A_1871 = arith.constant 0 : i32
      %eq3A_1872 = arith.cmpi eq, %jit3A_1870, %eq3A_1871 : i32
      %jit3A_1873 = arith.constant 1 : i32
      %select_n3A_1874 = arith.select %eq3A_1872, %jit3A_1873, %jit3A_1870 : i32
      %rem3A_1875 = arith.remsi %add3A_1845, %select_n3A_1874 : i32
      %ne3A_1876 = arith.constant 0 : i32
      %ne3A_1877 = arith.cmpi ne, %rem3A_1875, %ne3A_1876 : i32
      %lt3A_1878 = arith.constant 0 : i32
      %lt3A_1879 = arith.cmpi slt, %rem3A_1875, %lt3A_1878 : i32
      %lt3A_1880 = arith.constant 0 : i32
      %lt3A_1881 = arith.cmpi slt, %select_n3A_1874, %lt3A_1880 : i32
      %ne3A_1882 = arith.xori %lt3A_1879, %lt3A_1881 : i1
      %and3A_1883 = arith.andi %ne3A_1882, %ne3A_1877 : i1
      %add3A_1884 = arith.addi %rem3A_1875, %select_n3A_1874 : i32
      %select_n3A_1885 = arith.select %and3A_1883, %add3A_1884, %rem3A_1875 : i32
      %mul3A_1886 = arith.constant 8 : i32
      %mul3A_1887 = arith.muli %select_n3A_1885, %mul3A_1886 : i32
      %dma_start3A_1888 = tpu.memref_slice %arg5[%select_n3A_1869, %mul3A_1887] : memref<50x32xi32, #tpu.memory_space<vmem>> -> memref<1x8xi32, #tpu.memory_space<vmem>>
      %dma_start3A_1889 = tpu.memref_squeeze %dma_start3A_1888 : memref<1x8xi32, #tpu.memory_space<vmem>> -> memref<8xi32, #tpu.memory_space<vmem>>
      %dma_start3A_1890 = arith.constant 0 : i32
      %dma_start3A_1891 = arith.constant 0 : i32
      %dma_start3A_1892 = tpu.memref_slice %arg2[%dma_start3A_1890, %dma_start3A_1891] : memref<2048x1536xf32, #tpu.memory_space<hbm>> -> memref<2048x1536xf32, #tpu.memory_space<hbm>>
      tpu.enqueue_indirect_dma source(%dma_start3A_1892 : memref<2048x1536xf32, #tpu.memory_space<hbm>>) target(%arg13 : memref<8x1536xf32, #tpu.memory_space<vmem>>) offsets(%dma_start3A_1889 : memref<8xi32, #tpu.memory_space<vmem>>) semaphore(%arg21 : memref<!tpu.dma_semaphore, #tpu.memory_space<semaphore_mem>>)
    }
    %scan3A_142 = arith.constant 24 : i32
    %dma_wait3A_143 = arith.constant 49 : i32
    %dma_wait3A_144 = arith.constant 0 : i32
    %dma_wait3A_145 = tpu.memref_slice %arg5[%dma_wait3A_143, %dma_wait3A_144] : memref<50x32xi32, #tpu.memory_space<vmem>> -> memref<1x8xi32, #tpu.memory_space<vmem>>
    %dma_wait3A_146 = tpu.memref_squeeze %dma_wait3A_145 : memref<1x8xi32, #tpu.memory_space<vmem>> -> memref<8xi32, #tpu.memory_space<vmem>>
    %dma_wait3A_147 = arith.constant 0 : i32
    %dma_wait3A_148 = arith.constant 0 : i32
    %dma_wait3A_149 = tpu.memref_slice %arg2[%dma_wait3A_147, %dma_wait3A_148] : memref<2048x1536xf32, #tpu.memory_space<hbm>> -> memref<2048x1536xf32, #tpu.memory_space<hbm>>
    tpu.wait_indirect_dma semaphore(%arg18 : memref<!tpu.dma_semaphore, #tpu.memory_space<semaphore_mem>>) src(%dma_wait3A_149 : memref<2048x1536xf32, #tpu.memory_space<hbm>>) dst(%arg10 : memref<8x1536xf32, #tpu.memory_space<vmem>>)
    %add3A_150 = arith.constant 0 : i32
    %add3A_151 = arith.addi %mul3A_18, %add3A_150 : i32
    %dma_start3A_152 = arith.constant 49 : i32
    %dma_start3A_153 = arith.constant 0 : i32
    %dma_start3A_154 = tpu.memref_slice %arg4[%dma_start3A_152, %add3A_151, %dma_start3A_153] : memref<50x1024x1536xf32, #tpu.memory_space<hbm>> -> memref<1x8x1536xf32, #tpu.memory_space<hbm>>
    %dma_start3A_155 = tpu.memref_squeeze %dma_start3A_154 : memref<1x8x1536xf32, #tpu.memory_space<hbm>> -> memref<8x1536xf32, #tpu.memory_space<hbm>>
    %dma_start3A_156 = arith.constant 0 : i32
    %dma_start3A_157 = tpu.memref_slice %arg4[%dma_start3A_152, %add3A_151, %dma_start3A_156] : memref<50x1024x1536xf32, #tpu.memory_space<hbm>> -> memref<1x8x1536xf32, #tpu.memory_space<hbm>>
    %dma_start3A_158 = tpu.memref_squeeze %dma_start3A_157 : memref<1x8x1536xf32, #tpu.memory_space<hbm>> -> memref<8x1536xf32, #tpu.memory_space<hbm>>
    tpu.enqueue_dma source(%arg10 : memref<8x1536xf32, #tpu.memory_space<vmem>>) target(%dma_start3A_158 : memref<8x1536xf32, #tpu.memory_space<hbm>>) target_semaphore(%arg26 : memref<!tpu.dma_semaphore, #tpu.memory_space<semaphore_mem>>)
    %add3A_159 = arith.constant 0 : i32
    %add3A_160 = arith.addi %mul3A_18, %add3A_159 : i32
    %dma_wait3A_161 = arith.constant 48 : i32
    %dma_wait3A_162 = arith.constant 0 : i32
    %dma_wait3A_163 = tpu.memref_slice %arg4[%dma_wait3A_161, %add3A_160, %dma_wait3A_162] : memref<50x1024x1536xf32, #tpu.memory_space<hbm>> -> memref<1x8x1536xf32, #tpu.memory_space<hbm>>
    %dma_wait3A_164 = tpu.memref_squeeze %dma_wait3A_163 : memref<1x8x1536xf32, #tpu.memory_space<hbm>> -> memref<8x1536xf32, #tpu.memory_space<hbm>>
    %dma_wait3A_165 = arith.constant 0 : i32
    %dma_wait3A_166 = tpu.memref_slice %arg4[%dma_wait3A_161, %add3A_160, %dma_wait3A_165] : memref<50x1024x1536xf32, #tpu.memory_space<hbm>> -> memref<1x8x1536xf32, #tpu.memory_space<hbm>>
    %dma_wait3A_167 = tpu.memref_squeeze %dma_wait3A_166 : memref<1x8x1536xf32, #tpu.memory_space<hbm>> -> memref<8x1536xf32, #tpu.memory_space<hbm>>
    tpu.wait_dma2 semaphore(%arg22 : memref<!tpu.dma_semaphore, #tpu.memory_space<semaphore_mem>>) src(%arg6 : memref<8x1536xf32, #tpu.memory_space<vmem>>) dst(%dma_wait3A_167 : memref<8x1536xf32, #tpu.memory_space<hbm>>)
    %dma_wait3A_168 = arith.constant 49 : i32
    %dma_wait3A_169 = arith.constant 8 : i32
    %dma_wait3A_170 = tpu.memref_slice %arg5[%dma_wait3A_168, %dma_wait3A_169] : memref<50x32xi32, #tpu.memory_space<vmem>> -> memref<1x8xi32, #tpu.memory_space<vmem>>
    %dma_wait3A_171 = tpu.memref_squeeze %dma_wait3A_170 : memref<1x8xi32, #tpu.memory_space<vmem>> -> memref<8xi32, #tpu.memory_space<vmem>>
    %dma_wait3A_172 = arith.constant 0 : i32
    %dma_wait3A_173 = arith.constant 0 : i32
    %dma_wait3A_174 = tpu.memref_slice %arg2[%dma_wait3A_172, %dma_wait3A_173] : memref<2048x1536xf32, #tpu.memory_space<hbm>> -> memref<2048x1536xf32, #tpu.memory_space<hbm>>
    tpu.wait_indirect_dma semaphore(%arg19 : memref<!tpu.dma_semaphore, #tpu.memory_space<semaphore_mem>>) src(%dma_wait3A_174 : memref<2048x1536xf32, #tpu.memory_space<hbm>>) dst(%arg11 : memref<8x1536xf32, #tpu.memory_space<vmem>>)
    %add3A_175 = arith.constant 8 : i32
    %add3A_176 = arith.addi %mul3A_18, %add3A_175 : i32
    %dma_start3A_177 = arith.constant 49 : i32
    %dma_start3A_178 = arith.constant 0 : i32
    %dma_start3A_179 = tpu.memref_slice %arg4[%dma_start3A_177, %add3A_176, %dma_start3A_178] : memref<50x1024x1536xf32, #tpu.memory_space<hbm>> -> memref<1x8x1536xf32, #tpu.memory_space<hbm>>
    %dma_start3A_180 = tpu.memref_squeeze %dma_start3A_179 : memref<1x8x1536xf32, #tpu.memory_space<hbm>> -> memref<8x1536xf32, #tpu.memory_space<hbm>>
    %dma_start3A_181 = arith.constant 0 : i32
    %dma_start3A_182 = tpu.memref_slice %arg4[%dma_start3A_177, %add3A_176, %dma_start3A_181] : memref<50x1024x1536xf32, #tpu.memory_space<hbm>> -> memref<1x8x1536xf32, #tpu.memory_space<hbm>>
    %dma_start3A_183 = tpu.memref_squeeze %dma_start3A_182 : memref<1x8x1536xf32, #tpu.memory_space<hbm>> -> memref<8x1536xf32, #tpu.memory_space<hbm>>
    tpu.enqueue_dma source(%arg11 : memref<8x1536xf32, #tpu.memory_space<vmem>>) target(%dma_start3A_183 : memref<8x1536xf32, #tpu.memory_space<hbm>>) target_semaphore(%arg27 : memref<!tpu.dma_semaphore, #tpu.memory_space<semaphore_mem>>)
    %add3A_184 = arith.constant 8 : i32
    %add3A_185 = arith.addi %mul3A_18, %add3A_184 : i32
    %dma_wait3A_186 = arith.constant 48 : i32
    %dma_wait3A_187 = arith.constant 0 : i32
    %dma_wait3A_188 = tpu.memref_slice %arg4[%dma_wait3A_186, %add3A_185, %dma_wait3A_187] : memref<50x1024x1536xf32, #tpu.memory_space<hbm>> -> memref<1x8x1536xf32, #tpu.memory_space<hbm>>
    %dma_wait3A_189 = tpu.memref_squeeze %dma_wait3A_188 : memref<1x8x1536xf32, #tpu.memory_space<hbm>> -> memref<8x1536xf32, #tpu.memory_space<hbm>>
    %dma_wait3A_190 = arith.constant 0 : i32
    %dma_wait3A_191 = tpu.memref_slice %arg4[%dma_wait3A_186, %add3A_185, %dma_wait3A_190] : memref<50x1024x1536xf32, #tpu.memory_space<hbm>> -> memref<1x8x1536xf32, #tpu.memory_space<hbm>>
    %dma_wait3A_192 = tpu.memref_squeeze %dma_wait3A_191 : memref<1x8x1536xf32, #tpu.memory_space<hbm>> -> memref<8x1536xf32, #tpu.memory_space<hbm>>
    tpu.wait_dma2 semaphore(%arg23 : memref<!tpu.dma_semaphore, #tpu.memory_space<semaphore_mem>>) src(%arg7 : memref<8x1536xf32, #tpu.memory_space<vmem>>) dst(%dma_wait3A_192 : memref<8x1536xf32, #tpu.memory_space<hbm>>)
    %dma_wait3A_193 = arith.constant 49 : i32
    %dma_wait3A_194 = arith.constant 16 : i32
    %dma_wait3A_195 = tpu.memref_slice %arg5[%dma_wait3A_193, %dma_wait3A_194] : memref<50x32xi32, #tpu.memory_space<vmem>> -> memref<1x8xi32, #tpu.memory_space<vmem>>
    %dma_wait3A_196 = tpu.memref_squeeze %dma_wait3A_195 : memref<1x8xi32, #tpu.memory_space<vmem>> -> memref<8xi32, #tpu.memory_space<vmem>>
    %dma_wait3A_197 = arith.constant 0 : i32
    %dma_wait3A_198 = arith.constant 0 : i32
    %dma_wait3A_199 = tpu.memref_slice %arg2[%dma_wait3A_197, %dma_wait3A_198] : memref<2048x1536xf32, #tpu.memory_space<hbm>> -> memref<2048x1536xf32, #tpu.memory_space<hbm>>
    tpu.wait_indirect_dma semaphore(%arg20 : memref<!tpu.dma_semaphore, #tpu.memory_space<semaphore_mem>>) src(%dma_wait3A_199 : memref<2048x1536xf32, #tpu.memory_space<hbm>>) dst(%arg12 : memref<8x1536xf32, #tpu.memory_space<vmem>>)
    %add3A_200 = arith.constant 16 : i32
    %add3A_201 = arith.addi %mul3A_18, %add3A_200 : i32
    %dma_start3A_202 = arith.constant 49 : i32
    %dma_start3A_203 = arith.constant 0 : i32
    %dma_start3A_204 = tpu.memref_slice %arg4[%dma_start3A_202, %add3A_201, %dma_start3A_203] : memref<50x1024x1536xf32, #tpu.memory_space<hbm>> -> memref<1x8x1536xf32, #tpu.memory_space<hbm>>
    %dma_start3A_205 = tpu.memref_squeeze %dma_start3A_204 : memref<1x8x1536xf32, #tpu.memory_space<hbm>> -> memref<8x1536xf32, #tpu.memory_space<hbm>>
    %dma_start3A_206 = arith.constant 0 : i32
    %dma_start3A_207 = tpu.memref_slice %arg4[%dma_start3A_202, %add3A_201, %dma_start3A_206] : memref<50x1024x1536xf32, #tpu.memory_space<hbm>> -> memref<1x8x1536xf32, #tpu.memory_space<hbm>>
    %dma_start3A_208 = tpu.memref_squeeze %dma_start3A_207 : memref<1x8x1536xf32, #tpu.memory_space<hbm>> -> memref<8x1536xf32, #tpu.memory_space<hbm>>
    tpu.enqueue_dma source(%arg12 : memref<8x1536xf32, #tpu.memory_space<vmem>>) target(%dma_start3A_208 : memref<8x1536xf32, #tpu.memory_space<hbm>>) target_semaphore(%arg28 : memref<!tpu.dma_semaphore, #tpu.memory_space<semaphore_mem>>)
    %add3A_209 = arith.constant 16 : i32
    %add3A_210 = arith.addi %mul3A_18, %add3A_209 : i32
    %dma_wait3A_211 = arith.constant 48 : i32
    %dma_wait3A_212 = arith.constant 0 : i32
    %dma_wait3A_213 = tpu.memref_slice %arg4[%dma_wait3A_211, %add3A_210, %dma_wait3A_212] : memref<50x1024x1536xf32, #tpu.memory_space<hbm>> -> memref<1x8x1536xf32, #tpu.memory_space<hbm>>
    %dma_wait3A_214 = tpu.memref_squeeze %dma_wait3A_213 : memref<1x8x1536xf32, #tpu.memory_space<hbm>> -> memref<8x1536xf32, #tpu.memory_space<hbm>>
    %dma_wait3A_215 = arith.constant 0 : i32
    %dma_wait3A_216 = tpu.memref_slice %arg4[%dma_wait3A_211, %add3A_210, %dma_wait3A_215] : memref<50x1024x1536xf32, #tpu.memory_space<hbm>> -> memref<1x8x1536xf32, #tpu.memory_space<hbm>>
    %dma_wait3A_217 = tpu.memref_squeeze %dma_wait3A_216 : memref<1x8x1536xf32, #tpu.memory_space<hbm>> -> memref<8x1536xf32, #tpu.memory_space<hbm>>
    tpu.wait_dma2 semaphore(%arg24 : memref<!tpu.dma_semaphore, #tpu.memory_space<semaphore_mem>>) src(%arg8 : memref<8x1536xf32, #tpu.memory_space<vmem>>) dst(%dma_wait3A_217 : memref<8x1536xf32, #tpu.memory_space<hbm>>)
    %dma_wait3A_218 = arith.constant 49 : i32
    %dma_wait3A_219 = arith.constant 24 : i32
    %dma_wait3A_220 = tpu.memref_slice %arg5[%dma_wait3A_218, %dma_wait3A_219] : memref<50x32xi32, #tpu.memory_space<vmem>> -> memref<1x8xi32, #tpu.memory_space<vmem>>
    %dma_wait3A_221 = tpu.memref_squeeze %dma_wait3A_220 : memref<1x8xi32, #tpu.memory_space<vmem>> -> memref<8xi32, #tpu.memory_space<vmem>>
    %dma_wait3A_222 = arith.constant 0 : i32
    %dma_wait3A_223 = arith.constant 0 : i32
    %dma_wait3A_224 = tpu.memref_slice %arg2[%dma_wait3A_222, %dma_wait3A_223] : memref<2048x1536xf32, #tpu.memory_space<hbm>> -> memref<2048x1536xf32, #tpu.memory_space<hbm>>
    tpu.wait_indirect_dma semaphore(%arg21 : memref<!tpu.dma_semaphore, #tpu.memory_space<semaphore_mem>>) src(%dma_wait3A_224 : memref<2048x1536xf32, #tpu.memory_space<hbm>>) dst(%arg13 : memref<8x1536xf32, #tpu.memory_space<vmem>>)
    %add3A_225 = arith.constant 24 : i32
    %add3A_226 = arith.addi %mul3A_18, %add3A_225 : i32
    %dma_start3A_227 = arith.constant 49 : i32
    %dma_start3A_228 = arith.constant 0 : i32
    %dma_start3A_229 = tpu.memref_slice %arg4[%dma_start3A_227, %add3A_226, %dma_start3A_228] : memref<50x1024x1536xf32, #tpu.memory_space<hbm>> -> memref<1x8x1536xf32, #tpu.memory_space<hbm>>
    %dma_start3A_230 = tpu.memref_squeeze %dma_start3A_229 : memref<1x8x1536xf32, #tpu.memory_space<hbm>> -> memref<8x1536xf32, #tpu.memory_space<hbm>>
    %dma_start3A_231 = arith.constant 0 : i32
    %dma_start3A_232 = tpu.memref_slice %arg4[%dma_start3A_227, %add3A_226, %dma_start3A_231] : memref<50x1024x1536xf32, #tpu.memory_space<hbm>> -> memref<1x8x1536xf32, #tpu.memory_space<hbm>>
    %dma_start3A_233 = tpu.memref_squeeze %dma_start3A_232 : memref<1x8x1536xf32, #tpu.memory_space<hbm>> -> memref<8x1536xf32, #tpu.memory_space<hbm>>
    tpu.enqueue_dma source(%arg13 : memref<8x1536xf32, #tpu.memory_space<vmem>>) target(%dma_start3A_233 : memref<8x1536xf32, #tpu.memory_space<hbm>>) target_semaphore(%arg29 : memref<!tpu.dma_semaphore, #tpu.memory_space<semaphore_mem>>)
    %add3A_234 = arith.constant 24 : i32
    %add3A_235 = arith.addi %mul3A_18, %add3A_234 : i32
    %dma_wait3A_236 = arith.constant 48 : i32
    %dma_wait3A_237 = arith.constant 0 : i32
    %dma_wait3A_238 = tpu.memref_slice %arg4[%dma_wait3A_236, %add3A_235, %dma_wait3A_237] : memref<50x1024x1536xf32, #tpu.memory_space<hbm>> -> memref<1x8x1536xf32, #tpu.memory_space<hbm>>
    %dma_wait3A_239 = tpu.memref_squeeze %dma_wait3A_238 : memref<1x8x1536xf32, #tpu.memory_space<hbm>> -> memref<8x1536xf32, #tpu.memory_space<hbm>>
    %dma_wait3A_240 = arith.constant 0 : i32
    %dma_wait3A_241 = tpu.memref_slice %arg4[%dma_wait3A_236, %add3A_235, %dma_wait3A_240] : memref<50x1024x1536xf32, #tpu.memory_space<hbm>> -> memref<1x8x1536xf32, #tpu.memory_space<hbm>>
    %dma_wait3A_242 = tpu.memref_squeeze %dma_wait3A_241 : memref<1x8x1536xf32, #tpu.memory_space<hbm>> -> memref<8x1536xf32, #tpu.memory_space<hbm>>
    tpu.wait_dma2 semaphore(%arg25 : memref<!tpu.dma_semaphore, #tpu.memory_space<semaphore_mem>>) src(%arg9 : memref<8x1536xf32, #tpu.memory_space<vmem>>) dst(%dma_wait3A_242 : memref<8x1536xf32, #tpu.memory_space<hbm>>)
    %add3A_243 = arith.constant 0 : i32
    %add3A_244 = arith.addi %mul3A_18, %add3A_243 : i32
    %dma_wait3A_245 = arith.constant 49 : i32
    %dma_wait3A_246 = arith.constant 0 : i32
    %dma_wait3A_247 = tpu.memref_slice %arg4[%dma_wait3A_245, %add3A_244, %dma_wait3A_246] : memref<50x1024x1536xf32, #tpu.memory_space<hbm>> -> memref<1x8x1536xf32, #tpu.memory_space<hbm>>
    %dma_wait3A_248 = tpu.memref_squeeze %dma_wait3A_247 : memref<1x8x1536xf32, #tpu.memory_space<hbm>> -> memref<8x1536xf32, #tpu.memory_space<hbm>>
    %dma_wait3A_249 = arith.constant 0 : i32
    %dma_wait3A_250 = tpu.memref_slice %arg4[%dma_wait3A_245, %add3A_244, %dma_wait3A_249] : memref<50x1024x1536xf32, #tpu.memory_space<hbm>> -> memref<1x8x1536xf32, #tpu.memory_space<hbm>>
    %dma_wait3A_251 = tpu.memref_squeeze %dma_wait3A_250 : memref<1x8x1536xf32, #tpu.memory_space<hbm>> -> memref<8x1536xf32, #tpu.memory_space<hbm>>
    tpu.wait_dma2 semaphore(%arg26 : memref<!tpu.dma_semaphore, #tpu.memory_space<semaphore_mem>>) src(%arg10 : memref<8x1536xf32, #tpu.memory_space<vmem>>) dst(%dma_wait3A_251 : memref<8x1536xf32, #tpu.memory_space<hbm>>)
    %add3A_252 = arith.constant 8 : i32
    %add3A_253 = arith.addi %mul3A_18, %add3A_252 : i32
    %dma_wait3A_254 = arith.constant 49 : i32
    %dma_wait3A_255 = arith.constant 0 : i32
    %dma_wait3A_256 = tpu.memref_slice %arg4[%dma_wait3A_254, %add3A_253, %dma_wait3A_255] : memref<50x1024x1536xf32, #tpu.memory_space<hbm>> -> memref<1x8x1536xf32, #tpu.memory_space<hbm>>
    %dma_wait3A_257 = tpu.memref_squeeze %dma_wait3A_256 : memref<1x8x1536xf32, #tpu.memory_space<hbm>> -> memref<8x1536xf32, #tpu.memory_space<hbm>>
    %dma_wait3A_258 = arith.constant 0 : i32
    %dma_wait3A_259 = tpu.memref_slice %arg4[%dma_wait3A_254, %add3A_253, %dma_wait3A_258] : memref<50x1024x1536xf32, #tpu.memory_space<hbm>> -> memref<1x8x1536xf32, #tpu.memory_space<hbm>>
    %dma_wait3A_260 = tpu.memref_squeeze %dma_wait3A_259 : memref<1x8x1536xf32, #tpu.memory_space<hbm>> -> memref<8x1536xf32, #tpu.memory_space<hbm>>
    tpu.wait_dma2 semaphore(%arg27 : memref<!tpu.dma_semaphore, #tpu.memory_space<semaphore_mem>>) src(%arg11 : memref<8x1536xf32, #tpu.memory_space<vmem>>) dst(%dma_wait3A_260 : memref<8x1536xf32, #tpu.memory_space<hbm>>)
    %add3A_261 = arith.constant 16 : i32
    %add3A_262 = arith.addi %mul3A_18, %add3A_261 : i32
    %dma_wait3A_263 = arith.constant 49 : i32
    %dma_wait3A_264 = arith.constant 0 : i32
    %dma_wait3A_265 = tpu.memref_slice %arg4[%dma_wait3A_263, %add3A_262, %dma_wait3A_264] : memref<50x1024x1536xf32, #tpu.memory_space<hbm>> -> memref<1x8x1536xf32, #tpu.memory_space<hbm>>
    %dma_wait3A_266 = tpu.memref_squeeze %dma_wait3A_265 : memref<1x8x1536xf32, #tpu.memory_space<hbm>> -> memref<8x1536xf32, #tpu.memory_space<hbm>>
    %dma_wait3A_267 = arith.constant 0 : i32
    %dma_wait3A_268 = tpu.memref_slice %arg4[%dma_wait3A_263, %add3A_262, %dma_wait3A_267] : memref<50x1024x1536xf32, #tpu.memory_space<hbm>> -> memref<1x8x1536xf32, #tpu.memory_space<hbm>>
    %dma_wait3A_269 = tpu.memref_squeeze %dma_wait3A_268 : memref<1x8x1536xf32, #tpu.memory_space<hbm>> -> memref<8x1536xf32, #tpu.memory_space<hbm>>
    tpu.wait_dma2 semaphore(%arg28 : memref<!tpu.dma_semaphore, #tpu.memory_space<semaphore_mem>>) src(%arg12 : memref<8x1536xf32, #tpu.memory_space<vmem>>) dst(%dma_wait3A_269 : memref<8x1536xf32, #tpu.memory_space<hbm>>)
    %add3A_270 = arith.constant 24 : i32
    %add3A_271 = arith.addi %mul3A_18, %add3A_270 : i32
    %dma_wait3A_272 = arith.constant 49 : i32
    %dma_wait3A_273 = arith.constant 0 : i32
    %dma_wait3A_274 = tpu.memref_slice %arg4[%dma_wait3A_272, %add3A_271, %dma_wait3A_273] : memref<50x1024x1536xf32, #tpu.memory_space<hbm>> -> memref<1x8x1536xf32, #tpu.memory_space<hbm>>
    %dma_wait3A_275 = tpu.memref_squeeze %dma_wait3A_274 : memref<1x8x1536xf32, #tpu.memory_space<hbm>> -> memref<8x1536xf32, #tpu.memory_space<hbm>>
    %dma_wait3A_276 = arith.constant 0 : i32
    %dma_wait3A_277 = tpu.memref_slice %arg4[%dma_wait3A_272, %add3A_271, %dma_wait3A_276] : memref<50x1024x1536xf32, #tpu.memory_space<hbm>> -> memref<1x8x1536xf32, #tpu.memory_space<hbm>>
    %dma_wait3A_278 = tpu.memref_squeeze %dma_wait3A_277 : memref<1x8x1536xf32, #tpu.memory_space<hbm>> -> memref<8x1536xf32, #tpu.memory_space<hbm>>
    tpu.wait_dma2 semaphore(%arg29 : memref<!tpu.dma_semaphore, #tpu.memory_space<semaphore_mem>>) src(%arg13 : memref<8x1536xf32, #tpu.memory_space<vmem>>) dst(%dma_wait3A_278 : memref<8x1536xf32, #tpu.memory_space<hbm>>)
    return
  }
}

</mosaic_0001>

<sc_bundles>
// kernel: kernel.3.cloned.1.call-start
scs
__scs_entry_jumppad:
0x0: {  	(pc) =	sbr.rel $0x88, $3  }
0x1: {  	(tag) =	ssettag $0x0;
	lr =	simm.s32 $0x1  }
0x2: {  	[smem:$0x3F9F] =	sst lr;
	_ =	strace $0xD0000000  }
0x3: {  	_ = 	snop  }
0x4: {  	_ = 	snop  }
0x5: {  	_ = 	snop  }
0x6: {  	_ = 	snop  }
0x7: {  	_ = 	snop  }
__scs_overlays_trampoline_lowered:
0x8: {  	[smem:$0x3FAE] =	sst s0  }
0x9: {  	[smem:$0x3FAF] =	sst s1  }
0xa: {  	[smem:$0x3FB0] =	sst s2  }
0xb: {  	[smem:$0x3FB1] =	sst s3  }
0xc: {  	[smem:$0x3FB2] =	sst s4  }
0xd: {  	[smem:$0x3FB3] =	sst s5  }
0xe: {  	[smem:$0x3FB4] =	sst s6  }
0xf: {  	[smem:$0x3FB5] =	sst s7  }
0x10: {  	[smem:$0x3FB6] =	sst s8  }
0x11: {  	[smem:$0x3FB7] =	sst s9;
	s0 =	simm.s32 @!p0 $0x0  }
0x12: {  	s1 =	sld [smem:$0x3F9D];
	s0 =	simm.s32 @p0 $0x1  }
0x13: {  	[smem:$0x3FB8] =	sst s0;
	s0 =	simm.s32 @!p1 $0x0  }
0x14: {  	s2 =	sld [smem:$0x3F9C];
	s0 =	simm.s32 @p1 $0x1  }
0x15: {  	[smem:$0x3FB9] =	sst s0;
	s0 =	simm.s32 @!p2 $0x0  }
0x16: {  	s3 =	sld [smem:$0x3FDB];
	s0 =	simm.s32 @p2 $0x1  }
0x17: {  	s4 =	simm.s32 $0x1BF5;
	[smem:$0x3FBB] =	sst s0  }
0x18: {  	s0 =	sld [smem:$0x3F9E];
	_ =	swait.ge [sflag:s4], $0x0  }
0x19: {  	s7 =	sld [smem:$0x3F9F]  }
0x1a: {  	s8 =	sadd.s32 $0xFFFFE003, lr  }
0x1b: {  	s9 =	sadd.s32 $0xFFFFFEF7, lr;
	s5 =	simm.s32 $0xFFFFFFFF;
	p2 =	slt.u32 s8, $0xFFFFF086  }
0x1c: {  	p1 =	slt.u32 s9, $0xF7A;
	s5 =	simm.s32 @!p2 $0x0  }
0x1d: {  	s5 =	simm.s32 @p1 $0x1;
	p0 =	seq.s32 s7, s2  }
0x1e: {  	s7 =	smul.u32 @!p0 $0xF7A, s2;
	p2 =	seq.s32 @!p0 s5, $0x0  }
0x1f: {  	s9 =	smul.u32 $0xF7A, s1;
	s8 =	simm.s32 @!p0 $0x1BF5;
	p2 =	por !p2, p0  }
0x20: {  	[sflag:s8] =	ssyncset.s32 @!p0 $0xFFFFF086;
	s6 =	sadd.s32 @!p0 s3, s7;
	s7 =	simm.s32 @!p0 $0x108  }
0x21: {  	s3 =	sadd.s32 s3, s9;
	s6 =	sadd.s32 @!p0 $0x88, s6;
	s7 =	simm.s32 @p2 $0x1082  }
0x22: {  	[simem:s7], [sflag:s8] =	dma.local @!p0 [hbm:s6], $0xF7A  }
0x23: {  	s9 =	sor.u32 $0xD0000000, s2;
	s6 =	simm.s32 $0x108;
	_ =	swait.ge @!p0 [sflag:s8], $0x0  }
0x24: {  	s3 =	sadd.s32 $0x88, s3;
	s6 =	simm.s32 @!p1 $0x1082;
	[sflag:s4] =	ssyncset.s32 $0xFFFFF086  }
0x25: {  	[simem:s6], [sflag:s4] =	dma.local [hbm:s3], $0xF7A  }
0x26: {  	[smem:$0x3F9F] =	sst s1;
	(tag) =	ssettag s2;
	_ =	strace s9  }
0x27: {  	s1 =	sld [smem:$0x3FAF]  }
0x28: {  	s2 =	sld [smem:$0x3FB0]  }
0x29: {  	s4 =	sld [smem:$0x3FB2]  }
0x2a: {  	p0 =	seq.s32 s5, $0x0;
	s5 =	sld [smem:$0x3FB3]  }
0x2b: {  	s6 =	sld [smem:$0x3FB4]  }
0x2c: {  	s7 =	sld [smem:$0x3FB5]  }
0x2d: {  	s3 =	simm.s32 $0x108;
	s8 =	sld [smem:$0x3FB6]  }
0x2e: {  	s3 =	simm.s32 @!p0 $0x1082;
	s9 =	sld [smem:$0x3FB7]  }
0x2f: {  	lr =	sadd.s32 s0, s3;
	s0 =	sld [smem:$0x3FAE]  }
0x30: {  	s3 =	sld [smem:$0x3FB1]  }
0x31: {  	[smem:$0x3FBA] =	sst s10  }
0x32: {  	s10 =	sld [smem:$0x3FB8];
	_ =	sdelay $0x3  }
0x33: {  	p0 =	seq.s32 s10, $0x1;
	s10 =	sld [smem:$0x3FBA];
	_ =	sdelay $0x3  }
0x34: {  	[smem:$0x3FBA] =	sst s10  }
0x35: {  	s10 =	sld [smem:$0x3FB9];
	_ =	sdelay $0x3  }
0x36: {  	p1 =	seq.s32 s10, $0x1;
	s10 =	sld [smem:$0x3FBA];
	_ =	sdelay $0x3  }
0x37: {  	[smem:$0x3FBA] =	sst s10  }
0x38: {  	s10 =	sld [smem:$0x3FBB]  }
0x39: {  	_ = 	snop;
	(pc) =	sbr.ind lr, $3  }
0x3a: {  	_ = 	snop  }
0x3b: {  	_ = 	snop  }
0x3c: {  	p2 =	seq.s32 s10, $0x1;
	s10 =	sld [smem:$0x3FBA]  }
0x3d: {  	_ =	shalt  }
0x3e: {  	_ =	shalt  }
0x3f: {  	_ =	shalt  }
0x40: {  	_ =	shalt  }
0x41: {  	_ =	shalt  }
0x42: {  	_ =	shalt  }
0x43: {  	_ =	shalt  }
0x44: {  	_ =	shalt  }
0x45: {  	_ =	shalt  }
0x46: {  	_ =	shalt  }
0x47: {  	_ =	shalt  }
0x48: {  	_ =	shalt  }
0x49: {  	_ =	shalt  }
0x4a: {  	_ =	shalt  }
0x4b: {  	_ =	shalt  }
0x4c: {  	_ =	shalt  }
0x4d: {  	_ =	shalt  }
0x4e: {  	_ =	shalt  }
0x4f: {  	_ =	shalt  }
0x50: {  	_ =	shalt  }
0x51: {  	_ =	shalt  }
0x52: {  	_ =	shalt  }
0x53: {  	_ =	shalt  }
0x54: {  	_ =	shalt  }
0x55: {  	_ =	shalt  }
0x56: {  	_ =	shalt  }
0x57: {  	_ =	shalt  }
0x58: {  	_ =	shalt  }
0x59: {  	_ =	shalt  }
0x5a: {  	_ =	shalt  }
0x5b: {  	_ =	shalt  }
0x5c: {  	_ =	shalt  }
0x5d: {  	_ =	shalt  }
0x5e: {  	_ =	shalt  }
0x5f: {  	_ =	shalt  }
0x60: {  	_ =	shalt  }
0x61: {  	_ =	shalt  }
0x62: {  	_ =	shalt  }
0x63: {  	_ =	shalt  }
0x64: {  	_ =	shalt  }
0x65: {  	_ =	shalt  }
0x66: {  	_ =	shalt  }
0x67: {  	_ =	shalt  }
0x68: {  	_ =	shalt  }
0x69: {  	_ =	shalt  }
0x6a: {  	_ =	shalt  }
0x6b: {  	_ =	shalt  }
0x6c: {  	_ =	shalt  }
0x6d: {  	_ =	shalt  }
0x6e: {  	_ =	shalt  }
0x6f: {  	_ =	shalt  }
0x70: {  	_ =	shalt  }
0x71: {  	_ =	shalt  }
0x72: {  	_ =	shalt  }
0x73: {  	_ =	shalt  }
0x74: {  	_ =	shalt  }
0x75: {  	_ =	shalt  }
0x76: {  	_ =	shalt  }
0x77: {  	_ =	shalt  }
0x78: {  	_ =	shalt  }
0x79: {  	_ =	shalt  }
0x7a: {  	_ =	shalt  }
0x7b: {  	_ =	shalt  }
0x7c: {  	_ =	shalt  }
0x7d: {  	_ =	shalt  }
0x7e: {  	_ =	shalt  }
0x7f: {  	_ =	shalt  }
0x80: {  	_ =	shalt  }
0x81: {  	_ =	shalt  }
0x82: {  	_ =	shalt  }
0x83: {  	_ =	shalt  }
0x84: {  	_ =	shalt  }
0x85: {  	_ =	shalt  }
0x86: {  	_ =	shalt  }
0x87: {  	_ =	shalt  }
.Lfunc_end0:
.L_simem_size_0:
called_computation_lowered:
.L_overlay_start_0:
0x88: {  	s2 =	sld [smem:$0x3FD9]  }
0x89: {  	s3 =	sld [smem:$0x3FFE];
	_ =	sdelay $0x1  }
0x8a: {  	s1 =	srdreg.scid  }
0x8b: {  	s0 =	sand.u32 $0x1, s1  }
0x8c: {  	s17 =	sshll.u32 s0, $0xA;
	s2 =	sadd.s32 s3, s2  }
0x8d: {  	s2 =	sadd.s32 s2, s17  }
0x8e: {  	[smem:$0x3FC6] =	sst s2  }
0x8f: {  	_ = 	snop  }
0x90: {  	s2 =	sld [smem:$0x3FD0];
	(tm) =	ssettm $0x1  }
0x91: {  	s18 =	sld [smem:$0x3FFB];
	_ =	sdelay $0x3  }
0x92: {  	_ =	strace s18  }
0x93: {  	s3 =	sld [smem:$0x3FFC];
	_ =	sdelay $0x3  }
0x94: {  	_ =	strace s3  }
0x95: {  	s3 =	sld [smem:$0x3FFD];
	_ =	sdelay $0x3  }
0x96: {  	_ =	strace s3  }
0x97: {  	_ =	strace $0x8FFFFFFF  }
0x98: {  	s19 =	sld [smem:$0x3FDB];
	_ =	sdelay $0x1  }
0x99: {  	s4 =	simm.s32 $_scs_section_size  }
0x9a: {  	s5 =	simm.s32 $_size__tile_overlayer_lowered;
	s6 =	simm.s32 $_tile_overlayer_lowered  }
0x9b: {  	s22 =	simm.s32 $0x1BFF;
	s21 =	sshll.u32 s6, $0x1;
	s3 =	sadd.s32 s4, s19  }
0x9c: {  	s7 =	simm.s32 $0x0;
	s20 =	sshll.u32 s5, $0x1;
	s5 =	sadd.s32 s21, s3  }
0x9d: {  	[timem:s7], [sflag:s22] =	dma.local [hbm:s5], s20  }
0x9e: {  	_ =	swait.ge [sflag:s22], s20  }
0x9f: {  	s4 =	ssub.s32 $0x0, s20;
	[sflag:s22] =	ssyncset.done $0x0  }
0xa0: {  	[sflag:s22] =	ssyncadd.s32 s4;
	_ =	sdelay $0x1  }
0xa1: {  	s23 =	simm.s32 $0x1B8B  }
0xa2: {  	_ =	swait.ge [sflag:s23], $0x1  }
0xa3: {  	[sflag:s23] =	ssyncset.done $0x0  }
0xa4: {  	s25 =	simm.s32 $0x1B8E;
	s24 =	sld [smem:$0x3FFE];
	[sflag:s23] =	ssyncadd.s32 $0xFFFFFFFF  }
0xa5: {  	s26 =	simm.s32 $execute0_lowered;
	[smem:$0x3FD2] =	sst s25  }
0xa6: {  	s5 =	sshll.u32 s26, $0x1;
	_ =	strace $0x80000046;
	[dreg:$0x1] =	wrdreg $0xFFFFFFFF  }
0xa7: {  	s28 =	simm.s32 $_size_execute0_lowered;
	s3 =	sadd.s32 s3, s5;
	[dreg:$0x0] =	wrdreg $0x0  }
0xa8: {  	s5 =	sshll.u32 s28, $0x1;
	[dreg:$0x2] =	wrdreg s3  }
0xa9: {  	[dreg:$0x3] =	wrdreg s5  }
0xaa: {  	[dreg:$0x4] =	wrdreg $0xC0  }
0xab: {  	_ =	task [dreg:s7], $0x5FFFF  }
0xac: {  	[dreg:$0x1] =	wrdreg $0xFFFFFFFF  }
0xad: {  	[dreg:$0x0] =	wrdreg $0x60  }
0xae: {  	[dreg:$0x2] =	wrdreg s24  }
0xaf: {  	[dreg:$0x3] =	wrdreg s2  }
0xb0: {  	[dreg:$0x4] =	wrdreg $0x9  }
0xb1: {  	_ =	task.clear_ibuf [dreg:s7], $0x5FFFF;
	_ =	strace $0x90000046  }
0xb2: {  	s29 =	simm.s32 $0x9;
	_ =	strace $0x80000048  }
0xb3: {  	_ =	swait.ge [sflag:s29], $0x1  }
0xb4: {  	[sflag:s29] =	ssyncadd.s32 $0xFFFFFFFF  }
0xb5: {  	_ =	strace $0x90000048  }
0xb6: {  	_ =	sfence  }
0xb7: {  	s30 =	sld [smem:$0x0];
	_ =	sdelay $0x2  }
0xb8: {  	s31 =	sshll.u32 s1, $0xD;
	s1 =	sshrl.u32 s1, $0x2  }
0xb9: {  	s3 =	sand.u32 $0x4000, s31;
	s1 =	sadd.s32 s1, s30  }
0xba: {  	s0 =	sor.u32 s3, s0;
	s1 =	sshll.u32 s1, $0x11  }
0xbb: {  	s0 =	sor.u32 s1, s0  }
0xbc: {  	s0 =	sadd.s32 $0x8F2B, s0  }
0xbd: {  	[sflag:s0] =	ssyncadd.remote.s32 $0x1  }
0xbe: {  	_ =	sfence.sel $0xFFFF  }
0xbf: {  	[dreg:$0x0] =	wrdreg $0xFFFFFFFF;
	(pc) =	sbr.abs _section_cstart, $3  }
0xc0: {  	[dreg:$0x1] =	wrdreg $0xFFFFFFFF  }
0xc1: {  	_ =	task.clear_ibuf [dreg:s7], $0x2FFFF;
	_ =	strace $0x9FFFFFFF  }
0xc2: {  	(tm) =	ssettm $0x7FFFFFFF  }
0xc3: {  	_ =	shalt  }
tec
execute0_lowered:
.L_overlay_start_1:
0x0: {  	(tag) =	ssettag $0x1  }
0x1: {  	s0 =	rddreg [dreg:$0x0]  }
0x2: {  	s1 =	srdreg.scid;
	s8 =	stileid.u32  }
0x3: {  	s13 =	rddreg [dreg:$0x1];
	s3 =	simm.s32 $0x0;
	s28 =	simm.s32 $0x3C00  }
0x4: {  	s30 =	simm.s32 $0x8;
	s31 =	simm.s32 $0xA;
	s1 =	sand.u32 $0x1, s1  }
0x5: {  	s2 =	sshll.u32 s8, $0x1;
	[smem:$0x7FF] =	sst s3;
	s4 =	sadd.s32 $0x7400, s0  }
0x6: {  	s12 =	smul.u32 $0x18000, s8;
	s8 =	sadd.s32 $0x7700, s0;
	s9 =	sadd.s32 $0x7800, s0  }
0x7: {  	s2 =	sor.u32 s1, s2;
	s6 =	ssub.s32 $0x2, s1;
	s1 =	smul.u32 $0xC000, s1  }
0x8: {  	s11 =	sadd.s32 $0x7900, s0;
	_ =	strace $0x80000047;
	s5 =	smul.u32 $0x380, s2  }
0x9: {  	s7 =	sshrl.u32 s6, $0x1;
	s20 =	sshll.u32 s2, $0x8;
	s2 =	smul.u32 $0xC000, s2  }
0xa: {  	s10 =	ssub.s32 s6, s7;
	s6 =	sadd.s32 $0x7500, s0;
	s7 =	sadd.s32 $0x7600, s0  }
0xb: {  	s5 =	sadd.s32 s5, s0;
	s2 =	sshrl.u32 s2, $0x3;
	s0 =	sadd.s32 s1, s12  }
0xc: {  	s5 =	sadd.s32 $0x400, s5;
	s14 =	sadd.s32 s13, s2;
	s24 =	sadd.s32 $0x180000, s0  }
0xd: {  	s29 =	sadd.s32 $0x183000, s0;
	s15 =	sadd.s32 $0x186000, s0;
	[dreg:$0xa] =	wrdreg s5  }
0xe: {  	s19 =	sadd.s32 $0x309000, s0;
	s21 =	sadd.s32 $0x600, s14;
	[dreg:$0xb] =	wrdreg s14  }
0xf: {  	s5 =	sand.u32 $0x700, s20;
	s22 =	sadd.s32 $0xC00, s14;
	[dreg:$0xc] =	wrdreg s21  }
0x10: {  	s23 =	sadd.s32 $0x1200, s14;
	s2 =	sadd.s32 $0x930000, s14;
	[dreg:$0xd] =	wrdreg s22  }
0x11: {  	s25 =	sadd.s32 $0x930600, s14;
	s1 =	sshrl.u32 s24, $0x3;
	[dreg:$0xe] =	wrdreg s23  }
0x12: {  	s26 =	sadd.s32 $0x930C00, s14;
	s12 =	sshrl.u32 s29, $0x3;
	[dreg:$0xf] =	wrdreg s2  }
0x13: {  	s20 =	sshrl.u32 s19, $0x3;
	s29 =	smax.u32 s10, $0x1;
	[dreg:$0x10] =	wrdreg s25  }
0x14: {  	s19 =	simm.s32 $0x2C00;
	[dreg:$0x11] =	wrdreg s26;
	s1 =	sadd.s32 s1, s13  }
0x15: {  	s2 =	sshrl.u32 s15, $0x3;
	s21 =	sadd.s32 $0x306000, s0;
	s22 =	sadd.s32 $0x303000, s0  }
0x16: {  	s25 =	sadd.s32 $0x931200, s14;
	[dreg:$0x13] =	wrdreg s29;
	s14 =	simm.s32 $0xE  }
0x17: {  	[dreg:$0x3] =	wrdreg s1;
	s1 =	sadd.s32 s12, s13;
	s12 =	sadd.s32 $0x189000, s0  }
0x18: {  	s16 =	sadd.s32 s2, s13;
	s2 =	sshrl.u32 s21, $0x3;
	[dreg:$0x12] =	wrdreg s25  }
0x19: {  	s24 =	sshrl.u32 s22, $0x3;
	s0 =	sadd.s32 $0x300000, s0;
	[dreg:$0x4] =	wrdreg s1  }
0x1a: {  	s21 =	simm.s32 $0x6;
	s25 =	simm.s32 $0xB;
	[dreg:$0x5] =	wrdreg s16  }
0x1b: {  	s17 =	sshrl.u32 s12, $0x3;
	s1 =	sadd.s32 s20, s13;
	[dreg:$0x14] =	wrdreg s0  }
0x1c: {  	s23 =	sadd.s32 s2, s13;
	s26 =	sadd.s32 s24, s13;
	[dreg:$0x7] =	wrdreg s1  }
0x1d: {  	s0 =	simm.s32 $0x1C00;
	s24 =	simm.s32 $0x3400;
	[dreg:$0x8] =	wrdreg s23  }
0x1e: {  	v1 =	vlaneseq.u32;
	s20 =	simm.s32 $0x16400;
	s18 =	sadd.s32 s17, s13;
	[dreg:$0x9] =	wrdreg s26  }
0x1f: {  	vm0 =	vmmov $0xffff;
	v2 =	vshrl.u32 v1, $0x3;
	s1 =	simm.s32 $0x0;
	s13 =	simm.s32 $0xD;
	s23 =	simm.s32 $0x1C00  }
0x20: {  	v1 =	vand.u32 $0x7, v1;
	v2 =	vmul.u32 $0x8, v2;
	v0 =	vmov s5;
	s26 =	simm.s32 $0x4C00;
	[dreg:$0x6] =	wrdreg s18;
	s18 =	simm.s32 $0x2400  }
.LBB2_1:
0x21: {  	[dreg:$0x15] =	wrdreg s1  }
0x22: {  	s12 =	rddreg [dreg:$0xa];
	s29 =	simm.s32 $0x11  }
0x23: {  	[tilespmem:s3], [sflag:$0x11] =	stream.linear.gather [hbm4b:s12+s3], $0x1900, $0x38;
	[tilespmem:$0x19C00] =	vst v63  }
0x24: {  	_ =	swait.ge [sflag:s29], $0x1900  }
0x25: {  	[sflag:s29] =	ssyncset.done $0x0  }
0x26: {  	s12 =	simm.s32 $0x0;
	[sflag:s29] =	ssyncadd.s32 $0xFFFFE700  }
0x27: {  	s22 =	simm.s32 $0x200;
	v3 =	vld [tilespmem:s12+$0x0]  }
.LBB2_2:
0x28: {  	p0 =	sne.s32 s22, $0x6200;
	v4 =	vld [tilespmem:s12+$0x10];
	_ =	sdelay $0x3  }
0x29: {  	vm1 =	vgt.s32 v3, $0x0  }
.Ltmp0:
0x2a: {  	v3 =	vnsel vm1, $0x0, v3;
	vm1 =	vgt.s32 v4, $0x0;
	(pc) =	sbr.rel @p0 .LBB2_2-.Ltmp0, $4  }
0x2b: {  	v3 =	vmin.u32 v3, $0xFF;
	v4 =	vnsel vm1, $0x0, v4  }
0x2c: {  	v3 =	vor.u32 v0, v3;
	v4 =	vmin.u32 v4, $0xFF  }
0x2d: {  	s29 =	sshra.s32 s22, $0x2;
	[tilespmem:s12+$0x0] =	vst v3;
	v4 =	vor.u32 v0, v4  }
0x2e: {  	s22 =	sadd.s32 $0x200, s22;
	v3 =	vld [tilespmem:s29+$0x0];
	[tilespmem:s12+$0x10] =	vst v4;
	s12 =	smov.u32 s29  }
0x2f: {  	v4 =	vld [tilespmem:s12+$0x10];
	_ =	sdelay $0x3  }
0x30: {  	vm1 =	vgt.s32 v3, $0x0  }
0x31: {  	v3 =	vnsel vm1, $0x0, v3;
	vm1 =	vgt.s32 v4, $0x0  }
0x32: {  	v3 =	vmin.u32 v3, $0xFF;
	v4 =	vnsel vm1, $0x0, v4  }
0x33: {  	v3 =	vor.u32 v0, v3;
	v4 =	vmin.u32 v4, $0xFF  }
0x34: {  	[tilespmem:s12+$0x0] =	vst v3;
	v3 =	vor.u32 v0, v4  }
0x35: {  	[tilespmem:s12+$0x10] =	vst v3  }
0x36: {  	v3 =	vld.msk [tilespmem:$0x0], $0xff;
	_ =	sdelay $0x4  }
0x37: {  	v56 =	vshrl.u32 v3, $0x3  }
0x38: {  	v4 =	vmul.u32 $0x60, v56  }
0x39: {  	v3 =	vand.u32 $0x7, v3  }
0x3a: {  	v3 =	vor.u32 v3, v4  }
0x3b: {  	v3 =	vperm.xlane v3, v1;
	_ =	sdelay $0x1  }
0x3c: {  	v3 =	vadd.s32 v2, v3;
	_ =	sdelay $0x3  }
0x3d: {  	s22 =	simm.s32 $0x0  }
0x3e: {  	[tilespmem:s0], [sflag:$0x1] =	stream.indirect_vreg.gather [hbm4b:s4+s22], $0x80, v3, vm0, $0xb8;
	[tilespmem:$0x19C00] =	vst v63  }
0x3f: {  	_ = 	snop  }
0x40: {  	[tilespmem:s18], [sflag:$0x1] =	stream.indirect_vreg.gather [hbm4b:s6+s22], $0x80, v3, vm0, $0xb8;
	[tilespmem:$0x19C00] =	vst v63  }
0x41: {  	_ = 	snop  }
0x42: {  	[tilespmem:s19], [sflag:$0x1] =	stream.indirect_vreg.gather [hbm4b:s7+s22], $0x80, v3, vm0, $0xb8;
	[tilespmem:$0x19C00] =	vst v63  }
0x43: {  	_ = 	snop  }
0x44: {  	[tilespmem:s24], [sflag:$0x1] =	stream.indirect_vreg.gather [hbm4b:s8+s22], $0x80, v3, vm0, $0xb8;
	[tilespmem:$0x19C00] =	vst v63  }
0x45: {  	_ = 	snop  }
0x46: {  	[tilespmem:s28], [sflag:$0x1] =	stream.indirect_vreg.gather [hbm4b:s9+s22], $0x80, v3, vm0, $0xb8;
	[tilespmem:$0x19C00] =	vst v63  }
0x47: {  	s1 =	simm.s32 $0x4400  }
0x48: {  	[tilespmem:s1], [sflag:$0x1] =	stream.indirect_vreg.gather [hbm4b:s11+s22], $0x80, v3, vm0, $0xb8;
	[tilespmem:$0x19C00] =	vst v63  }
0x49: {  	v3 =	vld.msk [tilespmem:$0x8], $0xff;
	_ =	sdelay $0x4  }
0x4a: {  	v57 =	vshrl.u32 v3, $0x3  }
0x4b: {  	v4 =	vmul.u32 $0x60, v57  }
0x4c: {  	v3 =	vand.u32 $0x7, v3  }
0x4d: {  	v3 =	vor.u32 v3, v4  }
0x4e: {  	v3 =	vperm.xlane v3, v1;
	_ =	sdelay $0x1  }
0x4f: {  	v3 =	vadd.s32 v2, v3;
	_ =	sdelay $0x3  }
0x50: {  	s2 =	simm.s32 $0x4C00  }
0x51: {  	[tilespmem:s2], [sflag:$0x2] =	stream.indirect_vreg.gather [hbm4b:s4+s22], $0x80, v3, vm0, $0xb8;
	[tilespmem:$0x19C00] =	vst v63  }
0x52: {  	s19 =	simm.s32 $0x5400  }
0x53: {  	[tilespmem:s19], [sflag:$0x2] =	stream.indirect_vreg.gather [hbm4b:s6+s22], $0x80, v3, vm0, $0xb8;
	[tilespmem:$0x19C00] =	vst v63  }
0x54: {  	s24 =	simm.s32 $0x5C00  }
0x55: {  	[tilespmem:s24], [sflag:$0x2] =	stream.indirect_vreg.gather [hbm4b:s7+s22], $0x80, v3, vm0, $0xb8;
	[tilespmem:$0x19C00] =	vst v63  }
0x56: {  	s5 =	simm.s32 $0x6400  }
0x57: {  	[tilespmem:s5], [sflag:$0x2] =	stream.indirect_vreg.gather [hbm4b:s8+s22], $0x80, v3, vm0, $0xb8;
	[tilespmem:$0x19C00] =	vst v63  }
0x58: {  	s10 =	simm.s32 $0x6C00  }
0x59: {  	[tilespmem:s10], [sflag:$0x2] =	stream.indirect_vreg.gather [hbm4b:s9+s22], $0x80, v3, vm0, $0xb8;
	[tilespmem:$0x19C00] =	vst v63  }
0x5a: {  	s12 =	simm.s32 $0x7400  }
0x5b: {  	[tilespmem:s12], [sflag:$0x2] =	stream.indirect_vreg.gather [hbm4b:s11+s22], $0x80, v3, vm0, $0xb8;
	[tilespmem:$0x19C00] =	vst v63  }
0x5c: {  	v3 =	vld.msk [tilespmem:$0x10], $0xff;
	_ =	sdelay $0x4  }
0x5d: {  	v58 =	vshrl.u32 v3, $0x3  }
0x5e: {  	v4 =	vmul.u32 $0x60, v58  }
0x5f: {  	v3 =	vand.u32 $0x7, v3  }
0x60: {  	v3 =	vor.u32 v3, v4  }
0x61: {  	v3 =	vperm.xlane v3, v1;
	_ =	sdelay $0x1  }
0x62: {  	v3 =	vadd.s32 v2, v3;
	_ =	sdelay $0x3  }
0x63: {  	s5 =	simm.s32 $0x7C00  }
0x64: {  	[tilespmem:s5], [sflag:$0x3] =	stream.indirect_vreg.gather [hbm4b:s4+s22], $0x80, v3, vm0, $0xb8;
	[tilespmem:$0x19C00] =	vst v63  }
0x65: {  	s15 =	simm.s32 $0x8400  }
0x66: {  	[tilespmem:s15], [sflag:$0x3] =	stream.indirect_vreg.gather [hbm4b:s6+s22], $0x80, v3, vm0, $0xb8;
	[tilespmem:$0x19C00] =	vst v63  }
0x67: {  	s16 =	simm.s32 $0x8C00  }
0x68: {  	[tilespmem:s16], [sflag:$0x3] =	stream.indirect_vreg.gather [hbm4b:s7+s22], $0x80, v3, vm0, $0xb8;
	[tilespmem:$0x19C00] =	vst v63  }
0x69: {  	s17 =	simm.s32 $0x9400  }
0x6a: {  	[tilespmem:s17], [sflag:$0x3] =	stream.indirect_vreg.gather [hbm4b:s8+s22], $0x80, v3, vm0, $0xb8;
	[tilespmem:$0x19C00] =	vst v63  }
0x6b: {  	s18 =	simm.s32 $0x9C00  }
0x6c: {  	[tilespmem:s18], [sflag:$0x3] =	stream.indirect_vreg.gather [hbm4b:s9+s22], $0x80, v3, vm0, $0xb8;
	[tilespmem:$0x19C00] =	vst v63  }
0x6d: {  	s19 =	simm.s32 $0xA400  }
0x6e: {  	[tilespmem:s19], [sflag:$0x3] =	stream.indirect_vreg.gather [hbm4b:s11+s22], $0x80, v3, vm0, $0xb8;
	[tilespmem:$0x19C00] =	vst v63  }
0x6f: {  	v3 =	vld.msk [tilespmem:$0x18], $0xff;
	_ =	sdelay $0x4  }
0x70: {  	v59 =	vshrl.u32 v3, $0x3  }
0x71: {  	v4 =	vmul.u32 $0x60, v59  }
0x72: {  	v3 =	vand.u32 $0x7, v3  }
0x73: {  	v3 =	vor.u32 v3, v4  }
0x74: {  	v3 =	vperm.xlane v3, v1;
	_ =	sdelay $0x1  }
0x75: {  	v3 =	vadd.s32 v2, v3;
	_ =	sdelay $0x3  }
0x76: {  	s1 =	simm.s32 $0xAC00  }
0x77: {  	[tilespmem:s1], [sflag:$0x4] =	stream.indirect_vreg.gather [hbm4b:s4+s22], $0x80, v3, vm0, $0xb8;
	[tilespmem:$0x19C00] =	vst v63  }
0x78: {  	s10 =	simm.s32 $0xB400  }
0x79: {  	[tilespmem:s10], [sflag:$0x4] =	stream.indirect_vreg.gather [hbm4b:s6+s22], $0x80, v3, vm0, $0xb8;
	[tilespmem:$0x19C00] =	vst v63  }
0x7a: {  	s24 =	simm.s32 $0xBC00  }
0x7b: {  	[tilespmem:s24], [sflag:$0x4] =	stream.indirect_vreg.gather [hbm4b:s7+s22], $0x80, v3, vm0, $0xb8;
	[tilespmem:$0x19C00] =	vst v63  }
0x7c: {  	s12 =	simm.s32 $0xC400  }
0x7d: {  	[tilespmem:s12], [sflag:$0x4] =	stream.indirect_vreg.gather [hbm4b:s8+s22], $0x80, v3, vm0, $0xb8;
	[tilespmem:$0x19C00] =	vst v63  }
0x7e: {  	s15 =	simm.s32 $0xCC00  }
0x7f: {  	[tilespmem:s15], [sflag:$0x4] =	stream.indirect_vreg.gather [hbm4b:s9+s22], $0x80, v3, vm0, $0xb8;
	[tilespmem:$0x19C00] =	vst v63  }
0x80: {  	s16 =	simm.s32 $0xD400;
	s17 =	simm.s32 $0x1  }
0x81: {  	[tilespmem:s16], [sflag:$0x4] =	stream.indirect_vreg.gather [hbm4b:s11+s22], $0x80, v3, vm0, $0xb8;
	[tilespmem:$0x19C00] =	vst v63  }
0x82: {  	_ =	swait.ge [sflag:s17], $0x3000  }
0x83: {  	[sflag:s17] =	ssyncset.done $0x0  }
0x84: {  	s18 =	rddreg [dreg:$0xb];
	[sflag:s17] =	ssyncadd.s32 $0xFFFFD000  }
0x85: {  	[hbm4b:s18+s22] =	stream.linear.scatter [tilespmem:s0], [sflag:$0x9], $0x3000, $0x38;
	[tilespmem:$0x19C00] =	vst v63  }
0x86: {  	v3 =	vld.msk [tilespmem:$0x80], $0xff;
	_ =	sdelay $0x4  }
0x87: {  	v60 =	vshrl.u32 v3, $0x3  }
0x88: {  	v4 =	vmul.u32 $0x60, v60  }
0x89: {  	v3 =	vand.u32 $0x7, v3  }
0x8a: {  	v3 =	vor.u32 v3, v4  }
0x8b: {  	v3 =	vperm.xlane v3, v1;
	_ =	sdelay $0x1  }
0x8c: {  	v3 =	vadd.s32 v2, v3;
	_ =	sdelay $0x3  }
0x8d: {  	s19 =	simm.s32 $0xDC00  }
0x8e: {  	[tilespmem:s19], [sflag:$0x5] =	stream.indirect_vreg.gather [hbm4b:s4+s22], $0x80, v3, vm0, $0xb8;
	[tilespmem:$0x19C00] =	vst v63  }
0x8f: {  	s24 =	simm.s32 $0xE400  }
0x90: {  	[tilespmem:s24], [sflag:$0x5] =	stream.indirect_vreg.gather [hbm4b:s6+s22], $0x80, v3, vm0, $0xb8;
	[tilespmem:$0x19C00] =	vst v63  }
0x91: {  	s10 =	simm.s32 $0xEC00  }
0x92: {  	[tilespmem:s10], [sflag:$0x5] =	stream.indirect_vreg.gather [hbm4b:s7+s22], $0x80, v3, vm0, $0xb8;
	[tilespmem:$0x19C00] =	vst v63  }
0x93: {  	s12 =	simm.s32 $0xF400  }
0x94: {  	[tilespmem:s12], [sflag:$0x5] =	stream.indirect_vreg.gather [hbm4b:s8+s22], $0x80, v3, vm0, $0xb8;
	[tilespmem:$0x19C00] =	vst v63  }
0x95: {  	s15 =	simm.s32 $0xFC00  }
0x96: {  	[tilespmem:s15], [sflag:$0x5] =	stream.indirect_vreg.gather [hbm4b:s9+s22], $0x80, v3, vm0, $0xb8;
	[tilespmem:$0x19C00] =	vst v63  }
0x97: {  	s16 =	simm.s32 $0x10400;
	s17 =	simm.s32 $0x2  }
0x98: {  	[tilespmem:s16], [sflag:$0x5] =	stream.indirect_vreg.gather [hbm4b:s11+s22], $0x80, v3, vm0, $0xb8;
	[tilespmem:$0x19C00] =	vst v63  }
0x99: {  	_ =	swait.ge [sflag:s17], $0x3000  }
0x9a: {  	[sflag:s17] =	ssyncset.done $0x0  }
0x9b: {  	s18 =	rddreg [dreg:$0xc];
	[sflag:s17] =	ssyncadd.s32 $0xFFFFD000  }
0x9c: {  	[hbm4b:s18+s22] =	stream.linear.scatter [tilespmem:s2], [sflag:$0xA], $0x3000, $0x38;
	[tilespmem:$0x19C00] =	vst v63  }
0x9d: {  	v3 =	vld.msk [tilespmem:$0x88], $0xff;
	_ =	sdelay $0x4  }
0x9e: {  	v61 =	vshrl.u32 v3, $0x3  }
0x9f: {  	v4 =	vmul.u32 $0x60, v61  }
0xa0: {  	v3 =	vand.u32 $0x7, v3  }
0xa1: {  	v3 =	vor.u32 v3, v4  }
0xa2: {  	v3 =	vperm.xlane v3, v1;
	_ =	sdelay $0x1  }
0xa3: {  	v3 =	vadd.s32 v2, v3;
	_ =	sdelay $0x3  }
0xa4: {  	s19 =	simm.s32 $0x10C00  }
0xa5: {  	[tilespmem:s19], [sflag:$0x6] =	stream.indirect_vreg.gather [hbm4b:s4+s22], $0x80, v3, vm0, $0xb8;
	[tilespmem:$0x19C00] =	vst v63  }
0xa6: {  	s24 =	simm.s32 $0x11400  }
0xa7: {  	[tilespmem:s24], [sflag:$0x6] =	stream.indirect_vreg.gather [hbm4b:s6+s22], $0x80, v3, vm0, $0xb8;
	[tilespmem:$0x19C00] =	vst v63  }
0xa8: {  	s2 =	simm.s32 $0x11C00  }
0xa9: {  	[tilespmem:s2], [sflag:$0x6] =	stream.indirect_vreg.gather [hbm4b:s7+s22], $0x80, v3, vm0, $0xb8;
	[tilespmem:$0x19C00] =	vst v63  }
0xaa: {  	s10 =	simm.s32 $0x12400  }
0xab: {  	[tilespmem:s10], [sflag:$0x6] =	stream.indirect_vreg.gather [hbm4b:s8+s22], $0x80, v3, vm0, $0xb8;
	[tilespmem:$0x19C00] =	vst v63  }
0xac: {  	s12 =	simm.s32 $0x12C00  }
0xad: {  	[tilespmem:s12], [sflag:$0x6] =	stream.indirect_vreg.gather [hbm4b:s9+s22], $0x80, v3, vm0, $0xb8;
	[tilespmem:$0x19C00] =	vst v63  }
0xae: {  	s15 =	simm.s32 $0x13400;
	s16 =	simm.s32 $0x3  }
0xaf: {  	[tilespmem:s15], [sflag:$0x6] =	stream.indirect_vreg.gather [hbm4b:s11+s22], $0x80, v3, vm0, $0xb8;
	[tilespmem:$0x19C00] =	vst v63  }
0xb0: {  	_ =	swait.ge [sflag:s16], $0x3000  }
0xb1: {  	[sflag:s16] =	ssyncset.done $0x0  }
0xb2: {  	s17 =	rddreg [dreg:$0xd];
	[sflag:s16] =	ssyncadd.s32 $0xFFFFD000  }
0xb3: {  	[hbm4b:s17+s22] =	stream.linear.scatter [tilespmem:s5], [sflag:$0xB], $0x3000, $0x38;
	[tilespmem:$0x19C00] =	vst v63  }
0xb4: {  	v3 =	vld.msk [tilespmem:$0x90], $0xff;
	_ =	sdelay $0x4  }
0xb5: {  	v62 =	vshrl.u32 v3, $0x3  }
0xb6: {  	v4 =	vmul.u32 $0x60, v62  }
0xb7: {  	v3 =	vand.u32 $0x7, v3  }
0xb8: {  	v3 =	vor.u32 v3, v4  }
0xb9: {  	v3 =	vperm.xlane v3, v1;
	_ =	sdelay $0x1  }
0xba: {  	v3 =	vadd.s32 v2, v3;
	_ =	sdelay $0x3  }
0xbb: {  	s18 =	simm.s32 $0x13C00  }
0xbc: {  	[tilespmem:s18], [sflag:$0x7] =	stream.indirect_vreg.gather [hbm4b:s4+s22], $0x80, v3, vm0, $0xb8;
	[tilespmem:$0x19C00] =	vst v63  }
0xbd: {  	s19 =	simm.s32 $0x14400  }
0xbe: {  	[tilespmem:s19], [sflag:$0x7] =	stream.indirect_vreg.gather [hbm4b:s6+s22], $0x80, v3, vm0, $0xb8;
	[tilespmem:$0x19C00] =	vst v63  }
0xbf: {  	s24 =	simm.s32 $0x14C00  }
0xc0: {  	[tilespmem:s24], [sflag:$0x7] =	stream.indirect_vreg.gather [hbm4b:s7+s22], $0x80, v3, vm0, $0xb8;
	[tilespmem:$0x19C00] =	vst v63  }
0xc1: {  	s2 =	simm.s32 $0x15400  }
0xc2: {  	[tilespmem:s2], [sflag:$0x7] =	stream.indirect_vreg.gather [hbm4b:s8+s22], $0x80, v3, vm0, $0xb8;
	[tilespmem:$0x19C00] =	vst v63  }
0xc3: {  	s5 =	simm.s32 $0x15C00  }
0xc4: {  	[tilespmem:s5], [sflag:$0x7] =	stream.indirect_vreg.gather [hbm4b:s9+s22], $0x80, v3, vm0, $0xb8;
	[tilespmem:$0x19C00] =	vst v63  }
0xc5: {  	_ = 	snop  }
0xc6: {  	[tilespmem:s20], [sflag:$0x7] =	stream.indirect_vreg.gather [hbm4b:s11+s22], $0x80, v3, vm0, $0xb8;
	[tilespmem:$0x19C00] =	vst v63  }
0xc7: {  	s20 =	simm.s32 $0x4  }
0xc8: {  	_ =	swait.ge [sflag:s20], $0x3000  }
0xc9: {  	[sflag:s20] =	ssyncset.done $0x0  }
0xca: {  	s10 =	rddreg [dreg:$0xe];
	[sflag:s20] =	ssyncadd.s32 $0xFFFFD000  }
0xcb: {  	[hbm4b:s10+s22] =	stream.linear.scatter [tilespmem:s1], [sflag:$0xC], $0x3000, $0x38;
	[tilespmem:$0x19C00] =	vst v63  }
0xcc: {  	v3 =	vld.msk [tilespmem:$0x98], $0xff;
	_ =	sdelay $0x4  }
0xcd: {  	v63 =	vshrl.u32 v3, $0x3  }
0xce: {  	v4 =	vmul.u32 $0x60, v63  }
0xcf: {  	v3 =	vand.u32 $0x7, v3  }
0xd0: {  	v3 =	vor.u32 v3, v4  }
0xd1: {  	v3 =	vperm.xlane v3, v1;
	_ =	sdelay $0x1  }
0xd2: {  	v3 =	vadd.s32 v2, v3;
	_ =	sdelay $0x3  }
0xd3: {  	s15 =	simm.s32 $0x16C00  }
0xd4: {  	[tilespmem:s15], [sflag:$0x8] =	stream.indirect_vreg.gather [hbm4b:s4+s22], $0x80, v3, vm0, $0xb8;
	[tilespmem:$0x19C00] =	vst v63  }
0xd5: {  	s16 =	simm.s32 $0x17400  }
0xd6: {  	[tilespmem:s16], [sflag:$0x8] =	stream.indirect_vreg.gather [hbm4b:s6+s22], $0x80, v3, vm0, $0xb8;
	[tilespmem:$0x19C00] =	vst v63  }
0xd7: {  	s17 =	simm.s32 $0x17C00  }
0xd8: {  	[tilespmem:s17], [sflag:$0x8] =	stream.indirect_vreg.gather [hbm4b:s7+s22], $0x80, v3, vm0, $0xb8;
	[tilespmem:$0x19C00] =	vst v63  }
0xd9: {  	s18 =	simm.s32 $0x18400  }
0xda: {  	[tilespmem:s18], [sflag:$0x8] =	stream.indirect_vreg.gather [hbm4b:s8+s22], $0x80, v3, vm0, $0xb8;
	[tilespmem:$0x19C00] =	vst v63  }
0xdb: {  	s29 =	simm.s32 $0x198;
	s19 =	simm.s32 $0x18C00  }
0xdc: {  	[tilespmem:s19], [sflag:$0x8] =	stream.indirect_vreg.gather [hbm4b:s9+s22], $0x80, v3, vm0, $0xb8;
	[tilespmem:$0x19C00] =	vst v63  }
0xdd: {  	s28 =	simm.s32 $0x9;
	s24 =	simm.s32 $0x19400;
	s2 =	simm.s32 $0x7  }
0xde: {  	[tilespmem:s24], [sflag:$0x8] =	stream.indirect_vreg.gather [hbm4b:s11+s22], $0x80, v3, vm0, $0xb8;
	[tilespmem:$0x19C00] =	vst v63  }
0xdf: {  	s5 =	simm.s32 $0xC;
	s12 =	rddreg [dreg:$0x14];
	s24 =	simm.s32 $0x5  }
.LBB2_4:
0xe0: {  	_ =	swait.ge [sflag:s24], $0x3000  }
0xe1: {  	s18 =	rddreg [dreg:$0x3];
	[sflag:s24] =	ssyncset.done $0x0  }
0xe2: {  	s0 =	simm.s32 $0xDC00;
	[sflag:s24] =	ssyncadd.s32 $0xFFFFD000;
	s18 =	sadd.s32 s22, s18  }
0xe3: {  	[hbm4b:s18+s3] =	stream.linear.scatter [tilespmem:s0], [sflag:$0xD], $0x3000, $0x38;
	[tilespmem:$0x19C00] =	vst v63  }
0xe4: {  	_ =	swait.ge [sflag:s28], $0x3000  }
0xe5: {  	[sflag:s28] =	ssyncset.done $0x0  }
0xe6: {  	[sflag:s28] =	ssyncadd.s32 $0xFFFFD000  }
0xe7: {  	v3 =	vld.msk [tilespmem:s29+$0xFFFFFF68], $0xff;
	_ =	sdelay $0x4  }
0xe8: {  	v4 =	vshrl.u32 v3, $0x3  }
0xe9: {  	v4 =	vmul.u32 $0x60, v4  }
0xea: {  	v3 =	vand.u32 $0x7, v3  }
0xeb: {  	v3 =	vor.u32 v3, v4  }
0xec: {  	v3 =	vperm.xlane v3, v1;
	_ =	sdelay $0x1  }
0xed: {  	v3 =	vadd.s32 v2, v3;
	_ =	sdelay $0x4  }
0xee: {  	[tilespmem:s23], [sflag:$0x1] =	stream.indirect_vreg.gather [hbm4b:s4+s3], $0x80, v3, vm0, $0xb8;
	[tilespmem:$0x19C00] =	vst v63  }
0xef: {  	s1 =	simm.s32 $0x2400  }
0xf0: {  	[tilespmem:s1], [sflag:$0x1] =	stream.indirect_vreg.gather [hbm4b:s6+s3], $0x80, v3, vm0, $0xb8;
	[tilespmem:$0x19C00] =	vst v63  }
0xf1: {  	s19 =	simm.s32 $0x2C00  }
0xf2: {  	[tilespmem:s19], [sflag:$0x1] =	stream.indirect_vreg.gather [hbm4b:s7+s3], $0x80, v3, vm0, $0xb8;
	[tilespmem:$0x19C00] =	vst v63  }
0xf3: {  	s10 =	simm.s32 $0x3400  }
0xf4: {  	[tilespmem:s10], [sflag:$0x1] =	stream.indirect_vreg.gather [hbm4b:s8+s3], $0x80, v3, vm0, $0xb8;
	[tilespmem:$0x19C00] =	vst v63  }
0xf5: {  	s15 =	simm.s32 $0x3C00  }
0xf6: {  	[tilespmem:s15], [sflag:$0x1] =	stream.indirect_vreg.gather [hbm4b:s9+s3], $0x80, v3, vm0, $0xb8;
	[tilespmem:$0x19C00] =	vst v63  }
0xf7: {  	s16 =	simm.s32 $0x4400  }
0xf8: {  	[tilespmem:s16], [sflag:$0x1] =	stream.indirect_vreg.gather [hbm4b:s11+s3], $0x80, v3, vm0, $0xb8;
	[tilespmem:$0x19C00] =	vst v63  }
0xf9: {  	_ =	swait.ge [sflag:s21], $0x3000  }
0xfa: {  	s17 =	rddreg [dreg:$0x4];
	[sflag:s21] =	ssyncset.done $0x0  }
0xfb: {  	[sflag:s21] =	ssyncadd.s32 $0xFFFFD000;
	s18 =	sadd.s32 s22, s17;
	s17 =	simm.s32 $0x10C00  }
0xfc: {  	[hbm4b:s18+s3] =	stream.linear.scatter [tilespmem:s17], [sflag:$0xE], $0x3000, $0x38;
	[tilespmem:$0x19C00] =	vst v63  }
0xfd: {  	_ =	swait.ge [sflag:s31], $0x3000  }
0xfe: {  	[sflag:s31] =	ssyncset.done $0x0  }
0xff: {  	[sflag:s31] =	ssyncadd.s32 $0xFFFFD000  }
0x100: {  	v3 =	vld.msk [tilespmem:s29+$0xFFFFFF70], $0xff;
	_ =	sdelay $0x4  }
0x101: {  	v57 =	vshrl.u32 v3, $0x3  }
0x102: {  	v4 =	vmul.u32 $0x60, v57  }
0x103: {  	v3 =	vand.u32 $0x7, v3  }
0x104: {  	v3 =	vor.u32 v3, v4  }
0x105: {  	v3 =	vperm.xlane v3, v1;
	_ =	sdelay $0x1  }
0x106: {  	v3 =	vadd.s32 v2, v3;
	_ =	sdelay $0x4  }
0x107: {  	[tilespmem:s26], [sflag:$0x2] =	stream.indirect_vreg.gather [hbm4b:s4+s3], $0x80, v3, vm0, $0xb8;
	[tilespmem:$0x19C00] =	vst v63  }
0x108: {  	s19 =	simm.s32 $0x5400  }
0x109: {  	[tilespmem:s19], [sflag:$0x2] =	stream.indirect_vreg.gather [hbm4b:s6+s3], $0x80, v3, vm0, $0xb8;
	[tilespmem:$0x19C00] =	vst v63  }
0x10a: {  	s1 =	simm.s32 $0x5C00  }
0x10b: {  	[tilespmem:s1], [sflag:$0x2] =	stream.indirect_vreg.gather [hbm4b:s7+s3], $0x80, v3, vm0, $0xb8;
	[tilespmem:$0x19C00] =	vst v63  }
0x10c: {  	s10 =	simm.s32 $0x6400  }
0x10d: {  	[tilespmem:s10], [sflag:$0x2] =	stream.indirect_vreg.gather [hbm4b:s8+s3], $0x80, v3, vm0, $0xb8;
	[tilespmem:$0x19C00] =	vst v63  }
0x10e: {  	s15 =	simm.s32 $0x6C00  }
0x10f: {  	[tilespmem:s15], [sflag:$0x2] =	stream.indirect_vreg.gather [hbm4b:s9+s3], $0x80, v3, vm0, $0xb8;
	[tilespmem:$0x19C00] =	vst v63  }
0x110: {  	s16 =	simm.s32 $0x7400  }
0x111: {  	[tilespmem:s16], [sflag:$0x2] =	stream.indirect_vreg.gather [hbm4b:s11+s3], $0x80, v3, vm0, $0xb8;
	[tilespmem:$0x19C00] =	vst v63  }
0x112: {  	_ =	swait.ge [sflag:s2], $0x3000  }
0x113: {  	s19 =	rddreg [dreg:$0x5];
	[sflag:s2] =	ssyncset.done $0x0  }
0x114: {  	[sflag:s2] =	ssyncadd.s32 $0xFFFFD000;
	s18 =	sadd.s32 s22, s19;
	s19 =	simm.s32 $0x13C00  }
0x115: {  	[hbm4b:s18+s3] =	stream.linear.scatter [tilespmem:s19], [sflag:$0xF], $0x3000, $0x38;
	[tilespmem:$0x19C00] =	vst v63  }
0x116: {  	_ =	swait.ge [sflag:s25], $0x3000  }
0x117: {  	[sflag:s25] =	ssyncset.done $0x0  }
0x118: {  	[sflag:s25] =	ssyncadd.s32 $0xFFFFD000  }
0x119: {  	v3 =	vld.msk [tilespmem:s29+$0xFFFFFF78], $0xff;
	_ =	sdelay $0x4  }
0x11a: {  	v58 =	vshrl.u32 v3, $0x3  }
0x11b: {  	v4 =	vmul.u32 $0x60, v58  }
0x11c: {  	v3 =	vand.u32 $0x7, v3  }
0x11d: {  	v3 =	vor.u32 v3, v4  }
0x11e: {  	v3 =	vperm.xlane v3, v1;
	_ =	sdelay $0x1  }
0x11f: {  	v3 =	vadd.s32 v2, v3;
	_ =	sdelay $0x3  }
0x120: {  	s16 =	simm.s32 $0x7C00  }
0x121: {  	[tilespmem:s16], [sflag:$0x3] =	stream.indirect_vreg.gather [hbm4b:s4+s3], $0x80, v3, vm0, $0xb8;
	[tilespmem:$0x19C00] =	vst v63  }
0x122: {  	s1 =	simm.s32 $0x8400  }
0x123: {  	[tilespmem:s1], [sflag:$0x3] =	stream.indirect_vreg.gather [hbm4b:s6+s3], $0x80, v3, vm0, $0xb8;
	[tilespmem:$0x19C00] =	vst v63  }
0x124: {  	s10 =	simm.s32 $0x8C00  }
0x125: {  	[tilespmem:s10], [sflag:$0x3] =	stream.indirect_vreg.gather [hbm4b:s7+s3], $0x80, v3, vm0, $0xb8;
	[tilespmem:$0x19C00] =	vst v63  }
0x126: {  	s15 =	simm.s32 $0x9400  }
0x127: {  	[tilespmem:s15], [sflag:$0x3] =	stream.indirect_vreg.gather [hbm4b:s8+s3], $0x80, v3, vm0, $0xb8;
	[tilespmem:$0x19C00] =	vst v63  }
0x128: {  	s1 =	simm.s32 $0x9C00  }
0x129: {  	[tilespmem:s1], [sflag:$0x3] =	stream.indirect_vreg.gather [hbm4b:s9+s3], $0x80, v3, vm0, $0xb8;
	[tilespmem:$0x19C00] =	vst v63  }
0x12a: {  	s10 =	simm.s32 $0xA400  }
0x12b: {  	[tilespmem:s10], [sflag:$0x3] =	stream.indirect_vreg.gather [hbm4b:s11+s3], $0x80, v3, vm0, $0xb8;
	[tilespmem:$0x19C00] =	vst v63  }
0x12c: {  	_ =	swait.ge [sflag:s30], $0x3000  }
0x12d: {  	s15 =	rddreg [dreg:$0x6];
	[sflag:s30] =	ssyncset.done $0x0  }
0x12e: {  	[sflag:s30] =	ssyncadd.s32 $0xFFFFD000;
	s18 =	sadd.s32 s22, s15;
	s15 =	simm.s32 $0x16C00  }
0x12f: {  	[hbm4b:s18+s3] =	stream.linear.scatter [tilespmem:s15], [sflag:$0x10], $0x3000, $0x38;
	[tilespmem:$0x19C00] =	vst v63  }
0x130: {  	_ =	swait.ge [sflag:s5], $0x3000  }
0x131: {  	[sflag:s5] =	ssyncset.done $0x0  }
0x132: {  	[sflag:s5] =	ssyncadd.s32 $0xFFFFD000  }
0x133: {  	v3 =	vld.msk [tilespmem:s29+$0xFFFFFF80], $0xff;
	_ =	sdelay $0x4  }
0x134: {  	v59 =	vshrl.u32 v3, $0x3  }
0x135: {  	v4 =	vmul.u32 $0x60, v59  }
0x136: {  	v3 =	vand.u32 $0x7, v3  }
0x137: {  	v3 =	vor.u32 v3, v4  }
0x138: {  	v3 =	vperm.xlane v3, v1;
	_ =	sdelay $0x1  }
0x139: {  	v3 =	vadd.s32 v2, v3;
	_ =	sdelay $0x3  }
0x13a: {  	s1 =	simm.s32 $0xAC00  }
0x13b: {  	[tilespmem:s1], [sflag:$0x4] =	stream.indirect_vreg.gather [hbm4b:s4+s3], $0x80, v3, vm0, $0xb8;
	[tilespmem:$0x19C00] =	vst v63  }
0x13c: {  	s10 =	simm.s32 $0xB400  }
0x13d: {  	[tilespmem:s10], [sflag:$0x4] =	stream.indirect_vreg.gather [hbm4b:s6+s3], $0x80, v3, vm0, $0xb8;
	[tilespmem:$0x19C00] =	vst v63  }
0x13e: {  	s18 =	simm.s32 $0xBC00  }
0x13f: {  	[tilespmem:s18], [sflag:$0x4] =	stream.indirect_vreg.gather [hbm4b:s7+s3], $0x80, v3, vm0, $0xb8;
	[tilespmem:$0x19C00] =	vst v63  }
0x140: {  	s18 =	simm.s32 $0xC400  }
0x141: {  	[tilespmem:s18], [sflag:$0x4] =	stream.indirect_vreg.gather [hbm4b:s8+s3], $0x80, v3, vm0, $0xb8;
	[tilespmem:$0x19C00] =	vst v63  }
0x142: {  	s18 =	simm.s32 $0xCC00  }
0x143: {  	[tilespmem:s18], [sflag:$0x4] =	stream.indirect_vreg.gather [hbm4b:s9+s3], $0x80, v3, vm0, $0xb8;
	[tilespmem:$0x19C00] =	vst v63  }
0x144: {  	s10 =	simm.s32 $0x1;
	s18 =	simm.s32 $0xD400  }
0x145: {  	[tilespmem:s18], [sflag:$0x4] =	stream.indirect_vreg.gather [hbm4b:s11+s3], $0x80, v3, vm0, $0xb8;
	[tilespmem:$0x19C00] =	vst v63  }
0x146: {  	_ =	swait.ge [sflag:s10], $0x3000  }
0x147: {  	[sflag:s10] =	ssyncset.done $0x0  }
0x148: {  	[sflag:s10] =	ssyncadd.s32 $0xFFFFD000  }
0x149: {  	s18 =	sshrl.u32 s12, $0x3;
	s10 =	rddreg [dreg:$0x1]  }
0x14a: {  	s18 =	sadd.s32 s10, s18  }
0x14b: {  	[hbm4b:s18+s3] =	stream.linear.scatter [tilespmem:s23], [sflag:$0x9], $0x3000, $0x38;
	[tilespmem:$0x19C00] =	vst v63  }
0x14c: {  	_ =	swait.ge [sflag:s13], $0x3000  }
0x14d: {  	[sflag:s13] =	ssyncset.done $0x0  }
0x14e: {  	[sflag:s13] =	ssyncadd.s32 $0xFFFFD000  }
0x14f: {  	v3 =	vld.msk [tilespmem:s29+$0xFFFFFFE8], $0xff;
	_ =	sdelay $0x4  }
0x150: {  	v60 =	vshrl.u32 v3, $0x3  }
0x151: {  	v4 =	vmul.u32 $0x60, v60  }
0x152: {  	v3 =	vand.u32 $0x7, v3  }
0x153: {  	v3 =	vor.u32 v3, v4  }
0x154: {  	v3 =	vperm.xlane v3, v1;
	_ =	sdelay $0x1  }
0x155: {  	v3 =	vadd.s32 v2, v3;
	_ =	sdelay $0x4  }
0x156: {  	[tilespmem:s0], [sflag:$0x5] =	stream.indirect_vreg.gather [hbm4b:s4+s3], $0x80, v3, vm0, $0xb8;
	[tilespmem:$0x19C00] =	vst v63  }
0x157: {  	s18 =	simm.s32 $0xE400  }
0x158: {  	[tilespmem:s18], [sflag:$0x5] =	stream.indirect_vreg.gather [hbm4b:s6+s3], $0x80, v3, vm0, $0xb8;
	[tilespmem:$0x19C00] =	vst v63  }
0x159: {  	s18 =	simm.s32 $0xEC00  }
0x15a: {  	[tilespmem:s18], [sflag:$0x5] =	stream.indirect_vreg.gather [hbm4b:s7+s3], $0x80, v3, vm0, $0xb8;
	[tilespmem:$0x19C00] =	vst v63  }
0x15b: {  	s18 =	simm.s32 $0xF400  }
0x15c: {  	[tilespmem:s18], [sflag:$0x5] =	stream.indirect_vreg.gather [hbm4b:s8+s3], $0x80, v3, vm0, $0xb8;
	[tilespmem:$0x19C00] =	vst v63  }
0x15d: {  	s18 =	simm.s32 $0xFC00  }
0x15e: {  	[tilespmem:s18], [sflag:$0x5] =	stream.indirect_vreg.gather [hbm4b:s9+s3], $0x80, v3, vm0, $0xb8;
	[tilespmem:$0x19C00] =	vst v63  }
0x15f: {  	s0 =	simm.s32 $0x2;
	s18 =	simm.s32 $0x10400  }
0x160: {  	[tilespmem:s18], [sflag:$0x5] =	stream.indirect_vreg.gather [hbm4b:s11+s3], $0x80, v3, vm0, $0xb8;
	[tilespmem:$0x19C00] =	vst v63  }
0x161: {  	_ =	swait.ge [sflag:s0], $0x3000  }
0x162: {  	s18 =	rddreg [dreg:$0x9];
	[sflag:s0] =	ssyncset.done $0x0  }
0x163: {  	[sflag:s0] =	ssyncadd.s32 $0xFFFFD000;
	s18 =	sadd.s32 s22, s18  }
0x164: {  	[hbm4b:s18+s3] =	stream.linear.scatter [tilespmem:s26], [sflag:$0xA], $0x3000, $0x38;
	[tilespmem:$0x19C00] =	vst v63  }
0x165: {  	_ =	swait.ge [sflag:s14], $0x3000  }
0x166: {  	[sflag:s14] =	ssyncset.done $0x0  }
0x167: {  	[sflag:s14] =	ssyncadd.s32 $0xFFFFD000  }
0x168: {  	v3 =	vld.msk [tilespmem:s29+$0xFFFFFFF0], $0xff;
	_ =	sdelay $0x4  }
0x169: {  	v61 =	vshrl.u32 v3, $0x3  }
0x16a: {  	v4 =	vmul.u32 $0x60, v61  }
0x16b: {  	v3 =	vand.u32 $0x7, v3  }
0x16c: {  	v3 =	vor.u32 v3, v4  }
0x16d: {  	v3 =	vperm.xlane v3, v1;
	_ =	sdelay $0x1  }
0x16e: {  	v3 =	vadd.s32 v2, v3;
	_ =	sdelay $0x4  }
0x16f: {  	[tilespmem:s17], [sflag:$0x6] =	stream.indirect_vreg.gather [hbm4b:s4+s3], $0x80, v3, vm0, $0xb8;
	[tilespmem:$0x19C00] =	vst v63  }
0x170: {  	s18 =	simm.s32 $0x11400  }
0x171: {  	[tilespmem:s18], [sflag:$0x6] =	stream.indirect_vreg.gather [hbm4b:s6+s3], $0x80, v3, vm0, $0xb8;
	[tilespmem:$0x19C00] =	vst v63  }
0x172: {  	s18 =	simm.s32 $0x11C00  }
0x173: {  	[tilespmem:s18], [sflag:$0x6] =	stream.indirect_vreg.gather [hbm4b:s7+s3], $0x80, v3, vm0, $0xb8;
	[tilespmem:$0x19C00] =	vst v63  }
0x174: {  	s18 =	simm.s32 $0x12400  }
0x175: {  	[tilespmem:s18], [sflag:$0x6] =	stream.indirect_vreg.gather [hbm4b:s8+s3], $0x80, v3, vm0, $0xb8;
	[tilespmem:$0x19C00] =	vst v63  }
0x176: {  	s18 =	simm.s32 $0x12C00  }
0x177: {  	[tilespmem:s18], [sflag:$0x6] =	stream.indirect_vreg.gather [hbm4b:s9+s3], $0x80, v3, vm0, $0xb8;
	[tilespmem:$0x19C00] =	vst v63  }
0x178: {  	s17 =	simm.s32 $0x3;
	s18 =	simm.s32 $0x13400  }
0x179: {  	[tilespmem:s18], [sflag:$0x6] =	stream.indirect_vreg.gather [hbm4b:s11+s3], $0x80, v3, vm0, $0xb8;
	[tilespmem:$0x19C00] =	vst v63  }
0x17a: {  	_ =	swait.ge [sflag:s17], $0x3000  }
0x17b: {  	s18 =	rddreg [dreg:$0x8];
	[sflag:s17] =	ssyncset.done $0x0  }
0x17c: {  	[sflag:s17] =	ssyncadd.s32 $0xFFFFD000;
	s18 =	sadd.s32 s22, s18;
	s17 =	simm.s32 $0xF  }
0x17d: {  	[hbm4b:s18+s3] =	stream.linear.scatter [tilespmem:s16], [sflag:$0xB], $0x3000, $0x38;
	[tilespmem:$0x19C00] =	vst v63  }
0x17e: {  	_ =	swait.ge [sflag:s17], $0x3000  }
0x17f: {  	[sflag:s17] =	ssyncset.done $0x0  }
0x180: {  	[sflag:s17] =	ssyncadd.s32 $0xFFFFD000  }
0x181: {  	v3 =	vld.msk [tilespmem:s29+$0xFFFFFFF8], $0xff;
	_ =	sdelay $0x4  }
0x182: {  	v62 =	vshrl.u32 v3, $0x3  }
0x183: {  	v4 =	vmul.u32 $0x60, v62  }
0x184: {  	v3 =	vand.u32 $0x7, v3  }
0x185: {  	v3 =	vor.u32 v3, v4  }
0x186: {  	v3 =	vperm.xlane v3, v1;
	_ =	sdelay $0x1  }
0x187: {  	v3 =	vadd.s32 v2, v3;
	_ =	sdelay $0x4  }
0x188: {  	[tilespmem:s19], [sflag:$0x7] =	stream.indirect_vreg.gather [hbm4b:s4+s3], $0x80, v3, vm0, $0xb8;
	[tilespmem:$0x19C00] =	vst v63  }
0x189: {  	s18 =	simm.s32 $0x14400  }
0x18a: {  	[tilespmem:s18], [sflag:$0x7] =	stream.indirect_vreg.gather [hbm4b:s6+s3], $0x80, v3, vm0, $0xb8;
	[tilespmem:$0x19C00] =	vst v63  }
0x18b: {  	s19 =	simm.s32 $0x14C00  }
0x18c: {  	[tilespmem:s19], [sflag:$0x7] =	stream.indirect_vreg.gather [hbm4b:s7+s3], $0x80, v3, vm0, $0xb8;
	[tilespmem:$0x19C00] =	vst v63  }
0x18d: {  	s18 =	simm.s32 $0x15400  }
0x18e: {  	[tilespmem:s18], [sflag:$0x7] =	stream.indirect_vreg.gather [hbm4b:s8+s3], $0x80, v3, vm0, $0xb8;
	[tilespmem:$0x19C00] =	vst v63  }
0x18f: {  	s19 =	simm.s32 $0x15C00  }
0x190: {  	[tilespmem:s19], [sflag:$0x7] =	stream.indirect_vreg.gather [hbm4b:s9+s3], $0x80, v3, vm0, $0xb8;
	[tilespmem:$0x19C00] =	vst v63  }
0x191: {  	s18 =	simm.s32 $0x16400  }
0x192: {  	[tilespmem:s18], [sflag:$0x7] =	stream.indirect_vreg.gather [hbm4b:s11+s3], $0x80, v3, vm0, $0xb8;
	[tilespmem:$0x19C00] =	vst v63  }
0x193: {  	_ =	swait.ge [sflag:s20], $0x3000  }
0x194: {  	s19 =	rddreg [dreg:$0x7];
	[sflag:s20] =	ssyncset.done $0x0  }
0x195: {  	s17 =	simm.s32 $0x10;
	[sflag:s20] =	ssyncadd.s32 $0xFFFFD000;
	s18 =	sadd.s32 s22, s19  }
0x196: {  	[hbm4b:s18+s3] =	stream.linear.scatter [tilespmem:s1], [sflag:$0xC], $0x3000, $0x38;
	[tilespmem:$0x19C00] =	vst v63  }
0x197: {  	_ =	swait.ge [sflag:s17], $0x3000  }
0x198: {  	[sflag:s17] =	ssyncset.done $0x0  }
0x199: {  	[sflag:s17] =	ssyncadd.s32 $0xFFFFD000  }
0x19a: {  	v3 =	vld.msk [tilespmem:s29+$0x0], $0xff;
	_ =	sdelay $0x4  }
0x19b: {  	v63 =	vshrl.u32 v3, $0x3  }
0x19c: {  	v4 =	vmul.u32 $0x60, v63  }
0x19d: {  	v3 =	vand.u32 $0x7, v3  }
0x19e: {  	v3 =	vor.u32 v3, v4  }
0x19f: {  	v3 =	vperm.xlane v3, v1;
	_ =	sdelay $0x1  }
0x1a0: {  	v3 =	vadd.s32 v2, v3;
	_ =	sdelay $0x4  }
0x1a1: {  	[tilespmem:s15], [sflag:$0x8] =	stream.indirect_vreg.gather [hbm4b:s4+s3], $0x80, v3, vm0, $0xb8;
	[tilespmem:$0x19C00] =	vst v63  }
0x1a2: {  	s18 =	simm.s32 $0x17400  }
0x1a3: {  	[tilespmem:s18], [sflag:$0x8] =	stream.indirect_vreg.gather [hbm4b:s6+s3], $0x80, v3, vm0, $0xb8;
	[tilespmem:$0x19C00] =	vst v63  }
0x1a4: {  	s19 =	simm.s32 $0x17C00  }
0x1a5: {  	[tilespmem:s19], [sflag:$0x8] =	stream.indirect_vreg.gather [hbm4b:s7+s3], $0x80, v3, vm0, $0xb8;
	[tilespmem:$0x19C00] =	vst v63  }
0x1a6: {  	p0 =	sne.s32 s22, $0x8A0000;
	s12 =	sadd.s32 $0x300000, s12;
	s17 =	simm.s32 $0x18400  }
0x1a7: {  	[tilespmem:s17], [sflag:$0x8] =	stream.indirect_vreg.gather [hbm4b:s8+s3], $0x80, v3, vm0, $0xb8;
	[tilespmem:$0x19C00] =	vst v63  }
.Ltmp1:
0x1a8: {  	s10 =	simm.s32 $0xDC00;
	s0 =	simm.s32 $0x10C00;
	(pc) =	sbr.rel @p0 .LBB2_4-.Ltmp1, $4  }
0x1a9: {  	s16 =	simm.s32 $0x13C00;
	s22 =	sadd.s32 $0x60000, s22;
	s18 =	simm.s32 $0x18C00  }
0x1aa: {  	[tilespmem:s18], [sflag:$0x8] =	stream.indirect_vreg.gather [hbm4b:s9+s3], $0x80, v3, vm0, $0xb8;
	[tilespmem:$0x19C00] =	vst v63  }
0x1ab: {  	s1 =	simm.s32 $0x16C00;
	s29 =	sadd.s32 $0x100, s29;
	s19 =	simm.s32 $0x19400  }
0x1ac: {  	[tilespmem:s19], [sflag:$0x8] =	stream.indirect_vreg.gather [hbm4b:s11+s3], $0x80, v3, vm0, $0xb8;
	[tilespmem:$0x19C00] =	vst v63  }
0x1ad: {  	_ =	swait.ge [sflag:s24], $0x3000  }
0x1ae: {  	[sflag:s24] =	ssyncset.done $0x0  }
0x1af: {  	s12 =	rddreg [dreg:$0xf];
	[sflag:s24] =	ssyncadd.s32 $0xFFFFD000  }
0x1b0: {  	[hbm4b:s12+s3] =	stream.linear.scatter [tilespmem:s10], [sflag:$0xD], $0x3000, $0x38;
	[tilespmem:$0x19C00] =	vst v63  }
0x1b1: {  	_ =	swait.ge [sflag:s28], $0x3000  }
0x1b2: {  	[sflag:s28] =	ssyncset.done $0x0  }
0x1b3: {  	[sflag:s28] =	ssyncadd.s32 $0xFFFFD000  }
0x1b4: {  	_ =	swait.ge [sflag:s21], $0x3000  }
0x1b5: {  	[sflag:s21] =	ssyncset.done $0x0  }
0x1b6: {  	s17 =	rddreg [dreg:$0x10];
	[sflag:s21] =	ssyncadd.s32 $0xFFFFD000  }
0x1b7: {  	[hbm4b:s17+s3] =	stream.linear.scatter [tilespmem:s0], [sflag:$0xE], $0x3000, $0x38;
	[tilespmem:$0x19C00] =	vst v63  }
0x1b8: {  	_ =	swait.ge [sflag:s31], $0x3000  }
0x1b9: {  	[sflag:s31] =	ssyncset.done $0x0  }
0x1ba: {  	[sflag:s31] =	ssyncadd.s32 $0xFFFFD000  }
0x1bb: {  	_ =	swait.ge [sflag:s2], $0x3000  }
0x1bc: {  	[sflag:s2] =	ssyncset.done $0x0  }
0x1bd: {  	s18 =	rddreg [dreg:$0x11];
	[sflag:s2] =	ssyncadd.s32 $0xFFFFD000  }
0x1be: {  	[hbm4b:s18+s3] =	stream.linear.scatter [tilespmem:s16], [sflag:$0xF], $0x3000, $0x38;
	[tilespmem:$0x19C00] =	vst v63  }
0x1bf: {  	_ =	swait.ge [sflag:s25], $0x3000  }
0x1c0: {  	[sflag:s25] =	ssyncset.done $0x0  }
0x1c1: {  	[sflag:s25] =	ssyncadd.s32 $0xFFFFD000  }
0x1c2: {  	_ =	swait.ge [sflag:s30], $0x3000  }
0x1c3: {  	[sflag:s30] =	ssyncset.done $0x0  }
0x1c4: {  	s19 =	rddreg [dreg:$0x12];
	[sflag:s30] =	ssyncadd.s32 $0xFFFFD000  }
0x1c5: {  	[hbm4b:s19+s3] =	stream.linear.scatter [tilespmem:s1], [sflag:$0x10], $0x3000, $0x38;
	[tilespmem:$0x19C00] =	vst v63  }
0x1c6: {  	_ =	swait.ge [sflag:s5], $0x3000  }
0x1c7: {  	[sflag:s5] =	ssyncset.done $0x0  }
0x1c8: {  	[sflag:s5] =	ssyncadd.s32 $0xFFFFD000  }
0x1c9: {  	_ =	swait.ge [sflag:s13], $0x3000  }
0x1ca: {  	[sflag:s13] =	ssyncset.done $0x0  }
0x1cb: {  	[sflag:s13] =	ssyncadd.s32 $0xFFFFD000  }
0x1cc: {  	_ =	swait.ge [sflag:s14], $0x3000  }
0x1cd: {  	[sflag:s14] =	ssyncset.done $0x0  }
0x1ce: {  	s20 =	simm.s32 $0xF;
	[sflag:s14] =	ssyncadd.s32 $0xFFFFD000  }
0x1cf: {  	_ =	swait.ge [sflag:s20], $0x3000  }
0x1d0: {  	[sflag:s20] =	ssyncset.done $0x0  }
0x1d1: {  	s22 =	simm.s32 $0x10;
	[sflag:s20] =	ssyncadd.s32 $0xFFFFD000  }
0x1d2: {  	_ =	swait.ge [sflag:s22], $0x3000  }
0x1d3: {  	s24 =	rddreg [dreg:$0x15]  }
0x1d4: {  	s29 =	rddreg [dreg:$0x13];
	s1 =	sadd.s32 $0x1, s24  }
0x1d5: {  	p0 =	sne.s32 s1, s29  }
.Ltmp2:
0x1d6: {  	_ = 	snop;
	(pc) =	sbr.rel @p0 .LBB2_1-.Ltmp2, $4  }
0x1d7: {  	_ = 	snop  }
0x1d8: {  	s28 =	simm.s32 $0x3C00;
	s0 =	simm.s32 $0x1C00  }
0x1d9: {  	s18 =	simm.s32 $0x2400;
	s19 =	simm.s32 $0x2C00;
	[sflag:s22] =	ssyncset.done $0x0  }
0x1da: {  	s20 =	simm.s32 $0x16400;
	[sflag:s22] =	ssyncadd.s32 $0xFFFFD000;
	s24 =	simm.s32 $0x3400  }
0x1db: {  	_ =	sfence.sel $0x180000  }
0x1dc: {  	[bflag:$0x0] =	sbarrier.arrive $0xFFFF  }
0x1dd: {  	_ =	strace $0x90000047  }
0x1de: {  	s0 =	stileid.u32;
	[bflag:$0x2] =	sbarrier.arrive $0xFFFF  }
0x1df: {  	p0 =	sne.s32 s0, $0x0;
	s0 =	rddreg [dreg:$0x2]  }
0x1e0: {  	s0 =	sadd.s32 @!p0 $0x100000, s0  }
0x1e1: {  	[sflag:s0] =	ssyncadd.tile.s32 @!p0 $0x1;
	_ =	shalt  }
.Lfunc_end2:
_tile_overlayer_lowered:
.L_overlay_start_2:
0x1e2: {  	(tag) =	ssettag $0x2  }
0x1e3: {  	s0 =	rddreg [dreg:$0x0];
	s2 =	stileid.u32  }
0x1e4: {  	s1 =	rddreg [dreg:$0x1];
	p0 =	sne.s32 s2, $0x0  }
0x1e5: {  	s3 =	rddreg [dreg:$0x2];
	[bflag:$0x3] =	sbarrier.arrive $0xFFFF;
	s2 =	simm.s32 @!p0 $0x1C11  }
0x1e6: {  	[timem:s3], [sflag:s2] =	dma.local @!p0 [hbm:s0], s1  }
0x1e7: {  	s0 =	simm.s32 @!p0 $0x11  }
0x1e8: {  	_ =	swait.ge @!p0 [sflag:s0], s1  }
0x1e9: {  	s1 =	ssub.s32 @!p0 $0x0, s1;
	[sflag:s0] =	ssyncset.done @!p0 $0x0  }
0x1ea: {  	[sflag:s0] =	ssyncadd.s32 @!p0 s1  }
0x1eb: {  	[bflag:$0x3] =	sbarrier.arrive $0xFFFF  }
0x1ec: {  	_ =	shalt  }

</sc_bundles>
